<compile_context>
chip_gen: v7x
topology: tpu7x:2x2x1
jax: 0.10.2.dev20260603
libtpu: 0.0.44.dev20260713+nightly
codegen_flags: <defaults>
</compile_context>

<pallas_src>
import functools

import jax
import jax.numpy as jnp
from jax import lax
from jax.experimental import pallas as pl
from jax.experimental.pallas import tpu as pltpu
from jax.experimental.pallas import tpu_sc as plsc


def _tc_expand_body(x_ref, o_ref):
    f32 = jnp.float32
    i0 = lax.broadcasted_iota(jnp.int32, (128, 2048), 0)
    i1 = lax.broadcasted_iota(jnp.int32, (128, 2048), 1)
    Q = (i0 == 8 * (i1 // 128) + (i1 % 128) // 16).astype(f32)
    x = x_ref[...].astype(f32)
    y = jnp.dot(x, Q, preferred_element_type=f32)
    o_ref[...] = y.astype(jnp.int32).reshape(o_ref.shape)


def _tc_expand(seq2d):
    R = seq2d.shape[0]
    return pl.pallas_call(
        _tc_expand_body,
        out_shape=jax.ShapeDtypeStruct((R * 16, 128), jnp.int32),
    )(seq2d)


def _make_sc_counter(n_total, num_cores, num_subcores):
    W = num_cores * num_subcores
    L = n_total // W
    mesh = plsc.VectorSubcoreMesh(core_axis_name="c", subcore_axis_name="s")

    H = L // 2

    @functools.partial(
        pl.kernel,
        mesh=mesh,
        out_type=jax.ShapeDtypeStruct((W * 256,), jnp.int32),
        scratch_types=[
            pltpu.VMEM((L * 16,), jnp.int32),
            pltpu.VMEM((256,), jnp.int32),
        ],
    )
    def sc_count(seq_hbm, out_hbm, seq_v, out_v):
        wid = lax.axis_index("s") * num_cores + lax.axis_index("c")
        pltpu.sync_copy(seq_hbm.at[pl.ds(wid * (L * 16), L * 16)], seq_v)

        iota = lax.iota(jnp.int32, 16)
        zero = jnp.zeros((16,), jnp.int32)
        one = jnp.ones((16,), jnp.int32)
        mcol = iota & 3
        mrow = iota >> 2

        def step(st, c):
            n1r, n2, n30, n31, n32, s2 = st
            s2 = s2 + n2
            n30 = n30 + jnp.where(c == 0, n2, zero)
            n31 = n31 + jnp.where(c == 1, n2, zero)
            n32 = n32 + jnp.where(c == 2, n2, zero)
            n2 = n2 + jnp.where(c == mcol, n1r, zero)
            n1r = n1r + jnp.where(c == mrow, one, zero)
            return (n1r, n2, n30, n31, n32, s2)

        def body(i, carry):
            stA, stB = carry[:6], carry[6:]
            base = i * 16 * 16
            for u in range(16):
                stA = step(stA, seq_v[pl.ds(base + u * 16, 16)])
                stB = step(stB, seq_v[pl.ds(base + u * 16 + H * 16, 16)])
            return stA + stB

        st = lax.fori_loop(0, H // 16, body, (zero,) * 12)

        for half in range(2):
            n1r, n2, n30, n31, n32, s2 = st[half * 6:half * 6 + 6]
            o = half * 128
            out_v[pl.ds(o + 0, 16)] = n1r
            out_v[pl.ds(o + 16, 16)] = n2
            out_v[pl.ds(o + 32, 16)] = n30
            out_v[pl.ds(o + 48, 16)] = n31
            out_v[pl.ds(o + 64, 16)] = n32
            out_v[pl.ds(o + 80, 16)] = s2 - n30 - n31 - n32
            out_v[pl.ds(o + 96, 16)] = zero
            out_v[pl.ds(o + 112, 16)] = zero
        pltpu.sync_copy(out_v, out_hbm.at[pl.ds(wid * 256, 256)])

    return sc_count, 2 * W


def _tc_finalize_body(W, n_total,
                      p_ref, h_ref, s_ref, gs_ref,
                      cs_ref, dw_ref, cp_ref, o_ref):
    f32 = jnp.float32
    dot = functools.partial(jnp.dot, preferred_element_type=f32,
                            precision=lax.Precision.HIGHEST)

    Pf = p_ref[...].astype(f32)
    i160 = lax.broadcasted_iota(jnp.int32, (16, 4), 0)
    i161 = lax.broadcasted_iota(jnp.int32, (16, 4), 1)
    SEL = (i160 == i161 * 4).astype(f32)
    N1b = dot(Pf[:, 0:16], SEL)
    N2b = Pf[:, 16:32]
    N3b = Pf[:, 32:96]

    iw0 = lax.broadcasted_iota(jnp.int32, (W, W), 0)
    iw1 = lax.broadcasted_iota(jnp.int32, (W, W), 1)
    Lstrict = (iw1 < iw0).astype(f32)

    N1pre = dot(Lstrict, N1b)

    i40 = lax.broadcasted_iota(jnp.int32, (4, 16), 0)
    i41 = lax.broadcasted_iota(jnp.int32, (4, 16), 1)
    E4 = (i41 // 4 == i40).astype(f32)
    F4 = (i41 % 4 == i40).astype(f32)
    N1pre16 = dot(N1pre, E4)
    N1b16 = dot(N1b, F4)
    S2b = N2b + N1pre16 * N1b16
    N2pre = dot(Lstrict, S2b)

    ia0 = lax.broadcasted_iota(jnp.int32, (4, 64), 0)
    ia1 = lax.broadcasted_iota(jnp.int32, (4, 64), 1)
    E16 = (ia1 // 16 == ia0).astype(f32)
    ig0 = lax.broadcasted_iota(jnp.int32, (16, 64), 0)
    ig1 = lax.broadcasted_iota(jnp.int32, (16, 64), 1)
    Etile = (ig1 % 16 == ig0).astype(f32)

    ones_w = jnp.ones((1, W), f32)
    A64 = dot(ones_w, N3b)
    Bflat = dot(ones_w, dot(N1b, E16) * dot(N2pre, Etile))
    ABflat = A64 + Bflat
    Cflat = dot(ones_w, dot(N1pre, E16) * dot(N2b, Etile))

    f0 = lax.broadcasted_iota(jnp.int32, (64, 64), 0)
    d1 = lax.broadcasted_iota(jnp.int32, (64, 64), 1)

    def cell_matrix(aa, bb, cc):
        sh = jnp.zeros((64, 64), jnp.int32)
        wv = jnp.ones((64, 64), f32)
        for k in range(4):
            sh = sh + jnp.where(aa == k, h_ref[0, k], 0)
            sh = sh + jnp.where(bb == k, h_ref[1, k], 0)
            sh = sh + jnp.where(cc == k, h_ref[2, k], 0)
            wv = wv * jnp.where(aa == k, s_ref[0, k], 1.0)
            wv = wv * jnp.where(bb == k, s_ref[1, k], 1.0)
            wv = wv * jnp.where(cc == k, s_ref[2, k], 1.0)
        return (sh % 64 == d1).astype(f32) * wv

    M_AB = cell_matrix((f0 // 4) % 4, f0 % 4, f0 // 16)
    M_C = cell_matrix(f0 // 16, (f0 // 4) % 4, f0 % 4)
    sk = dot(ABflat, M_AB) + dot(Cflat, M_C)

    N1tot = dot(ones_w, N1b)
    probs = N1tot / float(n_total)
    scaling = 0.9 + 0.2 * jnp.sum(probs * cs_ref[...])
    nrm = jnp.sqrt(jnp.sum(sk * sk))
    base = sk / (nrm + 1e-8)
    out = base * gs_ref[0, 0] * scaling * dw_ref[...]
    out = out + 0.1 * dot(probs, cp_ref[...])
    o_ref[...] = out


def _tc_finalize(W, n_total, p, h_i, s_f, gs, cs, dw, cp):
    smem = pl.BlockSpec(memory_space=pltpu.SMEM)
    vmem = pl.BlockSpec(memory_space=pltpu.VMEM)
    return pl.pallas_call(
        functools.partial(_tc_finalize_body, W, n_total),
        out_shape=jax.ShapeDtypeStruct((1, 64), jnp.float32),
        in_specs=[vmem, smem, smem, smem, vmem, vmem, vmem],
    )(p, h_i, s_f, gs, cs, dw, cp)


def kernel(sequence, h, s, global_scale, char_scales, dim_weights,
           char_perturbations):
    n_total = sequence.shape[0]
    info = plsc.get_sparse_core_info()
    sc_count, W = _make_sc_counter(n_total, info.num_cores, info.num_subcores)

    seq2d = sequence.astype(jnp.int32).reshape(n_total // 128, 128)
    seq_exp = _tc_expand(seq2d).reshape(n_total * 16)
    partials = sc_count(seq_exp).reshape(W, 128)

    out = _tc_finalize(
        W, n_total, partials,
        h.astype(jnp.int32), s.astype(jnp.float32),
        jnp.reshape(global_scale, (1, 1)).astype(jnp.float32),
        jnp.reshape(char_scales, (1, 4)).astype(jnp.float32),
        jnp.reshape(dim_weights, (1, 64)).astype(jnp.float32),
        char_perturbations.astype(jnp.float32),
    )
    return out.reshape(64)

# --- scband reference (transcript-rebuilt; emitter-appended) ---
"""Pipeline reference for scband-working-learnable-tensor-sketch-21818433864280 (READ-ONLY COPY).

The authoritative reference and input builder live on the scoring server;
editing this copy changes nothing except your own understanding.
"""

import jax, jax.numpy as jnp
import numpy as np

ALPHABET = 4
D = 64
T_LEN = 3
N = 32768


def setup_inputs(seed: int = 0) -> dict:
    key = jax.random.key(seed)
    ks = jax.random.split(key, 8)
    sequence = jax.random.randint(ks[0], (N,), 0, ALPHABET)
    # baseline tensor-sketch hash/sign tables (buffers)
    h = jax.random.randint(ks[1], (T_LEN, ALPHABET), 0, D)
    s = 2.0 * jax.random.randint(ks[2], (T_LEN, ALPHABET), 0, 2).astype(jnp.float32) - 1.0
    # learnable params, init per _init_minimal_learnable_parameters
    global_scale = jnp.asarray(1.2, dtype=jnp.float32)
    char_scales = 1.0 + 0.05 * jax.random.normal(ks[3], (ALPHABET,), dtype=jnp.float32)
    dim_weights = 1.0 + 0.05 * jax.random.normal(ks[4], (D,), dtype=jnp.float32)
    char_perturbations = 0.01 * jax.random.normal(ks[5], (ALPHABET, D), dtype=jnp.float32)
    return {
        "sequence": sequence,
        "h": h,
        "s": s,
        "global_scale": global_scale,
        "char_scales": char_scales,
        "dim_weights": dim_weights,
        "char_perturbations": char_perturbations,
    }


def _baseline_tensor_sketch(sequence, h, s):
    # canonical subsequence tensor sketch DP (Joudaki et al.):
    # T_p <- T_p + s_p(c) * roll(T_{p-1}, h_p(c)) for p = t..1, T_0 = e_0
    init = jnp.zeros((T_LEN + 1, D), dtype=jnp.float32).at[0, 0].set(1.0)
    idx = jnp.arange(D)

    def step(T, c):
        for p in range(T_LEN, 0, -1):
            shift = h[p - 1, c]
            rolled = jnp.take(T[p - 1], (idx - shift) % D)
            T = T.at[p].add(s[p - 1, c] * rolled)
        return T, None

    Tfin, _ = jax.lax.scan(step, init, sequence)
    sk = Tfin[T_LEN]
    return sk / (jnp.linalg.norm(sk) + 1e-8)


def reference(sequence, h, s, global_scale, char_scales, dim_weights, char_perturbations):
    baseline = _baseline_tensor_sketch(sequence, h, s)
    enhanced = baseline * global_scale
    enhanced = enhanced * dim_weights
    # character-frequency scaling
    counts = jnp.bincount(sequence, length=ALPHABET).astype(jnp.float32)
    probs = counts / float(N)
    scaling = 0.9 + 0.2 * jnp.sum(probs * char_scales)
    enhanced = enhanced * scaling
    # character-based perturbation: mean over sequence of char_perturbations[c], * 0.1
    perturbation = (probs @ char_perturbations) * 0.1
    return enhanced + perturbation

if __name__ == "__main__":
    import jax
    _d = setup_inputs()
    print(jax.jit(kernel)(*tuple(_d.values())))

</pallas_src>

<mosaic_0001>
#map = affine_map<(d0, d1) -> (0)>
module attributes {stable_mosaic.version = 14 : i64} {
  func.func @sc_count(%arg0: i32, %arg1: i32, %arg2: memref<524288xi32, #tpu.memory_space<hbm>>, %arg3: memref<8192xi32, #tpu.memory_space<hbm>>, %arg4: memref<16384xi32, #tpu.memory_space<vmem>>, %arg5: memref<256xi32, #tpu.memory_space<vmem>>) attributes {dimension_semantics = [#tpu.dimension_semantics<core_parallel>, #tpu.dimension_semantics<subcore_parallel>], iteration_bounds = array<i64: 2, 16>, scalar_prefetch = 0 : i64, scratch_operands = 2 : i64, tpu.core_type = #tpu.core_type<sc_vector_subcore>, window_params = [{transform_indices = #map}, {transform_indices = #map}]} {
    %mul3A = arith.constant 2 : i32
    %mul3A_0 = arith.muli %arg1, %mul3A : i32
    %add3A = arith.addi %mul3A_0, %arg0 : i32
    %mul3A_1 = arith.constant 16384 : i32
    %mul3A_2 = arith.muli %add3A, %mul3A_1 : i32
    "tpu.region"() ({
      %run_scoped3A = tpu.sem_alloc : memref<!tpu.dma_semaphore, #tpu.memory_space<semaphore_mem>>
      %dma_start3A = tpu.memref_slice %arg2[%mul3A_2] : memref<524288xi32, #tpu.memory_space<hbm>> -> memref<16384xi32, #tpu.memory_space<hbm>>
      %dma_start3A_85 = tpu.memref_slice %arg2[%mul3A_2] : memref<524288xi32, #tpu.memory_space<hbm>> -> memref<16384xi32, #tpu.memory_space<hbm>>
      tpu.enqueue_dma source(%dma_start3A_85 : memref<16384xi32, #tpu.memory_space<hbm>>) target(%arg4 : memref<16384xi32, #tpu.memory_space<vmem>>) target_semaphore(%run_scoped3A : memref<!tpu.dma_semaphore, #tpu.memory_space<semaphore_mem>>)
      %dma_wait3A = tpu.memref_slice %arg2[%mul3A_2] : memref<524288xi32, #tpu.memory_space<hbm>> -> memref<16384xi32, #tpu.memory_space<hbm>>
      %dma_wait3A_86 = tpu.memref_slice %arg2[%mul3A_2] : memref<524288xi32, #tpu.memory_space<hbm>> -> memref<16384xi32, #tpu.memory_space<hbm>>
      tpu.wait_dma2 semaphore(%run_scoped3A : memref<!tpu.dma_semaphore, #tpu.memory_space<semaphore_mem>>) src(%dma_wait3A_86 : memref<16384xi32, #tpu.memory_space<hbm>>) dst(%arg4 : memref<16384xi32, #tpu.memory_space<vmem>>)
      tpu.yield
    }) : () -> ()
    %iota3A = tpu.iota {dimensions = array<i32: 0>} : vector<16xi32>
    %broadcast_in_dim3A = arith.constant 0 : i32
    %broadcast_in_dim3A_3 = vector.broadcast %broadcast_in_dim3A : i32 to vector<16xi32>
    %broadcast_in_dim3A_4 = arith.constant 1 : i32
    %broadcast_in_dim3A_5 = vector.broadcast %broadcast_in_dim3A_4 : i32 to vector<16xi32>
    %and3A = arith.constant 3 : i32
    %and3A_6 = vector.broadcast %and3A : i32 to vector<16xi32>
    %and3A_7 = arith.andi %iota3A, %and3A_6 : vector<16xi32>
    %shift_right_arithmetic3A = arith.constant 2 : i32
    %shift_right_arithmetic3A_8 = vector.broadcast %shift_right_arithmetic3A : i32 to vector<16xi32>
    %shift_right_arithmetic3A_9 = arith.shrsi %iota3A, %shift_right_arithmetic3A_8 : vector<16xi32>
    %scan3A = arith.constant 0 : i32
    %scan3A_10 = arith.constant 32 : i32
    %scan3A_11 = arith.addi %scan3A, %scan3A_10 : i32
    %scan3A_12 = arith.constant 1 : i32
    %scan3A_13:12 = scf.for %scan3A_85 = %scan3A to %scan3A_11 step %scan3A_12 iter_args(%scan3A_86 = %broadcast_in_dim3A_3, %scan3A_87 = %broadcast_in_dim3A_3, %scan3A_88 = %broadcast_in_dim3A_3, %scan3A_89 = %broadcast_in_dim3A_3, %scan3A_90 = %broadcast_in_dim3A_3, %scan3A_91 = %broadcast_in_dim3A_3, %scan3A_92 = %broadcast_in_dim3A_3, %scan3A_93 = %broadcast_in_dim3A_3, %scan3A_94 = %broadcast_in_dim3A_3, %scan3A_95 = %broadcast_in_dim3A_3, %scan3A_96 = %broadcast_in_dim3A_3, %scan3A_97 = %broadcast_in_dim3A_3) -> (vector<16xi32>, vector<16xi32>, vector<16xi32>, vector<16xi32>, vector<16xi32>, vector<16xi32>, vector<16xi32>, vector<16xi32>, vector<16xi32>, vector<16xi32>, vector<16xi32>, vector<16xi32>)  : i32 {
      %mul3A_98 = arith.constant 16 : i32
      %mul3A_99 = arith.muli %scan3A_85, %mul3A_98 : i32
      %mul3A_100 = arith.constant 16 : i32
      %mul3A_101 = arith.muli %mul3A_99, %mul3A_100 : i32
      %add3A_102 = arith.constant 0 : i32
      %add3A_103 = arith.addi %mul3A_101, %add3A_102 : i32
      %get3A = arith.index_cast %add3A_103 : i32 to index
      %get3A_104 = tpu.vector_load %arg4[%get3A] {strides = array<i32>} : memref<16384xi32, #tpu.memory_space<vmem>>, vector<16xi32>,
      %get3A_105 = vector.shape_cast %get3A_104 : vector<16xi32> to vector<16xi32>
      %add3A_106 = arith.addi %scan3A_91, %scan3A_87 : vector<16xi32>
      %eq3A = arith.constant 0 : i32
      %eq3A_107 = vector.broadcast %eq3A : i32 to vector<16xi32>
      %eq3A_108 = arith.cmpi eq, %get3A_105, %eq3A_107 : vector<16xi32>
      %select_n3A = arith.select %eq3A_108, %scan3A_87, %broadcast_in_dim3A_3 : vector<16xi1>, vector<16xi32>
      %add3A_109 = arith.addi %scan3A_88, %select_n3A : vector<16xi32>
      %eq3A_110 = arith.constant 1 : i32
      %eq3A_111 = vector.broadcast %eq3A_110 : i32 to vector<16xi32>
      %eq3A_112 = arith.cmpi eq, %get3A_105, %eq3A_111 : vector<16xi32>
      %select_n3A_113 = arith.select %eq3A_112, %scan3A_87, %broadcast_in_dim3A_3 : vector<16xi1>, vector<16xi32>
      %add3A_114 = arith.addi %scan3A_89, %select_n3A_113 : vector<16xi32>
      %eq3A_115 = arith.constant 2 : i32
      %eq3A_116 = vector.broadcast %eq3A_115 : i32 to vector<16xi32>
      %eq3A_117 = arith.cmpi eq, %get3A_105, %eq3A_116 : vector<16xi32>
      %select_n3A_118 = arith.select %eq3A_117, %scan3A_87, %broadcast_in_dim3A_3 : vector<16xi1>, vector<16xi32>
      %add3A_119 = arith.addi %scan3A_90, %select_n3A_118 : vector<16xi32>
      %eq3A_120 = arith.cmpi eq, %get3A_105, %and3A_7 : vector<16xi32>
      %select_n3A_121 = arith.select %eq3A_120, %scan3A_86, %broadcast_in_dim3A_3 : vector<16xi1>, vector<16xi32>
      %add3A_122 = arith.addi %scan3A_87, %select_n3A_121 : vector<16xi32>
      %eq3A_123 = arith.cmpi eq, %get3A_105, %shift_right_arithmetic3A_9 : vector<16xi32>
      %select_n3A_124 = arith.select %eq3A_123, %broadcast_in_dim3A_5, %broadcast_in_dim3A_3 : vector<16xi1>, vector<16xi32>
      %add3A_125 = arith.addi %scan3A_86, %select_n3A_124 : vector<16xi32>
      %add3A_126 = arith.constant 0 : i32
      %add3A_127 = arith.addi %mul3A_101, %add3A_126 : i32
      %add3A_128 = arith.constant 8192 : i32
      %add3A_129 = arith.addi %add3A_127, %add3A_128 : i32
      %get3A_130 = arith.index_cast %add3A_129 : i32 to index
      %get3A_131 = tpu.vector_load %arg4[%get3A_130] {strides = array<i32>} : memref<16384xi32, #tpu.memory_space<vmem>>, vector<16xi32>,
      %get3A_132 = vector.shape_cast %get3A_131 : vector<16xi32> to vector<16xi32>
      %add3A_133 = arith.addi %scan3A_97, %scan3A_93 : vector<16xi32>
      %eq3A_134 = arith.constant 0 : i32
      %eq3A_135 = vector.broadcast %eq3A_134 : i32 to vector<16xi32>
      %eq3A_136 = arith.cmpi eq, %get3A_132, %eq3A_135 : vector<16xi32>
      %select_n3A_137 = arith.select %eq3A_136, %scan3A_93, %broadcast_in_dim3A_3 : vector<16xi1>, vector<16xi32>
      %add3A_138 = arith.addi %scan3A_94, %select_n3A_137 : vector<16xi32>
      %eq3A_139 = arith.constant 1 : i32
      %eq3A_140 = vector.broadcast %eq3A_139 : i32 to vector<16xi32>
      %eq3A_141 = arith.cmpi eq, %get3A_132, %eq3A_140 : vector<16xi32>
      %select_n3A_142 = arith.select %eq3A_141, %scan3A_93, %broadcast_in_dim3A_3 : vector<16xi1>, vector<16xi32>
      %add3A_143 = arith.addi %scan3A_95, %select_n3A_142 : vector<16xi32>
      %eq3A_144 = arith.constant 2 : i32
      %eq3A_145 = vector.broadcast %eq3A_144 : i32 to vector<16xi32>
      %eq3A_146 = arith.cmpi eq, %get3A_132, %eq3A_145 : vector<16xi32>
      %select_n3A_147 = arith.select %eq3A_146, %scan3A_93, %broadcast_in_dim3A_3 : vector<16xi1>, vector<16xi32>
      %add3A_148 = arith.addi %scan3A_96, %select_n3A_147 : vector<16xi32>
      %eq3A_149 = arith.cmpi eq, %get3A_132, %and3A_7 : vector<16xi32>
      %select_n3A_150 = arith.select %eq3A_149, %scan3A_92, %broadcast_in_dim3A_3 : vector<16xi1>, vector<16xi32>
      %add3A_151 = arith.addi %scan3A_93, %select_n3A_150 : vector<16xi32>
      %eq3A_152 = arith.cmpi eq, %get3A_132, %shift_right_arithmetic3A_9 : vector<16xi32>
      %select_n3A_153 = arith.select %eq3A_152, %broadcast_in_dim3A_5, %broadcast_in_dim3A_3 : vector<16xi1>, vector<16xi32>
      %add3A_154 = arith.addi %scan3A_92, %select_n3A_153 : vector<16xi32>
      %add3A_155 = arith.constant 16 : i32
      %add3A_156 = arith.addi %mul3A_101, %add3A_155 : i32
      %get3A_157 = arith.index_cast %add3A_156 : i32 to index
      %get3A_158 = tpu.vector_load %arg4[%get3A_157] {strides = array<i32>} : memref<16384xi32, #tpu.memory_space<vmem>>, vector<16xi32>,
      %get3A_159 = vector.shape_cast %get3A_158 : vector<16xi32> to vector<16xi32>
      %add3A_160 = arith.addi %add3A_106, %add3A_122 : vector<16xi32>
      %eq3A_161 = arith.constant 0 : i32
      %eq3A_162 = vector.broadcast %eq3A_161 : i32 to vector<16xi32>
      %eq3A_163 = arith.cmpi eq, %get3A_159, %eq3A_162 : vector<16xi32>
      %select_n3A_164 = arith.select %eq3A_163, %add3A_122, %broadcast_in_dim3A_3 : vector<16xi1>, vector<16xi32>
      %add3A_165 = arith.addi %add3A_109, %select_n3A_164 : vector<16xi32>
      %eq3A_166 = arith.constant 1 : i32
      %eq3A_167 = vector.broadcast %eq3A_166 : i32 to vector<16xi32>
      %eq3A_168 = arith.cmpi eq, %get3A_159, %eq3A_167 : vector<16xi32>
      %select_n3A_169 = arith.select %eq3A_168, %add3A_122, %broadcast_in_dim3A_3 : vector<16xi1>, vector<16xi32>
      %add3A_170 = arith.addi %add3A_114, %select_n3A_169 : vector<16xi32>
      %eq3A_171 = arith.constant 2 : i32
      %eq3A_172 = vector.broadcast %eq3A_171 : i32 to vector<16xi32>
      %eq3A_173 = arith.cmpi eq, %get3A_159, %eq3A_172 : vector<16xi32>
      %select_n3A_174 = arith.select %eq3A_173, %add3A_122, %broadcast_in_dim3A_3 : vector<16xi1>, vector<16xi32>
      %add3A_175 = arith.addi %add3A_119, %select_n3A_174 : vector<16xi32>
      %eq3A_176 = arith.cmpi eq, %get3A_159, %and3A_7 : vector<16xi32>
      %select_n3A_177 = arith.select %eq3A_176, %add3A_125, %broadcast_in_dim3A_3 : vector<16xi1>, vector<16xi32>
      %add3A_178 = arith.addi %add3A_122, %select_n3A_177 : vector<16xi32>
      %eq3A_179 = arith.cmpi eq, %get3A_159, %shift_right_arithmetic3A_9 : vector<16xi32>
      %select_n3A_180 = arith.select %eq3A_179, %broadcast_in_dim3A_5, %broadcast_in_dim3A_3 : vector<16xi1>, vector<16xi32>
      %add3A_181 = arith.addi %add3A_125, %select_n3A_180 : vector<16xi32>
      %add3A_182 = arith.constant 16 : i32
      %add3A_183 = arith.addi %mul3A_101, %add3A_182 : i32
      %add3A_184 = arith.constant 8192 : i32
      %add3A_185 = arith.addi %add3A_183, %add3A_184 : i32
      %get3A_186 = arith.index_cast %add3A_185 : i32 to index
      %get3A_187 = tpu.vector_load %arg4[%get3A_186] {strides = array<i32>} : memref<16384xi32, #tpu.memory_space<vmem>>, vector<16xi32>,
      %get3A_188 = vector.shape_cast %get3A_187 : vector<16xi32> to vector<16xi32>
      %add3A_189 = arith.addi %add3A_133, %add3A_151 : vector<16xi32>
      %eq3A_190 = arith.constant 0 : i32
      %eq3A_191 = vector.broadcast %eq3A_190 : i32 to vector<16xi32>
      %eq3A_192 = arith.cmpi eq, %get3A_188, %eq3A_191 : vector<16xi32>
      %select_n3A_193 = arith.select %eq3A_192, %add3A_151, %broadcast_in_dim3A_3 : vector<16xi1>, vector<16xi32>
      %add3A_194 = arith.addi %add3A_138, %select_n3A_193 : vector<16xi32>
      %eq3A_195 = arith.constant 1 : i32
      %eq3A_196 = vector.broadcast %eq3A_195 : i32 to vector<16xi32>
      %eq3A_197 = arith.cmpi eq, %get3A_188, %eq3A_196 : vector<16xi32>
      %select_n3A_198 = arith.select %eq3A_197, %add3A_151, %broadcast_in_dim3A_3 : vector<16xi1>, vector<16xi32>
      %add3A_199 = arith.addi %add3A_143, %select_n3A_198 : vector<16xi32>
      %eq3A_200 = arith.constant 2 : i32
      %eq3A_201 = vector.broadcast %eq3A_200 : i32 to vector<16xi32>
      %eq3A_202 = arith.cmpi eq, %get3A_188, %eq3A_201 : vector<16xi32>
      %select_n3A_203 = arith.select %eq3A_202, %add3A_151, %broadcast_in_dim3A_3 : vector<16xi1>, vector<16xi32>
      %add3A_204 = arith.addi %add3A_148, %select_n3A_203 : vector<16xi32>
      %eq3A_205 = arith.cmpi eq, %get3A_188, %and3A_7 : vector<16xi32>
      %select_n3A_206 = arith.select %eq3A_205, %add3A_154, %broadcast_in_dim3A_3 : vector<16xi1>, vector<16xi32>
      %add3A_207 = arith.addi %add3A_151, %select_n3A_206 : vector<16xi32>
      %eq3A_208 = arith.cmpi eq, %get3A_188, %shift_right_arithmetic3A_9 : vector<16xi32>
      %select_n3A_209 = arith.select %eq3A_208, %broadcast_in_dim3A_5, %broadcast_in_dim3A_3 : vector<16xi1>, vector<16xi32>
      %add3A_210 = arith.addi %add3A_154, %select_n3A_209 : vector<16xi32>
      %add3A_211 = arith.constant 32 : i32
      %add3A_212 = arith.addi %mul3A_101, %add3A_211 : i32
      %get3A_213 = arith.index_cast %add3A_212 : i32 to index
      %get3A_214 = tpu.vector_load %arg4[%get3A_213] {strides = array<i32>} : memref<16384xi32, #tpu.memory_space<vmem>>, vector<16xi32>,
      %get3A_215 = vector.shape_cast %get3A_214 : vector<16xi32> to vector<16xi32>
      %add3A_216 = arith.addi %add3A_160, %add3A_178 : vector<16xi32>
      %eq3A_217 = arith.constant 0 : i32
      %eq3A_218 = vector.broadcast %eq3A_217 : i32 to vector<16xi32>
      %eq3A_219 = arith.cmpi eq, %get3A_215, %eq3A_218 : vector<16xi32>
      %select_n3A_220 = arith.select %eq3A_219, %add3A_178, %broadcast_in_dim3A_3 : vector<16xi1>, vector<16xi32>
      %add3A_221 = arith.addi %add3A_165, %select_n3A_220 : vector<16xi32>
      %eq3A_222 = arith.constant 1 : i32
      %eq3A_223 = vector.broadcast %eq3A_222 : i32 to vector<16xi32>
      %eq3A_224 = arith.cmpi eq, %get3A_215, %eq3A_223 : vector<16xi32>
      %select_n3A_225 = arith.select %eq3A_224, %add3A_178, %broadcast_in_dim3A_3 : vector<16xi1>, vector<16xi32>
      %add3A_226 = arith.addi %add3A_170, %select_n3A_225 : vector<16xi32>
      %eq3A_227 = arith.constant 2 : i32
      %eq3A_228 = vector.broadcast %eq3A_227 : i32 to vector<16xi32>
      %eq3A_229 = arith.cmpi eq, %get3A_215, %eq3A_228 : vector<16xi32>
      %select_n3A_230 = arith.select %eq3A_229, %add3A_178, %broadcast_in_dim3A_3 : vector<16xi1>, vector<16xi32>
      %add3A_231 = arith.addi %add3A_175, %select_n3A_230 : vector<16xi32>
      %eq3A_232 = arith.cmpi eq, %get3A_215, %and3A_7 : vector<16xi32>
      %select_n3A_233 = arith.select %eq3A_232, %add3A_181, %broadcast_in_dim3A_3 : vector<16xi1>, vector<16xi32>
      %add3A_234 = arith.addi %add3A_178, %select_n3A_233 : vector<16xi32>
      %eq3A_235 = arith.cmpi eq, %get3A_215, %shift_right_arithmetic3A_9 : vector<16xi32>
      %select_n3A_236 = arith.select %eq3A_235, %broadcast_in_dim3A_5, %broadcast_in_dim3A_3 : vector<16xi1>, vector<16xi32>
      %add3A_237 = arith.addi %add3A_181, %select_n3A_236 : vector<16xi32>
      %add3A_238 = arith.constant 32 : i32
      %add3A_239 = arith.addi %mul3A_101, %add3A_238 : i32
      %add3A_240 = arith.constant 8192 : i32
      %add3A_241 = arith.addi %add3A_239, %add3A_240 : i32
      %get3A_242 = arith.index_cast %add3A_241 : i32 to index
      %get3A_243 = tpu.vector_load %arg4[%get3A_242] {strides = array<i32>} : memref<16384xi32, #tpu.memory_space<vmem>>, vector<16xi32>,
      %get3A_244 = vector.shape_cast %get3A_243 : vector<16xi32> to vector<16xi32>
      %add3A_245 = arith.addi %add3A_189, %add3A_207 : vector<16xi32>
      %eq3A_246 = arith.constant 0 : i32
      %eq3A_247 = vector.broadcast %eq3A_246 : i32 to vector<16xi32>
      %eq3A_248 = arith.cmpi eq, %get3A_244, %eq3A_247 : vector<16xi32>
      %select_n3A_249 = arith.select %eq3A_248, %add3A_207, %broadcast_in_dim3A_3 : vector<16xi1>, vector<16xi32>
      %add3A_250 = arith.addi %add3A_194, %select_n3A_249 : vector<16xi32>
      %eq3A_251 = arith.constant 1 : i32
      %eq3A_252 = vector.broadcast %eq3A_251 : i32 to vector<16xi32>
      %eq3A_253 = arith.cmpi eq, %get3A_244, %eq3A_252 : vector<16xi32>
      %select_n3A_254 = arith.select %eq3A_253, %add3A_207, %broadcast_in_dim3A_3 : vector<16xi1>, vector<16xi32>
      %add3A_255 = arith.addi %add3A_199, %select_n3A_254 : vector<16xi32>
      %eq3A_256 = arith.constant 2 : i32
      %eq3A_257 = vector.broadcast %eq3A_256 : i32 to vector<16xi32>
      %eq3A_258 = arith.cmpi eq, %get3A_244, %eq3A_257 : vector<16xi32>
      %select_n3A_259 = arith.select %eq3A_258, %add3A_207, %broadcast_in_dim3A_3 : vector<16xi1>, vector<16xi32>
      %add3A_260 = arith.addi %add3A_204, %select_n3A_259 : vector<16xi32>
      %eq3A_261 = arith.cmpi eq, %get3A_244, %and3A_7 : vector<16xi32>
      %select_n3A_262 = arith.select %eq3A_261, %add3A_210, %broadcast_in_dim3A_3 : vector<16xi1>, vector<16xi32>
      %add3A_263 = arith.addi %add3A_207, %select_n3A_262 : vector<16xi32>
      %eq3A_264 = arith.cmpi eq, %get3A_244, %shift_right_arithmetic3A_9 : vector<16xi32>
      %select_n3A_265 = arith.select %eq3A_264, %broadcast_in_dim3A_5, %broadcast_in_dim3A_3 : vector<16xi1>, vector<16xi32>
      %add3A_266 = arith.addi %add3A_210, %select_n3A_265 : vector<16xi32>
      %add3A_267 = arith.constant 48 : i32
      %add3A_268 = arith.addi %mul3A_101, %add3A_267 : i32
      %get3A_269 = arith.index_cast %add3A_268 : i32 to index
      %get3A_270 = tpu.vector_load %arg4[%get3A_269] {strides = array<i32>} : memref<16384xi32, #tpu.memory_space<vmem>>, vector<16xi32>,
      %get3A_271 = vector.shape_cast %get3A_270 : vector<16xi32> to vector<16xi32>
      %add3A_272 = arith.addi %add3A_216, %add3A_234 : vector<16xi32>
      %eq3A_273 = arith.constant 0 : i32
      %eq3A_274 = vector.broadcast %eq3A_273 : i32 to vector<16xi32>
      %eq3A_275 = arith.cmpi eq, %get3A_271, %eq3A_274 : vector<16xi32>
      %select_n3A_276 = arith.select %eq3A_275, %add3A_234, %broadcast_in_dim3A_3 : vector<16xi1>, vector<16xi32>
      %add3A_277 = arith.addi %add3A_221, %select_n3A_276 : vector<16xi32>
      %eq3A_278 = arith.constant 1 : i32
      %eq3A_279 = vector.broadcast %eq3A_278 : i32 to vector<16xi32>
      %eq3A_280 = arith.cmpi eq, %get3A_271, %eq3A_279 : vector<16xi32>
      %select_n3A_281 = arith.select %eq3A_280, %add3A_234, %broadcast_in_dim3A_3 : vector<16xi1>, vector<16xi32>
      %add3A_282 = arith.addi %add3A_226, %select_n3A_281 : vector<16xi32>
      %eq3A_283 = arith.constant 2 : i32
      %eq3A_284 = vector.broadcast %eq3A_283 : i32 to vector<16xi32>
      %eq3A_285 = arith.cmpi eq, %get3A_271, %eq3A_284 : vector<16xi32>
      %select_n3A_286 = arith.select %eq3A_285, %add3A_234, %broadcast_in_dim3A_3 : vector<16xi1>, vector<16xi32>
      %add3A_287 = arith.addi %add3A_231, %select_n3A_286 : vector<16xi32>
      %eq3A_288 = arith.cmpi eq, %get3A_271, %and3A_7 : vector<16xi32>
      %select_n3A_289 = arith.select %eq3A_288, %add3A_237, %broadcast_in_dim3A_3 : vector<16xi1>, vector<16xi32>
      %add3A_290 = arith.addi %add3A_234, %select_n3A_289 : vector<16xi32>
      %eq3A_291 = arith.cmpi eq, %get3A_271, %shift_right_arithmetic3A_9 : vector<16xi32>
      %select_n3A_292 = arith.select %eq3A_291, %broadcast_in_dim3A_5, %broadcast_in_dim3A_3 : vector<16xi1>, vector<16xi32>
      %add3A_293 = arith.addi %add3A_237, %select_n3A_292 : vector<16xi32>
      %add3A_294 = arith.constant 48 : i32
      %add3A_295 = arith.addi %mul3A_101, %add3A_294 : i32
      %add3A_296 = arith.constant 8192 : i32
      %add3A_297 = arith.addi %add3A_295, %add3A_296 : i32
      %get3A_298 = arith.index_cast %add3A_297 : i32 to index
      %get3A_299 = tpu.vector_load %arg4[%get3A_298] {strides = array<i32>} : memref<16384xi32, #tpu.memory_space<vmem>>, vector<16xi32>,
      %get3A_300 = vector.shape_cast %get3A_299 : vector<16xi32> to vector<16xi32>
      %add3A_301 = arith.addi %add3A_245, %add3A_263 : vector<16xi32>
      %eq3A_302 = arith.constant 0 : i32
      %eq3A_303 = vector.broadcast %eq3A_302 : i32 to vector<16xi32>
      %eq3A_304 = arith.cmpi eq, %get3A_300, %eq3A_303 : vector<16xi32>
      %select_n3A_305 = arith.select %eq3A_304, %add3A_263, %broadcast_in_dim3A_3 : vector<16xi1>, vector<16xi32>
      %add3A_306 = arith.addi %add3A_250, %select_n3A_305 : vector<16xi32>
      %eq3A_307 = arith.constant 1 : i32
      %eq3A_308 = vector.broadcast %eq3A_307 : i32 to vector<16xi32>
      %eq3A_309 = arith.cmpi eq, %get3A_300, %eq3A_308 : vector<16xi32>
      %select_n3A_310 = arith.select %eq3A_309, %add3A_263, %broadcast_in_dim3A_3 : vector<16xi1>, vector<16xi32>
      %add3A_311 = arith.addi %add3A_255, %select_n3A_310 : vector<16xi32>
      %eq3A_312 = arith.constant 2 : i32
      %eq3A_313 = vector.broadcast %eq3A_312 : i32 to vector<16xi32>
      %eq3A_314 = arith.cmpi eq, %get3A_300, %eq3A_313 : vector<16xi32>
      %select_n3A_315 = arith.select %eq3A_314, %add3A_263, %broadcast_in_dim3A_3 : vector<16xi1>, vector<16xi32>
      %add3A_316 = arith.addi %add3A_260, %select_n3A_315 : vector<16xi32>
      %eq3A_317 = arith.cmpi eq, %get3A_300, %and3A_7 : vector<16xi32>
      %select_n3A_318 = arith.select %eq3A_317, %add3A_266, %broadcast_in_dim3A_3 : vector<16xi1>, vector<16xi32>
      %add3A_319 = arith.addi %add3A_263, %select_n3A_318 : vector<16xi32>
      %eq3A_320 = arith.cmpi eq, %get3A_300, %shift_right_arithmetic3A_9 : vector<16xi32>
      %select_n3A_321 = arith.select %eq3A_320, %broadcast_in_dim3A_5, %broadcast_in_dim3A_3 : vector<16xi1>, vector<16xi32>
      %add3A_322 = arith.addi %add3A_266, %select_n3A_321 : vector<16xi32>
      %add3A_323 = arith.constant 64 : i32
      %add3A_324 = arith.addi %mul3A_101, %add3A_323 : i32
      %get3A_325 = arith.index_cast %add3A_324 : i32 to index
      %get3A_326 = tpu.vector_load %arg4[%get3A_325] {strides = array<i32>} : memref<16384xi32, #tpu.memory_space<vmem>>, vector<16xi32>,
      %get3A_327 = vector.shape_cast %get3A_326 : vector<16xi32> to vector<16xi32>
      %add3A_328 = arith.addi %add3A_272, %add3A_290 : vector<16xi32>
      %eq3A_329 = arith.constant 0 : i32
      %eq3A_330 = vector.broadcast %eq3A_329 : i32 to vector<16xi32>
      %eq3A_331 = arith.cmpi eq, %get3A_327, %eq3A_330 : vector<16xi32>
      %select_n3A_332 = arith.select %eq3A_331, %add3A_290, %broadcast_in_dim3A_3 : vector<16xi1>, vector<16xi32>
      %add3A_333 = arith.addi %add3A_277, %select_n3A_332 : vector<16xi32>
      %eq3A_334 = arith.constant 1 : i32
      %eq3A_335 = vector.broadcast %eq3A_334 : i32 to vector<16xi32>
      %eq3A_336 = arith.cmpi eq, %get3A_327, %eq3A_335 : vector<16xi32>
      %select_n3A_337 = arith.select %eq3A_336, %add3A_290, %broadcast_in_dim3A_3 : vector<16xi1>, vector<16xi32>
      %add3A_338 = arith.addi %add3A_282, %select_n3A_337 : vector<16xi32>
      %eq3A_339 = arith.constant 2 : i32
      %eq3A_340 = vector.broadcast %eq3A_339 : i32 to vector<16xi32>
      %eq3A_341 = arith.cmpi eq, %get3A_327, %eq3A_340 : vector<16xi32>
      %select_n3A_342 = arith.select %eq3A_341, %add3A_290, %broadcast_in_dim3A_3 : vector<16xi1>, vector<16xi32>
      %add3A_343 = arith.addi %add3A_287, %select_n3A_342 : vector<16xi32>
      %eq3A_344 = arith.cmpi eq, %get3A_327, %and3A_7 : vector<16xi32>
      %select_n3A_345 = arith.select %eq3A_344, %add3A_293, %broadcast_in_dim3A_3 : vector<16xi1>, vector<16xi32>
      %add3A_346 = arith.addi %add3A_290, %select_n3A_345 : vector<16xi32>
      %eq3A_347 = arith.cmpi eq, %get3A_327, %shift_right_arithmetic3A_9 : vector<16xi32>
      %select_n3A_348 = arith.select %eq3A_347, %broadcast_in_dim3A_5, %broadcast_in_dim3A_3 : vector<16xi1>, vector<16xi32>
      %add3A_349 = arith.addi %add3A_293, %select_n3A_348 : vector<16xi32>
      %add3A_350 = arith.constant 64 : i32
      %add3A_351 = arith.addi %mul3A_101, %add3A_350 : i32
      %add3A_352 = arith.constant 8192 : i32
      %add3A_353 = arith.addi %add3A_351, %add3A_352 : i32
      %get3A_354 = arith.index_cast %add3A_353 : i32 to index
      %get3A_355 = tpu.vector_load %arg4[%get3A_354] {strides = array<i32>} : memref<16384xi32, #tpu.memory_space<vmem>>, vector<16xi32>,
      %get3A_356 = vector.shape_cast %get3A_355 : vector<16xi32> to vector<16xi32>
      %add3A_357 = arith.addi %add3A_301, %add3A_319 : vector<16xi32>
      %eq3A_358 = arith.constant 0 : i32
      %eq3A_359 = vector.broadcast %eq3A_358 : i32 to vector<16xi32>
      %eq3A_360 = arith.cmpi eq, %get3A_356, %eq3A_359 : vector<16xi32>
      %select_n3A_361 = arith.select %eq3A_360, %add3A_319, %broadcast_in_dim3A_3 : vector<16xi1>, vector<16xi32>
      %add3A_362 = arith.addi %add3A_306, %select_n3A_361 : vector<16xi32>
      %eq3A_363 = arith.constant 1 : i32
      %eq3A_364 = vector.broadcast %eq3A_363 : i32 to vector<16xi32>
      %eq3A_365 = arith.cmpi eq, %get3A_356, %eq3A_364 : vector<16xi32>
      %select_n3A_366 = arith.select %eq3A_365, %add3A_319, %broadcast_in_dim3A_3 : vector<16xi1>, vector<16xi32>
      %add3A_367 = arith.addi %add3A_311, %select_n3A_366 : vector<16xi32>
      %eq3A_368 = arith.constant 2 : i32
      %eq3A_369 = vector.broadcast %eq3A_368 : i32 to vector<16xi32>
      %eq3A_370 = arith.cmpi eq, %get3A_356, %eq3A_369 : vector<16xi32>
      %select_n3A_371 = arith.select %eq3A_370, %add3A_319, %broadcast_in_dim3A_3 : vector<16xi1>, vector<16xi32>
      %add3A_372 = arith.addi %add3A_316, %select_n3A_371 : vector<16xi32>
      %eq3A_373 = arith.cmpi eq, %get3A_356, %and3A_7 : vector<16xi32>
      %select_n3A_374 = arith.select %eq3A_373, %add3A_322, %broadcast_in_dim3A_3 : vector<16xi1>, vector<16xi32>
      %add3A_375 = arith.addi %add3A_319, %select_n3A_374 : vector<16xi32>
      %eq3A_376 = arith.cmpi eq, %get3A_356, %shift_right_arithmetic3A_9 : vector<16xi32>
      %select_n3A_377 = arith.select %eq3A_376, %broadcast_in_dim3A_5, %broadcast_in_dim3A_3 : vector<16xi1>, vector<16xi32>
      %add3A_378 = arith.addi %add3A_322, %select_n3A_377 : vector<16xi32>
      %add3A_379 = arith.constant 80 : i32
      %add3A_380 = arith.addi %mul3A_101, %add3A_379 : i32
      %get3A_381 = arith.index_cast %add3A_380 : i32 to index
      %get3A_382 = tpu.vector_load %arg4[%get3A_381] {strides = array<i32>} : memref<16384xi32, #tpu.memory_space<vmem>>, vector<16xi32>,
      %get3A_383 = vector.shape_cast %get3A_382 : vector<16xi32> to vector<16xi32>
      %add3A_384 = arith.addi %add3A_328, %add3A_346 : vector<16xi32>
      %eq3A_385 = arith.constant 0 : i32
      %eq3A_386 = vector.broadcast %eq3A_385 : i32 to vector<16xi32>
      %eq3A_387 = arith.cmpi eq, %get3A_383, %eq3A_386 : vector<16xi32>
      %select_n3A_388 = arith.select %eq3A_387, %add3A_346, %broadcast_in_dim3A_3 : vector<16xi1>, vector<16xi32>
      %add3A_389 = arith.addi %add3A_333, %select_n3A_388 : vector<16xi32>
      %eq3A_390 = arith.constant 1 : i32
      %eq3A_391 = vector.broadcast %eq3A_390 : i32 to vector<16xi32>
      %eq3A_392 = arith.cmpi eq, %get3A_383, %eq3A_391 : vector<16xi32>
      %select_n3A_393 = arith.select %eq3A_392, %add3A_346, %broadcast_in_dim3A_3 : vector<16xi1>, vector<16xi32>
      %add3A_394 = arith.addi %add3A_338, %select_n3A_393 : vector<16xi32>
      %eq3A_395 = arith.constant 2 : i32
      %eq3A_396 = vector.broadcast %eq3A_395 : i32 to vector<16xi32>
      %eq3A_397 = arith.cmpi eq, %get3A_383, %eq3A_396 : vector<16xi32>
      %select_n3A_398 = arith.select %eq3A_397, %add3A_346, %broadcast_in_dim3A_3 : vector<16xi1>, vector<16xi32>
      %add3A_399 = arith.addi %add3A_343, %select_n3A_398 : vector<16xi32>
      %eq3A_400 = arith.cmpi eq, %get3A_383, %and3A_7 : vector<16xi32>
      %select_n3A_401 = arith.select %eq3A_400, %add3A_349, %broadcast_in_dim3A_3 : vector<16xi1>, vector<16xi32>
      %add3A_402 = arith.addi %add3A_346, %select_n3A_401 : vector<16xi32>
      %eq3A_403 = arith.cmpi eq, %get3A_383, %shift_right_arithmetic3A_9 : vector<16xi32>
      %select_n3A_404 = arith.select %eq3A_403, %broadcast_in_dim3A_5, %broadcast_in_dim3A_3 : vector<16xi1>, vector<16xi32>
      %add3A_405 = arith.addi %add3A_349, %select_n3A_404 : vector<16xi32>
      %add3A_406 = arith.constant 80 : i32
      %add3A_407 = arith.addi %mul3A_101, %add3A_406 : i32
      %add3A_408 = arith.constant 8192 : i32
      %add3A_409 = arith.addi %add3A_407, %add3A_408 : i32
      %get3A_410 = arith.index_cast %add3A_409 : i32 to index
      %get3A_411 = tpu.vector_load %arg4[%get3A_410] {strides = array<i32>} : memref<16384xi32, #tpu.memory_space<vmem>>, vector<16xi32>,
      %get3A_412 = vector.shape_cast %get3A_411 : vector<16xi32> to vector<16xi32>
      %add3A_413 = arith.addi %add3A_357, %add3A_375 : vector<16xi32>
      %eq3A_414 = arith.constant 0 : i32
      %eq3A_415 = vector.broadcast %eq3A_414 : i32 to vector<16xi32>
      %eq3A_416 = arith.cmpi eq, %get3A_412, %eq3A_415 : vector<16xi32>
      %select_n3A_417 = arith.select %eq3A_416, %add3A_375, %broadcast_in_dim3A_3 : vector<16xi1>, vector<16xi32>
      %add3A_418 = arith.addi %add3A_362, %select_n3A_417 : vector<16xi32>
      %eq3A_419 = arith.constant 1 : i32
      %eq3A_420 = vector.broadcast %eq3A_419 : i32 to vector<16xi32>
      %eq3A_421 = arith.cmpi eq, %get3A_412, %eq3A_420 : vector<16xi32>
      %select_n3A_422 = arith.select %eq3A_421, %add3A_375, %broadcast_in_dim3A_3 : vector<16xi1>, vector<16xi32>
      %add3A_423 = arith.addi %add3A_367, %select_n3A_422 : vector<16xi32>
      %eq3A_424 = arith.constant 2 : i32
      %eq3A_425 = vector.broadcast %eq3A_424 : i32 to vector<16xi32>
      %eq3A_426 = arith.cmpi eq, %get3A_412, %eq3A_425 : vector<16xi32>
      %select_n3A_427 = arith.select %eq3A_426, %add3A_375, %broadcast_in_dim3A_3 : vector<16xi1>, vector<16xi32>
      %add3A_428 = arith.addi %add3A_372, %select_n3A_427 : vector<16xi32>
      %eq3A_429 = arith.cmpi eq, %get3A_412, %and3A_7 : vector<16xi32>
      %select_n3A_430 = arith.select %eq3A_429, %add3A_378, %broadcast_in_dim3A_3 : vector<16xi1>, vector<16xi32>
      %add3A_431 = arith.addi %add3A_375, %select_n3A_430 : vector<16xi32>
      %eq3A_432 = arith.cmpi eq, %get3A_412, %shift_right_arithmetic3A_9 : vector<16xi32>
      %select_n3A_433 = arith.select %eq3A_432, %broadcast_in_dim3A_5, %broadcast_in_dim3A_3 : vector<16xi1>, vector<16xi32>
      %add3A_434 = arith.addi %add3A_378, %select_n3A_433 : vector<16xi32>
      %add3A_435 = arith.constant 96 : i32
      %add3A_436 = arith.addi %mul3A_101, %add3A_435 : i32
      %get3A_437 = arith.index_cast %add3A_436 : i32 to index
      %get3A_438 = tpu.vector_load %arg4[%get3A_437] {strides = array<i32>} : memref<16384xi32, #tpu.memory_space<vmem>>, vector<16xi32>,
      %get3A_439 = vector.shape_cast %get3A_438 : vector<16xi32> to vector<16xi32>
      %add3A_440 = arith.addi %add3A_384, %add3A_402 : vector<16xi32>
      %eq3A_441 = arith.constant 0 : i32
      %eq3A_442 = vector.broadcast %eq3A_441 : i32 to vector<16xi32>
      %eq3A_443 = arith.cmpi eq, %get3A_439, %eq3A_442 : vector<16xi32>
      %select_n3A_444 = arith.select %eq3A_443, %add3A_402, %broadcast_in_dim3A_3 : vector<16xi1>, vector<16xi32>
      %add3A_445 = arith.addi %add3A_389, %select_n3A_444 : vector<16xi32>
      %eq3A_446 = arith.constant 1 : i32
      %eq3A_447 = vector.broadcast %eq3A_446 : i32 to vector<16xi32>
      %eq3A_448 = arith.cmpi eq, %get3A_439, %eq3A_447 : vector<16xi32>
      %select_n3A_449 = arith.select %eq3A_448, %add3A_402, %broadcast_in_dim3A_3 : vector<16xi1>, vector<16xi32>
      %add3A_450 = arith.addi %add3A_394, %select_n3A_449 : vector<16xi32>
      %eq3A_451 = arith.constant 2 : i32
      %eq3A_452 = vector.broadcast %eq3A_451 : i32 to vector<16xi32>
      %eq3A_453 = arith.cmpi eq, %get3A_439, %eq3A_452 : vector<16xi32>
      %select_n3A_454 = arith.select %eq3A_453, %add3A_402, %broadcast_in_dim3A_3 : vector<16xi1>, vector<16xi32>
      %add3A_455 = arith.addi %add3A_399, %select_n3A_454 : vector<16xi32>
      %eq3A_456 = arith.cmpi eq, %get3A_439, %and3A_7 : vector<16xi32>
      %select_n3A_457 = arith.select %eq3A_456, %add3A_405, %broadcast_in_dim3A_3 : vector<16xi1>, vector<16xi32>
      %add3A_458 = arith.addi %add3A_402, %select_n3A_457 : vector<16xi32>
      %eq3A_459 = arith.cmpi eq, %get3A_439, %shift_right_arithmetic3A_9 : vector<16xi32>
      %select_n3A_460 = arith.select %eq3A_459, %broadcast_in_dim3A_5, %broadcast_in_dim3A_3 : vector<16xi1>, vector<16xi32>
      %add3A_461 = arith.addi %add3A_405, %select_n3A_460 : vector<16xi32>
      %add3A_462 = arith.constant 96 : i32
      %add3A_463 = arith.addi %mul3A_101, %add3A_462 : i32
      %add3A_464 = arith.constant 8192 : i32
      %add3A_465 = arith.addi %add3A_463, %add3A_464 : i32
      %get3A_466 = arith.index_cast %add3A_465 : i32 to index
      %get3A_467 = tpu.vector_load %arg4[%get3A_466] {strides = array<i32>} : memref<16384xi32, #tpu.memory_space<vmem>>, vector<16xi32>,
      %get3A_468 = vector.shape_cast %get3A_467 : vector<16xi32> to vector<16xi32>
      %add3A_469 = arith.addi %add3A_413, %add3A_431 : vector<16xi32>
      %eq3A_470 = arith.constant 0 : i32
      %eq3A_471 = vector.broadcast %eq3A_470 : i32 to vector<16xi32>
      %eq3A_472 = arith.cmpi eq, %get3A_468, %eq3A_471 : vector<16xi32>
      %select_n3A_473 = arith.select %eq3A_472, %add3A_431, %broadcast_in_dim3A_3 : vector<16xi1>, vector<16xi32>
      %add3A_474 = arith.addi %add3A_418, %select_n3A_473 : vector<16xi32>
      %eq3A_475 = arith.constant 1 : i32
      %eq3A_476 = vector.broadcast %eq3A_475 : i32 to vector<16xi32>
      %eq3A_477 = arith.cmpi eq, %get3A_468, %eq3A_476 : vector<16xi32>
      %select_n3A_478 = arith.select %eq3A_477, %add3A_431, %broadcast_in_dim3A_3 : vector<16xi1>, vector<16xi32>
      %add3A_479 = arith.addi %add3A_423, %select_n3A_478 : vector<16xi32>
      %eq3A_480 = arith.constant 2 : i32
      %eq3A_481 = vector.broadcast %eq3A_480 : i32 to vector<16xi32>
      %eq3A_482 = arith.cmpi eq, %get3A_468, %eq3A_481 : vector<16xi32>
      %select_n3A_483 = arith.select %eq3A_482, %add3A_431, %broadcast_in_dim3A_3 : vector<16xi1>, vector<16xi32>
      %add3A_484 = arith.addi %add3A_428, %select_n3A_483 : vector<16xi32>
      %eq3A_485 = arith.cmpi eq, %get3A_468, %and3A_7 : vector<16xi32>
      %select_n3A_486 = arith.select %eq3A_485, %add3A_434, %broadcast_in_dim3A_3 : vector<16xi1>, vector<16xi32>
      %add3A_487 = arith.addi %add3A_431, %select_n3A_486 : vector<16xi32>
      %eq3A_488 = arith.cmpi eq, %get3A_468, %shift_right_arithmetic3A_9 : vector<16xi32>
      %select_n3A_489 = arith.select %eq3A_488, %broadcast_in_dim3A_5, %broadcast_in_dim3A_3 : vector<16xi1>, vector<16xi32>
      %add3A_490 = arith.addi %add3A_434, %select_n3A_489 : vector<16xi32>
      %add3A_491 = arith.constant 112 : i32
      %add3A_492 = arith.addi %mul3A_101, %add3A_491 : i32
      %get3A_493 = arith.index_cast %add3A_492 : i32 to index
      %get3A_494 = tpu.vector_load %arg4[%get3A_493] {strides = array<i32>} : memref<16384xi32, #tpu.memory_space<vmem>>, vector<16xi32>,
      %get3A_495 = vector.shape_cast %get3A_494 : vector<16xi32> to vector<16xi32>
      %add3A_496 = arith.addi %add3A_440, %add3A_458 : vector<16xi32>
      %eq3A_497 = arith.constant 0 : i32
      %eq3A_498 = vector.broadcast %eq3A_497 : i32 to vector<16xi32>
      %eq3A_499 = arith.cmpi eq, %get3A_495, %eq3A_498 : vector<16xi32>
      %select_n3A_500 = arith.select %eq3A_499, %add3A_458, %broadcast_in_dim3A_3 : vector<16xi1>, vector<16xi32>
      %add3A_501 = arith.addi %add3A_445, %select_n3A_500 : vector<16xi32>
      %eq3A_502 = arith.constant 1 : i32
      %eq3A_503 = vector.broadcast %eq3A_502 : i32 to vector<16xi32>
      %eq3A_504 = arith.cmpi eq, %get3A_495, %eq3A_503 : vector<16xi32>
      %select_n3A_505 = arith.select %eq3A_504, %add3A_458, %broadcast_in_dim3A_3 : vector<16xi1>, vector<16xi32>
      %add3A_506 = arith.addi %add3A_450, %select_n3A_505 : vector<16xi32>
      %eq3A_507 = arith.constant 2 : i32
      %eq3A_508 = vector.broadcast %eq3A_507 : i32 to vector<16xi32>
      %eq3A_509 = arith.cmpi eq, %get3A_495, %eq3A_508 : vector<16xi32>
      %select_n3A_510 = arith.select %eq3A_509, %add3A_458, %broadcast_in_dim3A_3 : vector<16xi1>, vector<16xi32>
      %add3A_511 = arith.addi %add3A_455, %select_n3A_510 : vector<16xi32>
      %eq3A_512 = arith.cmpi eq, %get3A_495, %and3A_7 : vector<16xi32>
      %select_n3A_513 = arith.select %eq3A_512, %add3A_461, %broadcast_in_dim3A_3 : vector<16xi1>, vector<16xi32>
      %add3A_514 = arith.addi %add3A_458, %select_n3A_513 : vector<16xi32>
      %eq3A_515 = arith.cmpi eq, %get3A_495, %shift_right_arithmetic3A_9 : vector<16xi32>
      %select_n3A_516 = arith.select %eq3A_515, %broadcast_in_dim3A_5, %broadcast_in_dim3A_3 : vector<16xi1>, vector<16xi32>
      %add3A_517 = arith.addi %add3A_461, %select_n3A_516 : vector<16xi32>
      %add3A_518 = arith.constant 112 : i32
      %add3A_519 = arith.addi %mul3A_101, %add3A_518 : i32
      %add3A_520 = arith.constant 8192 : i32
      %add3A_521 = arith.addi %add3A_519, %add3A_520 : i32
      %get3A_522 = arith.index_cast %add3A_521 : i32 to index
      %get3A_523 = tpu.vector_load %arg4[%get3A_522] {strides = array<i32>} : memref<16384xi32, #tpu.memory_space<vmem>>, vector<16xi32>,
      %get3A_524 = vector.shape_cast %get3A_523 : vector<16xi32> to vector<16xi32>
      %add3A_525 = arith.addi %add3A_469, %add3A_487 : vector<16xi32>
      %eq3A_526 = arith.constant 0 : i32
      %eq3A_527 = vector.broadcast %eq3A_526 : i32 to vector<16xi32>
      %eq3A_528 = arith.cmpi eq, %get3A_524, %eq3A_527 : vector<16xi32>
      %select_n3A_529 = arith.select %eq3A_528, %add3A_487, %broadcast_in_dim3A_3 : vector<16xi1>, vector<16xi32>
      %add3A_530 = arith.addi %add3A_474, %select_n3A_529 : vector<16xi32>
      %eq3A_531 = arith.constant 1 : i32
      %eq3A_532 = vector.broadcast %eq3A_531 : i32 to vector<16xi32>
      %eq3A_533 = arith.cmpi eq, %get3A_524, %eq3A_532 : vector<16xi32>
      %select_n3A_534 = arith.select %eq3A_533, %add3A_487, %broadcast_in_dim3A_3 : vector<16xi1>, vector<16xi32>
      %add3A_535 = arith.addi %add3A_479, %select_n3A_534 : vector<16xi32>
      %eq3A_536 = arith.constant 2 : i32
      %eq3A_537 = vector.broadcast %eq3A_536 : i32 to vector<16xi32>
      %eq3A_538 = arith.cmpi eq, %get3A_524, %eq3A_537 : vector<16xi32>
      %select_n3A_539 = arith.select %eq3A_538, %add3A_487, %broadcast_in_dim3A_3 : vector<16xi1>, vector<16xi32>
      %add3A_540 = arith.addi %add3A_484, %select_n3A_539 : vector<16xi32>
      %eq3A_541 = arith.cmpi eq, %get3A_524, %and3A_7 : vector<16xi32>
      %select_n3A_542 = arith.select %eq3A_541, %add3A_490, %broadcast_in_dim3A_3 : vector<16xi1>, vector<16xi32>
      %add3A_543 = arith.addi %add3A_487, %select_n3A_542 : vector<16xi32>
      %eq3A_544 = arith.cmpi eq, %get3A_524, %shift_right_arithmetic3A_9 : vector<16xi32>
      %select_n3A_545 = arith.select %eq3A_544, %broadcast_in_dim3A_5, %broadcast_in_dim3A_3 : vector<16xi1>, vector<16xi32>
      %add3A_546 = arith.addi %add3A_490, %select_n3A_545 : vector<16xi32>
      %add3A_547 = arith.constant 128 : i32
      %add3A_548 = arith.addi %mul3A_101, %add3A_547 : i32
      %get3A_549 = arith.index_cast %add3A_548 : i32 to index
      %get3A_550 = tpu.vector_load %arg4[%get3A_549] {strides = array<i32>} : memref<16384xi32, #tpu.memory_space<vmem>>, vector<16xi32>,
      %get3A_551 = vector.shape_cast %get3A_550 : vector<16xi32> to vector<16xi32>
      %add3A_552 = arith.addi %add3A_496, %add3A_514 : vector<16xi32>
      %eq3A_553 = arith.constant 0 : i32
      %eq3A_554 = vector.broadcast %eq3A_553 : i32 to vector<16xi32>
      %eq3A_555 = arith.cmpi eq, %get3A_551, %eq3A_554 : vector<16xi32>
      %select_n3A_556 = arith.select %eq3A_555, %add3A_514, %broadcast_in_dim3A_3 : vector<16xi1>, vector<16xi32>
      %add3A_557 = arith.addi %add3A_501, %select_n3A_556 : vector<16xi32>
      %eq3A_558 = arith.constant 1 : i32
      %eq3A_559 = vector.broadcast %eq3A_558 : i32 to vector<16xi32>
      %eq3A_560 = arith.cmpi eq, %get3A_551, %eq3A_559 : vector<16xi32>
      %select_n3A_561 = arith.select %eq3A_560, %add3A_514, %broadcast_in_dim3A_3 : vector<16xi1>, vector<16xi32>
      %add3A_562 = arith.addi %add3A_506, %select_n3A_561 : vector<16xi32>
      %eq3A_563 = arith.constant 2 : i32
      %eq3A_564 = vector.broadcast %eq3A_563 : i32 to vector<16xi32>
      %eq3A_565 = arith.cmpi eq, %get3A_551, %eq3A_564 : vector<16xi32>
      %select_n3A_566 = arith.select %eq3A_565, %add3A_514, %broadcast_in_dim3A_3 : vector<16xi1>, vector<16xi32>
      %add3A_567 = arith.addi %add3A_511, %select_n3A_566 : vector<16xi32>
      %eq3A_568 = arith.cmpi eq, %get3A_551, %and3A_7 : vector<16xi32>
      %select_n3A_569 = arith.select %eq3A_568, %add3A_517, %broadcast_in_dim3A_3 : vector<16xi1>, vector<16xi32>
      %add3A_570 = arith.addi %add3A_514, %select_n3A_569 : vector<16xi32>
      %eq3A_571 = arith.cmpi eq, %get3A_551, %shift_right_arithmetic3A_9 : vector<16xi32>
      %select_n3A_572 = arith.select %eq3A_571, %broadcast_in_dim3A_5, %broadcast_in_dim3A_3 : vector<16xi1>, vector<16xi32>
      %add3A_573 = arith.addi %add3A_517, %select_n3A_572 : vector<16xi32>
      %add3A_574 = arith.constant 128 : i32
      %add3A_575 = arith.addi %mul3A_101, %add3A_574 : i32
      %add3A_576 = arith.constant 8192 : i32
      %add3A_577 = arith.addi %add3A_575, %add3A_576 : i32
      %get3A_578 = arith.index_cast %add3A_577 : i32 to index
      %get3A_579 = tpu.vector_load %arg4[%get3A_578] {strides = array<i32>} : memref<16384xi32, #tpu.memory_space<vmem>>, vector<16xi32>,
      %get3A_580 = vector.shape_cast %get3A_579 : vector<16xi32> to vector<16xi32>
      %add3A_581 = arith.addi %add3A_525, %add3A_543 : vector<16xi32>
      %eq3A_582 = arith.constant 0 : i32
      %eq3A_583 = vector.broadcast %eq3A_582 : i32 to vector<16xi32>
      %eq3A_584 = arith.cmpi eq, %get3A_580, %eq3A_583 : vector<16xi32>
      %select_n3A_585 = arith.select %eq3A_584, %add3A_543, %broadcast_in_dim3A_3 : vector<16xi1>, vector<16xi32>
      %add3A_586 = arith.addi %add3A_530, %select_n3A_585 : vector<16xi32>
      %eq3A_587 = arith.constant 1 : i32
      %eq3A_588 = vector.broadcast %eq3A_587 : i32 to vector<16xi32>
      %eq3A_589 = arith.cmpi eq, %get3A_580, %eq3A_588 : vector<16xi32>
      %select_n3A_590 = arith.select %eq3A_589, %add3A_543, %broadcast_in_dim3A_3 : vector<16xi1>, vector<16xi32>
      %add3A_591 = arith.addi %add3A_535, %select_n3A_590 : vector<16xi32>
      %eq3A_592 = arith.constant 2 : i32
      %eq3A_593 = vector.broadcast %eq3A_592 : i32 to vector<16xi32>
      %eq3A_594 = arith.cmpi eq, %get3A_580, %eq3A_593 : vector<16xi32>
      %select_n3A_595 = arith.select %eq3A_594, %add3A_543, %broadcast_in_dim3A_3 : vector<16xi1>, vector<16xi32>
      %add3A_596 = arith.addi %add3A_540, %select_n3A_595 : vector<16xi32>
      %eq3A_597 = arith.cmpi eq, %get3A_580, %and3A_7 : vector<16xi32>
      %select_n3A_598 = arith.select %eq3A_597, %add3A_546, %broadcast_in_dim3A_3 : vector<16xi1>, vector<16xi32>
      %add3A_599 = arith.addi %add3A_543, %select_n3A_598 : vector<16xi32>
      %eq3A_600 = arith.cmpi eq, %get3A_580, %shift_right_arithmetic3A_9 : vector<16xi32>
      %select_n3A_601 = arith.select %eq3A_600, %broadcast_in_dim3A_5, %broadcast_in_dim3A_3 : vector<16xi1>, vector<16xi32>
      %add3A_602 = arith.addi %add3A_546, %select_n3A_601 : vector<16xi32>
      %add3A_603 = arith.constant 144 : i32
      %add3A_604 = arith.addi %mul3A_101, %add3A_603 : i32
      %get3A_605 = arith.index_cast %add3A_604 : i32 to index
      %get3A_606 = tpu.vector_load %arg4[%get3A_605] {strides = array<i32>} : memref<16384xi32, #tpu.memory_space<vmem>>, vector<16xi32>,
      %get3A_607 = vector.shape_cast %get3A_606 : vector<16xi32> to vector<16xi32>
      %add3A_608 = arith.addi %add3A_552, %add3A_570 : vector<16xi32>
      %eq3A_609 = arith.constant 0 : i32
      %eq3A_610 = vector.broadcast %eq3A_609 : i32 to vector<16xi32>
      %eq3A_611 = arith.cmpi eq, %get3A_607, %eq3A_610 : vector<16xi32>
      %select_n3A_612 = arith.select %eq3A_611, %add3A_570, %broadcast_in_dim3A_3 : vector<16xi1>, vector<16xi32>
      %add3A_613 = arith.addi %add3A_557, %select_n3A_612 : vector<16xi32>
      %eq3A_614 = arith.constant 1 : i32
      %eq3A_615 = vector.broadcast %eq3A_614 : i32 to vector<16xi32>
      %eq3A_616 = arith.cmpi eq, %get3A_607, %eq3A_615 : vector<16xi32>
      %select_n3A_617 = arith.select %eq3A_616, %add3A_570, %broadcast_in_dim3A_3 : vector<16xi1>, vector<16xi32>
      %add3A_618 = arith.addi %add3A_562, %select_n3A_617 : vector<16xi32>
      %eq3A_619 = arith.constant 2 : i32
      %eq3A_620 = vector.broadcast %eq3A_619 : i32 to vector<16xi32>
      %eq3A_621 = arith.cmpi eq, %get3A_607, %eq3A_620 : vector<16xi32>
      %select_n3A_622 = arith.select %eq3A_621, %add3A_570, %broadcast_in_dim3A_3 : vector<16xi1>, vector<16xi32>
      %add3A_623 = arith.addi %add3A_567, %select_n3A_622 : vector<16xi32>
      %eq3A_624 = arith.cmpi eq, %get3A_607, %and3A_7 : vector<16xi32>
      %select_n3A_625 = arith.select %eq3A_624, %add3A_573, %broadcast_in_dim3A_3 : vector<16xi1>, vector<16xi32>
      %add3A_626 = arith.addi %add3A_570, %select_n3A_625 : vector<16xi32>
      %eq3A_627 = arith.cmpi eq, %get3A_607, %shift_right_arithmetic3A_9 : vector<16xi32>
      %select_n3A_628 = arith.select %eq3A_627, %broadcast_in_dim3A_5, %broadcast_in_dim3A_3 : vector<16xi1>, vector<16xi32>
      %add3A_629 = arith.addi %add3A_573, %select_n3A_628 : vector<16xi32>
      %add3A_630 = arith.constant 144 : i32
      %add3A_631 = arith.addi %mul3A_101, %add3A_630 : i32
      %add3A_632 = arith.constant 8192 : i32
      %add3A_633 = arith.addi %add3A_631, %add3A_632 : i32
      %get3A_634 = arith.index_cast %add3A_633 : i32 to index
      %get3A_635 = tpu.vector_load %arg4[%get3A_634] {strides = array<i32>} : memref<16384xi32, #tpu.memory_space<vmem>>, vector<16xi32>,
      %get3A_636 = vector.shape_cast %get3A_635 : vector<16xi32> to vector<16xi32>
      %add3A_637 = arith.addi %add3A_581, %add3A_599 : vector<16xi32>
      %eq3A_638 = arith.constant 0 : i32
      %eq3A_639 = vector.broadcast %eq3A_638 : i32 to vector<16xi32>
      %eq3A_640 = arith.cmpi eq, %get3A_636, %eq3A_639 : vector<16xi32>
      %select_n3A_641 = arith.select %eq3A_640, %add3A_599, %broadcast_in_dim3A_3 : vector<16xi1>, vector<16xi32>
      %add3A_642 = arith.addi %add3A_586, %select_n3A_641 : vector<16xi32>
      %eq3A_643 = arith.constant 1 : i32
      %eq3A_644 = vector.broadcast %eq3A_643 : i32 to vector<16xi32>
      %eq3A_645 = arith.cmpi eq, %get3A_636, %eq3A_644 : vector<16xi32>
      %select_n3A_646 = arith.select %eq3A_645, %add3A_599, %broadcast_in_dim3A_3 : vector<16xi1>, vector<16xi32>
      %add3A_647 = arith.addi %add3A_591, %select_n3A_646 : vector<16xi32>
      %eq3A_648 = arith.constant 2 : i32
      %eq3A_649 = vector.broadcast %eq3A_648 : i32 to vector<16xi32>
      %eq3A_650 = arith.cmpi eq, %get3A_636, %eq3A_649 : vector<16xi32>
      %select_n3A_651 = arith.select %eq3A_650, %add3A_599, %broadcast_in_dim3A_3 : vector<16xi1>, vector<16xi32>
      %add3A_652 = arith.addi %add3A_596, %select_n3A_651 : vector<16xi32>
      %eq3A_653 = arith.cmpi eq, %get3A_636, %and3A_7 : vector<16xi32>
      %select_n3A_654 = arith.select %eq3A_653, %add3A_602, %broadcast_in_dim3A_3 : vector<16xi1>, vector<16xi32>
      %add3A_655 = arith.addi %add3A_599, %select_n3A_654 : vector<16xi32>
      %eq3A_656 = arith.cmpi eq, %get3A_636, %shift_right_arithmetic3A_9 : vector<16xi32>
      %select_n3A_657 = arith.select %eq3A_656, %broadcast_in_dim3A_5, %broadcast_in_dim3A_3 : vector<16xi1>, vector<16xi32>
      %add3A_658 = arith.addi %add3A_602, %select_n3A_657 : vector<16xi32>
      %add3A_659 = arith.constant 160 : i32
      %add3A_660 = arith.addi %mul3A_101, %add3A_659 : i32
      %get3A_661 = arith.index_cast %add3A_660 : i32 to index
      %get3A_662 = tpu.vector_load %arg4[%get3A_661] {strides = array<i32>} : memref<16384xi32, #tpu.memory_space<vmem>>, vector<16xi32>,
      %get3A_663 = vector.shape_cast %get3A_662 : vector<16xi32> to vector<16xi32>
      %add3A_664 = arith.addi %add3A_608, %add3A_626 : vector<16xi32>
      %eq3A_665 = arith.constant 0 : i32
      %eq3A_666 = vector.broadcast %eq3A_665 : i32 to vector<16xi32>
      %eq3A_667 = arith.cmpi eq, %get3A_663, %eq3A_666 : vector<16xi32>
      %select_n3A_668 = arith.select %eq3A_667, %add3A_626, %broadcast_in_dim3A_3 : vector<16xi1>, vector<16xi32>
      %add3A_669 = arith.addi %add3A_613, %select_n3A_668 : vector<16xi32>
      %eq3A_670 = arith.constant 1 : i32
      %eq3A_671 = vector.broadcast %eq3A_670 : i32 to vector<16xi32>
      %eq3A_672 = arith.cmpi eq, %get3A_663, %eq3A_671 : vector<16xi32>
      %select_n3A_673 = arith.select %eq3A_672, %add3A_626, %broadcast_in_dim3A_3 : vector<16xi1>, vector<16xi32>
      %add3A_674 = arith.addi %add3A_618, %select_n3A_673 : vector<16xi32>
      %eq3A_675 = arith.constant 2 : i32
      %eq3A_676 = vector.broadcast %eq3A_675 : i32 to vector<16xi32>
      %eq3A_677 = arith.cmpi eq, %get3A_663, %eq3A_676 : vector<16xi32>
      %select_n3A_678 = arith.select %eq3A_677, %add3A_626, %broadcast_in_dim3A_3 : vector<16xi1>, vector<16xi32>
      %add3A_679 = arith.addi %add3A_623, %select_n3A_678 : vector<16xi32>
      %eq3A_680 = arith.cmpi eq, %get3A_663, %and3A_7 : vector<16xi32>
      %select_n3A_681 = arith.select %eq3A_680, %add3A_629, %broadcast_in_dim3A_3 : vector<16xi1>, vector<16xi32>
      %add3A_682 = arith.addi %add3A_626, %select_n3A_681 : vector<16xi32>
      %eq3A_683 = arith.cmpi eq, %get3A_663, %shift_right_arithmetic3A_9 : vector<16xi32>
      %select_n3A_684 = arith.select %eq3A_683, %broadcast_in_dim3A_5, %broadcast_in_dim3A_3 : vector<16xi1>, vector<16xi32>
      %add3A_685 = arith.addi %add3A_629, %select_n3A_684 : vector<16xi32>
      %add3A_686 = arith.constant 160 : i32
      %add3A_687 = arith.addi %mul3A_101, %add3A_686 : i32
      %add3A_688 = arith.constant 8192 : i32
      %add3A_689 = arith.addi %add3A_687, %add3A_688 : i32
      %get3A_690 = arith.index_cast %add3A_689 : i32 to index
      %get3A_691 = tpu.vector_load %arg4[%get3A_690] {strides = array<i32>} : memref<16384xi32, #tpu.memory_space<vmem>>, vector<16xi32>,
      %get3A_692 = vector.shape_cast %get3A_691 : vector<16xi32> to vector<16xi32>
      %add3A_693 = arith.addi %add3A_637, %add3A_655 : vector<16xi32>
      %eq3A_694 = arith.constant 0 : i32
      %eq3A_695 = vector.broadcast %eq3A_694 : i32 to vector<16xi32>
      %eq3A_696 = arith.cmpi eq, %get3A_692, %eq3A_695 : vector<16xi32>
      %select_n3A_697 = arith.select %eq3A_696, %add3A_655, %broadcast_in_dim3A_3 : vector<16xi1>, vector<16xi32>
      %add3A_698 = arith.addi %add3A_642, %select_n3A_697 : vector<16xi32>
      %eq3A_699 = arith.constant 1 : i32
      %eq3A_700 = vector.broadcast %eq3A_699 : i32 to vector<16xi32>
      %eq3A_701 = arith.cmpi eq, %get3A_692, %eq3A_700 : vector<16xi32>
      %select_n3A_702 = arith.select %eq3A_701, %add3A_655, %broadcast_in_dim3A_3 : vector<16xi1>, vector<16xi32>
      %add3A_703 = arith.addi %add3A_647, %select_n3A_702 : vector<16xi32>
      %eq3A_704 = arith.constant 2 : i32
      %eq3A_705 = vector.broadcast %eq3A_704 : i32 to vector<16xi32>
      %eq3A_706 = arith.cmpi eq, %get3A_692, %eq3A_705 : vector<16xi32>
      %select_n3A_707 = arith.select %eq3A_706, %add3A_655, %broadcast_in_dim3A_3 : vector<16xi1>, vector<16xi32>
      %add3A_708 = arith.addi %add3A_652, %select_n3A_707 : vector<16xi32>
      %eq3A_709 = arith.cmpi eq, %get3A_692, %and3A_7 : vector<16xi32>
      %select_n3A_710 = arith.select %eq3A_709, %add3A_658, %broadcast_in_dim3A_3 : vector<16xi1>, vector<16xi32>
      %add3A_711 = arith.addi %add3A_655, %select_n3A_710 : vector<16xi32>
      %eq3A_712 = arith.cmpi eq, %get3A_692, %shift_right_arithmetic3A_9 : vector<16xi32>
      %select_n3A_713 = arith.select %eq3A_712, %broadcast_in_dim3A_5, %broadcast_in_dim3A_3 : vector<16xi1>, vector<16xi32>
      %add3A_714 = arith.addi %add3A_658, %select_n3A_713 : vector<16xi32>
      %add3A_715 = arith.constant 176 : i32
      %add3A_716 = arith.addi %mul3A_101, %add3A_715 : i32
      %get3A_717 = arith.index_cast %add3A_716 : i32 to index
      %get3A_718 = tpu.vector_load %arg4[%get3A_717] {strides = array<i32>} : memref<16384xi32, #tpu.memory_space<vmem>>, vector<16xi32>,
      %get3A_719 = vector.shape_cast %get3A_718 : vector<16xi32> to vector<16xi32>
      %add3A_720 = arith.addi %add3A_664, %add3A_682 : vector<16xi32>
      %eq3A_721 = arith.constant 0 : i32
      %eq3A_722 = vector.broadcast %eq3A_721 : i32 to vector<16xi32>
      %eq3A_723 = arith.cmpi eq, %get3A_719, %eq3A_722 : vector<16xi32>
      %select_n3A_724 = arith.select %eq3A_723, %add3A_682, %broadcast_in_dim3A_3 : vector<16xi1>, vector<16xi32>
      %add3A_725 = arith.addi %add3A_669, %select_n3A_724 : vector<16xi32>
      %eq3A_726 = arith.constant 1 : i32
      %eq3A_727 = vector.broadcast %eq3A_726 : i32 to vector<16xi32>
      %eq3A_728 = arith.cmpi eq, %get3A_719, %eq3A_727 : vector<16xi32>
      %select_n3A_729 = arith.select %eq3A_728, %add3A_682, %broadcast_in_dim3A_3 : vector<16xi1>, vector<16xi32>
      %add3A_730 = arith.addi %add3A_674, %select_n3A_729 : vector<16xi32>
      %eq3A_731 = arith.constant 2 : i32
      %eq3A_732 = vector.broadcast %eq3A_731 : i32 to vector<16xi32>
      %eq3A_733 = arith.cmpi eq, %get3A_719, %eq3A_732 : vector<16xi32>
      %select_n3A_734 = arith.select %eq3A_733, %add3A_682, %broadcast_in_dim3A_3 : vector<16xi1>, vector<16xi32>
      %add3A_735 = arith.addi %add3A_679, %select_n3A_734 : vector<16xi32>
      %eq3A_736 = arith.cmpi eq, %get3A_719, %and3A_7 : vector<16xi32>
      %select_n3A_737 = arith.select %eq3A_736, %add3A_685, %broadcast_in_dim3A_3 : vector<16xi1>, vector<16xi32>
      %add3A_738 = arith.addi %add3A_682, %select_n3A_737 : vector<16xi32>
      %eq3A_739 = arith.cmpi eq, %get3A_719, %shift_right_arithmetic3A_9 : vector<16xi32>
      %select_n3A_740 = arith.select %eq3A_739, %broadcast_in_dim3A_5, %broadcast_in_dim3A_3 : vector<16xi1>, vector<16xi32>
      %add3A_741 = arith.addi %add3A_685, %select_n3A_740 : vector<16xi32>
      %add3A_742 = arith.constant 176 : i32
      %add3A_743 = arith.addi %mul3A_101, %add3A_742 : i32
      %add3A_744 = arith.constant 8192 : i32
      %add3A_745 = arith.addi %add3A_743, %add3A_744 : i32
      %get3A_746 = arith.index_cast %add3A_745 : i32 to index
      %get3A_747 = tpu.vector_load %arg4[%get3A_746] {strides = array<i32>} : memref<16384xi32, #tpu.memory_space<vmem>>, vector<16xi32>,
      %get3A_748 = vector.shape_cast %get3A_747 : vector<16xi32> to vector<16xi32>
      %add3A_749 = arith.addi %add3A_693, %add3A_711 : vector<16xi32>
      %eq3A_750 = arith.constant 0 : i32
      %eq3A_751 = vector.broadcast %eq3A_750 : i32 to vector<16xi32>
      %eq3A_752 = arith.cmpi eq, %get3A_748, %eq3A_751 : vector<16xi32>
      %select_n3A_753 = arith.select %eq3A_752, %add3A_711, %broadcast_in_dim3A_3 : vector<16xi1>, vector<16xi32>
      %add3A_754 = arith.addi %add3A_698, %select_n3A_753 : vector<16xi32>
      %eq3A_755 = arith.constant 1 : i32
      %eq3A_756 = vector.broadcast %eq3A_755 : i32 to vector<16xi32>
      %eq3A_757 = arith.cmpi eq, %get3A_748, %eq3A_756 : vector<16xi32>
      %select_n3A_758 = arith.select %eq3A_757, %add3A_711, %broadcast_in_dim3A_3 : vector<16xi1>, vector<16xi32>
      %add3A_759 = arith.addi %add3A_703, %select_n3A_758 : vector<16xi32>
      %eq3A_760 = arith.constant 2 : i32
      %eq3A_761 = vector.broadcast %eq3A_760 : i32 to vector<16xi32>
      %eq3A_762 = arith.cmpi eq, %get3A_748, %eq3A_761 : vector<16xi32>
      %select_n3A_763 = arith.select %eq3A_762, %add3A_711, %broadcast_in_dim3A_3 : vector<16xi1>, vector<16xi32>
      %add3A_764 = arith.addi %add3A_708, %select_n3A_763 : vector<16xi32>
      %eq3A_765 = arith.cmpi eq, %get3A_748, %and3A_7 : vector<16xi32>
      %select_n3A_766 = arith.select %eq3A_765, %add3A_714, %broadcast_in_dim3A_3 : vector<16xi1>, vector<16xi32>
      %add3A_767 = arith.addi %add3A_711, %select_n3A_766 : vector<16xi32>
      %eq3A_768 = arith.cmpi eq, %get3A_748, %shift_right_arithmetic3A_9 : vector<16xi32>
      %select_n3A_769 = arith.select %eq3A_768, %broadcast_in_dim3A_5, %broadcast_in_dim3A_3 : vector<16xi1>, vector<16xi32>
      %add3A_770 = arith.addi %add3A_714, %select_n3A_769 : vector<16xi32>
      %add3A_771 = arith.constant 192 : i32
      %add3A_772 = arith.addi %mul3A_101, %add3A_771 : i32
      %get3A_773 = arith.index_cast %add3A_772 : i32 to index
      %get3A_774 = tpu.vector_load %arg4[%get3A_773] {strides = array<i32>} : memref<16384xi32, #tpu.memory_space<vmem>>, vector<16xi32>,
      %get3A_775 = vector.shape_cast %get3A_774 : vector<16xi32> to vector<16xi32>
      %add3A_776 = arith.addi %add3A_720, %add3A_738 : vector<16xi32>
      %eq3A_777 = arith.constant 0 : i32
      %eq3A_778 = vector.broadcast %eq3A_777 : i32 to vector<16xi32>
      %eq3A_779 = arith.cmpi eq, %get3A_775, %eq3A_778 : vector<16xi32>
      %select_n3A_780 = arith.select %eq3A_779, %add3A_738, %broadcast_in_dim3A_3 : vector<16xi1>, vector<16xi32>
      %add3A_781 = arith.addi %add3A_725, %select_n3A_780 : vector<16xi32>
      %eq3A_782 = arith.constant 1 : i32
      %eq3A_783 = vector.broadcast %eq3A_782 : i32 to vector<16xi32>
      %eq3A_784 = arith.cmpi eq, %get3A_775, %eq3A_783 : vector<16xi32>
      %select_n3A_785 = arith.select %eq3A_784, %add3A_738, %broadcast_in_dim3A_3 : vector<16xi1>, vector<16xi32>
      %add3A_786 = arith.addi %add3A_730, %select_n3A_785 : vector<16xi32>
      %eq3A_787 = arith.constant 2 : i32
      %eq3A_788 = vector.broadcast %eq3A_787 : i32 to vector<16xi32>
      %eq3A_789 = arith.cmpi eq, %get3A_775, %eq3A_788 : vector<16xi32>
      %select_n3A_790 = arith.select %eq3A_789, %add3A_738, %broadcast_in_dim3A_3 : vector<16xi1>, vector<16xi32>
      %add3A_791 = arith.addi %add3A_735, %select_n3A_790 : vector<16xi32>
      %eq3A_792 = arith.cmpi eq, %get3A_775, %and3A_7 : vector<16xi32>
      %select_n3A_793 = arith.select %eq3A_792, %add3A_741, %broadcast_in_dim3A_3 : vector<16xi1>, vector<16xi32>
      %add3A_794 = arith.addi %add3A_738, %select_n3A_793 : vector<16xi32>
      %eq3A_795 = arith.cmpi eq, %get3A_775, %shift_right_arithmetic3A_9 : vector<16xi32>
      %select_n3A_796 = arith.select %eq3A_795, %broadcast_in_dim3A_5, %broadcast_in_dim3A_3 : vector<16xi1>, vector<16xi32>
      %add3A_797 = arith.addi %add3A_741, %select_n3A_796 : vector<16xi32>
      %add3A_798 = arith.constant 192 : i32
      %add3A_799 = arith.addi %mul3A_101, %add3A_798 : i32
      %add3A_800 = arith.constant 8192 : i32
      %add3A_801 = arith.addi %add3A_799, %add3A_800 : i32
      %get3A_802 = arith.index_cast %add3A_801 : i32 to index
      %get3A_803 = tpu.vector_load %arg4[%get3A_802] {strides = array<i32>} : memref<16384xi32, #tpu.memory_space<vmem>>, vector<16xi32>,
      %get3A_804 = vector.shape_cast %get3A_803 : vector<16xi32> to vector<16xi32>
      %add3A_805 = arith.addi %add3A_749, %add3A_767 : vector<16xi32>
      %eq3A_806 = arith.constant 0 : i32
      %eq3A_807 = vector.broadcast %eq3A_806 : i32 to vector<16xi32>
      %eq3A_808 = arith.cmpi eq, %get3A_804, %eq3A_807 : vector<16xi32>
      %select_n3A_809 = arith.select %eq3A_808, %add3A_767, %broadcast_in_dim3A_3 : vector<16xi1>, vector<16xi32>
      %add3A_810 = arith.addi %add3A_754, %select_n3A_809 : vector<16xi32>
      %eq3A_811 = arith.constant 1 : i32
      %eq3A_812 = vector.broadcast %eq3A_811 : i32 to vector<16xi32>
      %eq3A_813 = arith.cmpi eq, %get3A_804, %eq3A_812 : vector<16xi32>
      %select_n3A_814 = arith.select %eq3A_813, %add3A_767, %broadcast_in_dim3A_3 : vector<16xi1>, vector<16xi32>
      %add3A_815 = arith.addi %add3A_759, %select_n3A_814 : vector<16xi32>
      %eq3A_816 = arith.constant 2 : i32
      %eq3A_817 = vector.broadcast %eq3A_816 : i32 to vector<16xi32>
      %eq3A_818 = arith.cmpi eq, %get3A_804, %eq3A_817 : vector<16xi32>
      %select_n3A_819 = arith.select %eq3A_818, %add3A_767, %broadcast_in_dim3A_3 : vector<16xi1>, vector<16xi32>
      %add3A_820 = arith.addi %add3A_764, %select_n3A_819 : vector<16xi32>
      %eq3A_821 = arith.cmpi eq, %get3A_804, %and3A_7 : vector<16xi32>
      %select_n3A_822 = arith.select %eq3A_821, %add3A_770, %broadcast_in_dim3A_3 : vector<16xi1>, vector<16xi32>
      %add3A_823 = arith.addi %add3A_767, %select_n3A_822 : vector<16xi32>
      %eq3A_824 = arith.cmpi eq, %get3A_804, %shift_right_arithmetic3A_9 : vector<16xi32>
      %select_n3A_825 = arith.select %eq3A_824, %broadcast_in_dim3A_5, %broadcast_in_dim3A_3 : vector<16xi1>, vector<16xi32>
      %add3A_826 = arith.addi %add3A_770, %select_n3A_825 : vector<16xi32>
      %add3A_827 = arith.constant 208 : i32
      %add3A_828 = arith.addi %mul3A_101, %add3A_827 : i32
      %get3A_829 = arith.index_cast %add3A_828 : i32 to index
      %get3A_830 = tpu.vector_load %arg4[%get3A_829] {strides = array<i32>} : memref<16384xi32, #tpu.memory_space<vmem>>, vector<16xi32>,
      %get3A_831 = vector.shape_cast %get3A_830 : vector<16xi32> to vector<16xi32>
      %add3A_832 = arith.addi %add3A_776, %add3A_794 : vector<16xi32>
      %eq3A_833 = arith.constant 0 : i32
      %eq3A_834 = vector.broadcast %eq3A_833 : i32 to vector<16xi32>
      %eq3A_835 = arith.cmpi eq, %get3A_831, %eq3A_834 : vector<16xi32>
      %select_n3A_836 = arith.select %eq3A_835, %add3A_794, %broadcast_in_dim3A_3 : vector<16xi1>, vector<16xi32>
      %add3A_837 = arith.addi %add3A_781, %select_n3A_836 : vector<16xi32>
      %eq3A_838 = arith.constant 1 : i32
      %eq3A_839 = vector.broadcast %eq3A_838 : i32 to vector<16xi32>
      %eq3A_840 = arith.cmpi eq, %get3A_831, %eq3A_839 : vector<16xi32>
      %select_n3A_841 = arith.select %eq3A_840, %add3A_794, %broadcast_in_dim3A_3 : vector<16xi1>, vector<16xi32>
      %add3A_842 = arith.addi %add3A_786, %select_n3A_841 : vector<16xi32>
      %eq3A_843 = arith.constant 2 : i32
      %eq3A_844 = vector.broadcast %eq3A_843 : i32 to vector<16xi32>
      %eq3A_845 = arith.cmpi eq, %get3A_831, %eq3A_844 : vector<16xi32>
      %select_n3A_846 = arith.select %eq3A_845, %add3A_794, %broadcast_in_dim3A_3 : vector<16xi1>, vector<16xi32>
      %add3A_847 = arith.addi %add3A_791, %select_n3A_846 : vector<16xi32>
      %eq3A_848 = arith.cmpi eq, %get3A_831, %and3A_7 : vector<16xi32>
      %select_n3A_849 = arith.select %eq3A_848, %add3A_797, %broadcast_in_dim3A_3 : vector<16xi1>, vector<16xi32>
      %add3A_850 = arith.addi %add3A_794, %select_n3A_849 : vector<16xi32>
      %eq3A_851 = arith.cmpi eq, %get3A_831, %shift_right_arithmetic3A_9 : vector<16xi32>
      %select_n3A_852 = arith.select %eq3A_851, %broadcast_in_dim3A_5, %broadcast_in_dim3A_3 : vector<16xi1>, vector<16xi32>
      %add3A_853 = arith.addi %add3A_797, %select_n3A_852 : vector<16xi32>
      %add3A_854 = arith.constant 208 : i32
      %add3A_855 = arith.addi %mul3A_101, %add3A_854 : i32
      %add3A_856 = arith.constant 8192 : i32
      %add3A_857 = arith.addi %add3A_855, %add3A_856 : i32
      %get3A_858 = arith.index_cast %add3A_857 : i32 to index
      %get3A_859 = tpu.vector_load %arg4[%get3A_858] {strides = array<i32>} : memref<16384xi32, #tpu.memory_space<vmem>>, vector<16xi32>,
      %get3A_860 = vector.shape_cast %get3A_859 : vector<16xi32> to vector<16xi32>
      %add3A_861 = arith.addi %add3A_805, %add3A_823 : vector<16xi32>
      %eq3A_862 = arith.constant 0 : i32
      %eq3A_863 = vector.broadcast %eq3A_862 : i32 to vector<16xi32>
      %eq3A_864 = arith.cmpi eq, %get3A_860, %eq3A_863 : vector<16xi32>
      %select_n3A_865 = arith.select %eq3A_864, %add3A_823, %broadcast_in_dim3A_3 : vector<16xi1>, vector<16xi32>
      %add3A_866 = arith.addi %add3A_810, %select_n3A_865 : vector<16xi32>
      %eq3A_867 = arith.constant 1 : i32
      %eq3A_868 = vector.broadcast %eq3A_867 : i32 to vector<16xi32>
      %eq3A_869 = arith.cmpi eq, %get3A_860, %eq3A_868 : vector<16xi32>
      %select_n3A_870 = arith.select %eq3A_869, %add3A_823, %broadcast_in_dim3A_3 : vector<16xi1>, vector<16xi32>
      %add3A_871 = arith.addi %add3A_815, %select_n3A_870 : vector<16xi32>
      %eq3A_872 = arith.constant 2 : i32
      %eq3A_873 = vector.broadcast %eq3A_872 : i32 to vector<16xi32>
      %eq3A_874 = arith.cmpi eq, %get3A_860, %eq3A_873 : vector<16xi32>
      %select_n3A_875 = arith.select %eq3A_874, %add3A_823, %broadcast_in_dim3A_3 : vector<16xi1>, vector<16xi32>
      %add3A_876 = arith.addi %add3A_820, %select_n3A_875 : vector<16xi32>
      %eq3A_877 = arith.cmpi eq, %get3A_860, %and3A_7 : vector<16xi32>
      %select_n3A_878 = arith.select %eq3A_877, %add3A_826, %broadcast_in_dim3A_3 : vector<16xi1>, vector<16xi32>
      %add3A_879 = arith.addi %add3A_823, %select_n3A_878 : vector<16xi32>
      %eq3A_880 = arith.cmpi eq, %get3A_860, %shift_right_arithmetic3A_9 : vector<16xi32>
      %select_n3A_881 = arith.select %eq3A_880, %broadcast_in_dim3A_5, %broadcast_in_dim3A_3 : vector<16xi1>, vector<16xi32>
      %add3A_882 = arith.addi %add3A_826, %select_n3A_881 : vector<16xi32>
      %add3A_883 = arith.constant 224 : i32
      %add3A_884 = arith.addi %mul3A_101, %add3A_883 : i32
      %get3A_885 = arith.index_cast %add3A_884 : i32 to index
      %get3A_886 = tpu.vector_load %arg4[%get3A_885] {strides = array<i32>} : memref<16384xi32, #tpu.memory_space<vmem>>, vector<16xi32>,
      %get3A_887 = vector.shape_cast %get3A_886 : vector<16xi32> to vector<16xi32>
      %add3A_888 = arith.addi %add3A_832, %add3A_850 : vector<16xi32>
      %eq3A_889 = arith.constant 0 : i32
      %eq3A_890 = vector.broadcast %eq3A_889 : i32 to vector<16xi32>
      %eq3A_891 = arith.cmpi eq, %get3A_887, %eq3A_890 : vector<16xi32>
      %select_n3A_892 = arith.select %eq3A_891, %add3A_850, %broadcast_in_dim3A_3 : vector<16xi1>, vector<16xi32>
      %add3A_893 = arith.addi %add3A_837, %select_n3A_892 : vector<16xi32>
      %eq3A_894 = arith.constant 1 : i32
      %eq3A_895 = vector.broadcast %eq3A_894 : i32 to vector<16xi32>
      %eq3A_896 = arith.cmpi eq, %get3A_887, %eq3A_895 : vector<16xi32>
      %select_n3A_897 = arith.select %eq3A_896, %add3A_850, %broadcast_in_dim3A_3 : vector<16xi1>, vector<16xi32>
      %add3A_898 = arith.addi %add3A_842, %select_n3A_897 : vector<16xi32>
      %eq3A_899 = arith.constant 2 : i32
      %eq3A_900 = vector.broadcast %eq3A_899 : i32 to vector<16xi32>
      %eq3A_901 = arith.cmpi eq, %get3A_887, %eq3A_900 : vector<16xi32>
      %select_n3A_902 = arith.select %eq3A_901, %add3A_850, %broadcast_in_dim3A_3 : vector<16xi1>, vector<16xi32>
      %add3A_903 = arith.addi %add3A_847, %select_n3A_902 : vector<16xi32>
      %eq3A_904 = arith.cmpi eq, %get3A_887, %and3A_7 : vector<16xi32>
      %select_n3A_905 = arith.select %eq3A_904, %add3A_853, %broadcast_in_dim3A_3 : vector<16xi1>, vector<16xi32>
      %add3A_906 = arith.addi %add3A_850, %select_n3A_905 : vector<16xi32>
      %eq3A_907 = arith.cmpi eq, %get3A_887, %shift_right_arithmetic3A_9 : vector<16xi32>
      %select_n3A_908 = arith.select %eq3A_907, %broadcast_in_dim3A_5, %broadcast_in_dim3A_3 : vector<16xi1>, vector<16xi32>
      %add3A_909 = arith.addi %add3A_853, %select_n3A_908 : vector<16xi32>
      %add3A_910 = arith.constant 224 : i32
      %add3A_911 = arith.addi %mul3A_101, %add3A_910 : i32
      %add3A_912 = arith.constant 8192 : i32
      %add3A_913 = arith.addi %add3A_911, %add3A_912 : i32
      %get3A_914 = arith.index_cast %add3A_913 : i32 to index
      %get3A_915 = tpu.vector_load %arg4[%get3A_914] {strides = array<i32>} : memref<16384xi32, #tpu.memory_space<vmem>>, vector<16xi32>,
      %get3A_916 = vector.shape_cast %get3A_915 : vector<16xi32> to vector<16xi32>
      %add3A_917 = arith.addi %add3A_861, %add3A_879 : vector<16xi32>
      %eq3A_918 = arith.constant 0 : i32
      %eq3A_919 = vector.broadcast %eq3A_918 : i32 to vector<16xi32>
      %eq3A_920 = arith.cmpi eq, %get3A_916, %eq3A_919 : vector<16xi32>
      %select_n3A_921 = arith.select %eq3A_920, %add3A_879, %broadcast_in_dim3A_3 : vector<16xi1>, vector<16xi32>
      %add3A_922 = arith.addi %add3A_866, %select_n3A_921 : vector<16xi32>
      %eq3A_923 = arith.constant 1 : i32
      %eq3A_924 = vector.broadcast %eq3A_923 : i32 to vector<16xi32>
      %eq3A_925 = arith.cmpi eq, %get3A_916, %eq3A_924 : vector<16xi32>
      %select_n3A_926 = arith.select %eq3A_925, %add3A_879, %broadcast_in_dim3A_3 : vector<16xi1>, vector<16xi32>
      %add3A_927 = arith.addi %add3A_871, %select_n3A_926 : vector<16xi32>
      %eq3A_928 = arith.constant 2 : i32
      %eq3A_929 = vector.broadcast %eq3A_928 : i32 to vector<16xi32>
      %eq3A_930 = arith.cmpi eq, %get3A_916, %eq3A_929 : vector<16xi32>
      %select_n3A_931 = arith.select %eq3A_930, %add3A_879, %broadcast_in_dim3A_3 : vector<16xi1>, vector<16xi32>
      %add3A_932 = arith.addi %add3A_876, %select_n3A_931 : vector<16xi32>
      %eq3A_933 = arith.cmpi eq, %get3A_916, %and3A_7 : vector<16xi32>
      %select_n3A_934 = arith.select %eq3A_933, %add3A_882, %broadcast_in_dim3A_3 : vector<16xi1>, vector<16xi32>
      %add3A_935 = arith.addi %add3A_879, %select_n3A_934 : vector<16xi32>
      %eq3A_936 = arith.cmpi eq, %get3A_916, %shift_right_arithmetic3A_9 : vector<16xi32>
      %select_n3A_937 = arith.select %eq3A_936, %broadcast_in_dim3A_5, %broadcast_in_dim3A_3 : vector<16xi1>, vector<16xi32>
      %add3A_938 = arith.addi %add3A_882, %select_n3A_937 : vector<16xi32>
      %add3A_939 = arith.constant 240 : i32
      %add3A_940 = arith.addi %mul3A_101, %add3A_939 : i32
      %get3A_941 = arith.index_cast %add3A_940 : i32 to index
      %get3A_942 = tpu.vector_load %arg4[%get3A_941] {strides = array<i32>} : memref<16384xi32, #tpu.memory_space<vmem>>, vector<16xi32>,
      %get3A_943 = vector.shape_cast %get3A_942 : vector<16xi32> to vector<16xi32>
      %add3A_944 = arith.addi %add3A_888, %add3A_906 : vector<16xi32>
      %eq3A_945 = arith.constant 0 : i32
      %eq3A_946 = vector.broadcast %eq3A_945 : i32 to vector<16xi32>
      %eq3A_947 = arith.cmpi eq, %get3A_943, %eq3A_946 : vector<16xi32>
      %select_n3A_948 = arith.select %eq3A_947, %add3A_906, %broadcast_in_dim3A_3 : vector<16xi1>, vector<16xi32>
      %add3A_949 = arith.addi %add3A_893, %select_n3A_948 : vector<16xi32>
      %eq3A_950 = arith.constant 1 : i32
      %eq3A_951 = vector.broadcast %eq3A_950 : i32 to vector<16xi32>
      %eq3A_952 = arith.cmpi eq, %get3A_943, %eq3A_951 : vector<16xi32>
      %select_n3A_953 = arith.select %eq3A_952, %add3A_906, %broadcast_in_dim3A_3 : vector<16xi1>, vector<16xi32>
      %add3A_954 = arith.addi %add3A_898, %select_n3A_953 : vector<16xi32>
      %eq3A_955 = arith.constant 2 : i32
      %eq3A_956 = vector.broadcast %eq3A_955 : i32 to vector<16xi32>
      %eq3A_957 = arith.cmpi eq, %get3A_943, %eq3A_956 : vector<16xi32>
      %select_n3A_958 = arith.select %eq3A_957, %add3A_906, %broadcast_in_dim3A_3 : vector<16xi1>, vector<16xi32>
      %add3A_959 = arith.addi %add3A_903, %select_n3A_958 : vector<16xi32>
      %eq3A_960 = arith.cmpi eq, %get3A_943, %and3A_7 : vector<16xi32>
      %select_n3A_961 = arith.select %eq3A_960, %add3A_909, %broadcast_in_dim3A_3 : vector<16xi1>, vector<16xi32>
      %add3A_962 = arith.addi %add3A_906, %select_n3A_961 : vector<16xi32>
      %eq3A_963 = arith.cmpi eq, %get3A_943, %shift_right_arithmetic3A_9 : vector<16xi32>
      %select_n3A_964 = arith.select %eq3A_963, %broadcast_in_dim3A_5, %broadcast_in_dim3A_3 : vector<16xi1>, vector<16xi32>
      %add3A_965 = arith.addi %add3A_909, %select_n3A_964 : vector<16xi32>
      %add3A_966 = arith.constant 240 : i32
      %add3A_967 = arith.addi %mul3A_101, %add3A_966 : i32
      %add3A_968 = arith.constant 8192 : i32
      %add3A_969 = arith.addi %add3A_967, %add3A_968 : i32
      %get3A_970 = arith.index_cast %add3A_969 : i32 to index
      %get3A_971 = tpu.vector_load %arg4[%get3A_970] {strides = array<i32>} : memref<16384xi32, #tpu.memory_space<vmem>>, vector<16xi32>,
      %get3A_972 = vector.shape_cast %get3A_971 : vector<16xi32> to vector<16xi32>
      %add3A_973 = arith.addi %add3A_917, %add3A_935 : vector<16xi32>
      %eq3A_974 = arith.constant 0 : i32
      %eq3A_975 = vector.broadcast %eq3A_974 : i32 to vector<16xi32>
      %eq3A_976 = arith.cmpi eq, %get3A_972, %eq3A_975 : vector<16xi32>
      %select_n3A_977 = arith.select %eq3A_976, %add3A_935, %broadcast_in_dim3A_3 : vector<16xi1>, vector<16xi32>
      %add3A_978 = arith.addi %add3A_922, %select_n3A_977 : vector<16xi32>
      %eq3A_979 = arith.constant 1 : i32
      %eq3A_980 = vector.broadcast %eq3A_979 : i32 to vector<16xi32>
      %eq3A_981 = arith.cmpi eq, %get3A_972, %eq3A_980 : vector<16xi32>
      %select_n3A_982 = arith.select %eq3A_981, %add3A_935, %broadcast_in_dim3A_3 : vector<16xi1>, vector<16xi32>
      %add3A_983 = arith.addi %add3A_927, %select_n3A_982 : vector<16xi32>
      %eq3A_984 = arith.constant 2 : i32
      %eq3A_985 = vector.broadcast %eq3A_984 : i32 to vector<16xi32>
      %eq3A_986 = arith.cmpi eq, %get3A_972, %eq3A_985 : vector<16xi32>
      %select_n3A_987 = arith.select %eq3A_986, %add3A_935, %broadcast_in_dim3A_3 : vector<16xi1>, vector<16xi32>
      %add3A_988 = arith.addi %add3A_932, %select_n3A_987 : vector<16xi32>
      %eq3A_989 = arith.cmpi eq, %get3A_972, %and3A_7 : vector<16xi32>
      %select_n3A_990 = arith.select %eq3A_989, %add3A_938, %broadcast_in_dim3A_3 : vector<16xi1>, vector<16xi32>
      %add3A_991 = arith.addi %add3A_935, %select_n3A_990 : vector<16xi32>
      %eq3A_992 = arith.cmpi eq, %get3A_972, %shift_right_arithmetic3A_9 : vector<16xi32>
      %select_n3A_993 = arith.select %eq3A_992, %broadcast_in_dim3A_5, %broadcast_in_dim3A_3 : vector<16xi1>, vector<16xi32>
      %add3A_994 = arith.addi %add3A_938, %select_n3A_993 : vector<16xi32>
      scf.yield %add3A_965, %add3A_962, %add3A_949, %add3A_954, %add3A_959, %add3A_944, %add3A_994, %add3A_991, %add3A_978, %add3A_983, %add3A_988, %add3A_973 : vector<16xi32>, vector<16xi32>, vector<16xi32>, vector<16xi32>, vector<16xi32>, vector<16xi32>, vector<16xi32>, vector<16xi32>, vector<16xi32>, vector<16xi32>, vector<16xi32>, vector<16xi32>
    }
    %scan3A_14 = arith.constant 32 : i32
    %swap3A = arith.constant 0 : index
    %swap3A_15 = tpu.vector_load %arg5[%swap3A] {strides = array<i32>} : memref<256xi32, #tpu.memory_space<vmem>>, vector<16xi32>,
    %swap3A_16 = vector.shape_cast %swap3A_15 : vector<16xi32> to vector<16xi32>
    %swap3A_17 = vector.shape_cast %scan3A_13#0 : vector<16xi32> to vector<16xi32>
    tpu.vector_store %arg5[%swap3A], %swap3A_17 {strides = array<i32>} : memref<256xi32, #tpu.memory_space<vmem>>, vector<16xi32>,
    %swap3A_18 = arith.constant 16 : index
    %swap3A_19 = tpu.vector_load %arg5[%swap3A_18] {strides = array<i32>} : memref<256xi32, #tpu.memory_space<vmem>>, vector<16xi32>,
    %swap3A_20 = vector.shape_cast %swap3A_19 : vector<16xi32> to vector<16xi32>
    %swap3A_21 = vector.shape_cast %scan3A_13#1 : vector<16xi32> to vector<16xi32>
    tpu.vector_store %arg5[%swap3A_18], %swap3A_21 {strides = array<i32>} : memref<256xi32, #tpu.memory_space<vmem>>, vector<16xi32>,
    %swap3A_22 = arith.constant 32 : index
    %swap3A_23 = tpu.vector_load %arg5[%swap3A_22] {strides = array<i32>} : memref<256xi32, #tpu.memory_space<vmem>>, vector<16xi32>,
    %swap3A_24 = vector.shape_cast %swap3A_23 : vector<16xi32> to vector<16xi32>
    %swap3A_25 = vector.shape_cast %scan3A_13#2 : vector<16xi32> to vector<16xi32>
    tpu.vector_store %arg5[%swap3A_22], %swap3A_25 {strides = array<i32>} : memref<256xi32, #tpu.memory_space<vmem>>, vector<16xi32>,
    %swap3A_26 = arith.constant 48 : index
    %swap3A_27 = tpu.vector_load %arg5[%swap3A_26] {strides = array<i32>} : memref<256xi32, #tpu.memory_space<vmem>>, vector<16xi32>,
    %swap3A_28 = vector.shape_cast %swap3A_27 : vector<16xi32> to vector<16xi32>
    %swap3A_29 = vector.shape_cast %scan3A_13#3 : vector<16xi32> to vector<16xi32>
    tpu.vector_store %arg5[%swap3A_26], %swap3A_29 {strides = array<i32>} : memref<256xi32, #tpu.memory_space<vmem>>, vector<16xi32>,
    %swap3A_30 = arith.constant 64 : index
    %swap3A_31 = tpu.vector_load %arg5[%swap3A_30] {strides = array<i32>} : memref<256xi32, #tpu.memory_space<vmem>>, vector<16xi32>,
    %swap3A_32 = vector.shape_cast %swap3A_31 : vector<16xi32> to vector<16xi32>
    %swap3A_33 = vector.shape_cast %scan3A_13#4 : vector<16xi32> to vector<16xi32>
    tpu.vector_store %arg5[%swap3A_30], %swap3A_33 {strides = array<i32>} : memref<256xi32, #tpu.memory_space<vmem>>, vector<16xi32>,
    %sub3A = arith.subi %scan3A_13#5, %scan3A_13#2 : vector<16xi32>
    %sub3A_34 = arith.subi %sub3A, %scan3A_13#3 : vector<16xi32>
    %sub3A_35 = arith.subi %sub3A_34, %scan3A_13#4 : vector<16xi32>
    %swap3A_36 = arith.constant 80 : index
    %swap3A_37 = tpu.vector_load %arg5[%swap3A_36] {strides = array<i32>} : memref<256xi32, #tpu.memory_space<vmem>>, vector<16xi32>,
    %swap3A_38 = vector.shape_cast %swap3A_37 : vector<16xi32> to vector<16xi32>
    %swap3A_39 = vector.shape_cast %sub3A_35 : vector<16xi32> to vector<16xi32>
    tpu.vector_store %arg5[%swap3A_36], %swap3A_39 {strides = array<i32>} : memref<256xi32, #tpu.memory_space<vmem>>, vector<16xi32>,
    %swap3A_40 = arith.constant 96 : index
    %swap3A_41 = tpu.vector_load %arg5[%swap3A_40] {strides = array<i32>} : memref<256xi32, #tpu.memory_space<vmem>>, vector<16xi32>,
    %swap3A_42 = vector.shape_cast %swap3A_41 : vector<16xi32> to vector<16xi32>
    %swap3A_43 = vector.shape_cast %broadcast_in_dim3A_3 : vector<16xi32> to vector<16xi32>
    tpu.vector_store %arg5[%swap3A_40], %swap3A_43 {strides = array<i32>} : memref<256xi32, #tpu.memory_space<vmem>>, vector<16xi32>,
    %swap3A_44 = arith.constant 112 : index
    %swap3A_45 = tpu.vector_load %arg5[%swap3A_44] {strides = array<i32>} : memref<256xi32, #tpu.memory_space<vmem>>, vector<16xi32>,
    %swap3A_46 = vector.shape_cast %swap3A_45 : vector<16xi32> to vector<16xi32>
    %swap3A_47 = vector.shape_cast %broadcast_in_dim3A_3 : vector<16xi32> to vector<16xi32>
    tpu.vector_store %arg5[%swap3A_44], %swap3A_47 {strides = array<i32>} : memref<256xi32, #tpu.memory_space<vmem>>, vector<16xi32>,
    %swap3A_48 = arith.constant 128 : index
    %swap3A_49 = tpu.vector_load %arg5[%swap3A_48] {strides = array<i32>} : memref<256xi32, #tpu.memory_space<vmem>>, vector<16xi32>,
    %swap3A_50 = vector.shape_cast %swap3A_49 : vector<16xi32> to vector<16xi32>
    %swap3A_51 = vector.shape_cast %scan3A_13#6 : vector<16xi32> to vector<16xi32>
    tpu.vector_store %arg5[%swap3A_48], %swap3A_51 {strides = array<i32>} : memref<256xi32, #tpu.memory_space<vmem>>, vector<16xi32>,
    %swap3A_52 = arith.constant 144 : index
    %swap3A_53 = tpu.vector_load %arg5[%swap3A_52] {strides = array<i32>} : memref<256xi32, #tpu.memory_space<vmem>>, vector<16xi32>,
    %swap3A_54 = vector.shape_cast %swap3A_53 : vector<16xi32> to vector<16xi32>
    %swap3A_55 = vector.shape_cast %scan3A_13#7 : vector<16xi32> to vector<16xi32>
    tpu.vector_store %arg5[%swap3A_52], %swap3A_55 {strides = array<i32>} : memref<256xi32, #tpu.memory_space<vmem>>, vector<16xi32>,
    %swap3A_56 = arith.constant 160 : index
    %swap3A_57 = tpu.vector_load %arg5[%swap3A_56] {strides = array<i32>} : memref<256xi32, #tpu.memory_space<vmem>>, vector<16xi32>,
    %swap3A_58 = vector.shape_cast %swap3A_57 : vector<16xi32> to vector<16xi32>
    %swap3A_59 = vector.shape_cast %scan3A_13#8 : vector<16xi32> to vector<16xi32>
    tpu.vector_store %arg5[%swap3A_56], %swap3A_59 {strides = array<i32>} : memref<256xi32, #tpu.memory_space<vmem>>, vector<16xi32>,
    %swap3A_60 = arith.constant 176 : index
    %swap3A_61 = tpu.vector_load %arg5[%swap3A_60] {strides = array<i32>} : memref<256xi32, #tpu.memory_space<vmem>>, vector<16xi32>,
    %swap3A_62 = vector.shape_cast %swap3A_61 : vector<16xi32> to vector<16xi32>
    %swap3A_63 = vector.shape_cast %scan3A_13#9 : vector<16xi32> to vector<16xi32>
    tpu.vector_store %arg5[%swap3A_60], %swap3A_63 {strides = array<i32>} : memref<256xi32, #tpu.memory_space<vmem>>, vector<16xi32>,
    %swap3A_64 = arith.constant 192 : index
    %swap3A_65 = tpu.vector_load %arg5[%swap3A_64] {strides = array<i32>} : memref<256xi32, #tpu.memory_space<vmem>>, vector<16xi32>,
    %swap3A_66 = vector.shape_cast %swap3A_65 : vector<16xi32> to vector<16xi32>
    %swap3A_67 = vector.shape_cast %scan3A_13#10 : vector<16xi32> to vector<16xi32>
    tpu.vector_store %arg5[%swap3A_64], %swap3A_67 {strides = array<i32>} : memref<256xi32, #tpu.memory_space<vmem>>, vector<16xi32>,
    %sub3A_68 = arith.subi %scan3A_13#11, %scan3A_13#8 : vector<16xi32>
    %sub3A_69 = arith.subi %sub3A_68, %scan3A_13#9 : vector<16xi32>
    %sub3A_70 = arith.subi %sub3A_69, %scan3A_13#10 : vector<16xi32>
    %swap3A_71 = arith.constant 208 : index
    %swap3A_72 = tpu.vector_load %arg5[%swap3A_71] {strides = array<i32>} : memref<256xi32, #tpu.memory_space<vmem>>, vector<16xi32>,
    %swap3A_73 = vector.shape_cast %swap3A_72 : vector<16xi32> to vector<16xi32>
    %swap3A_74 = vector.shape_cast %sub3A_70 : vector<16xi32> to vector<16xi32>
    tpu.vector_store %arg5[%swap3A_71], %swap3A_74 {strides = array<i32>} : memref<256xi32, #tpu.memory_space<vmem>>, vector<16xi32>,
    %swap3A_75 = arith.constant 224 : index
    %swap3A_76 = tpu.vector_load %arg5[%swap3A_75] {strides = array<i32>} : memref<256xi32, #tpu.memory_space<vmem>>, vector<16xi32>,
    %swap3A_77 = vector.shape_cast %swap3A_76 : vector<16xi32> to vector<16xi32>
    %swap3A_78 = vector.shape_cast %broadcast_in_dim3A_3 : vector<16xi32> to vector<16xi32>
    tpu.vector_store %arg5[%swap3A_75], %swap3A_78 {strides = array<i32>} : memref<256xi32, #tpu.memory_space<vmem>>, vector<16xi32>,
    %swap3A_79 = arith.constant 240 : index
    %swap3A_80 = tpu.vector_load %arg5[%swap3A_79] {strides = array<i32>} : memref<256xi32, #tpu.memory_space<vmem>>, vector<16xi32>,
    %swap3A_81 = vector.shape_cast %swap3A_80 : vector<16xi32> to vector<16xi32>
    %swap3A_82 = vector.shape_cast %broadcast_in_dim3A_3 : vector<16xi32> to vector<16xi32>
    tpu.vector_store %arg5[%swap3A_79], %swap3A_82 {strides = array<i32>} : memref<256xi32, #tpu.memory_space<vmem>>, vector<16xi32>,
    %mul3A_83 = arith.constant 256 : i32
    %mul3A_84 = arith.muli %add3A, %mul3A_83 : i32
    "tpu.region"() ({
      %run_scoped3A = tpu.sem_alloc : memref<!tpu.dma_semaphore, #tpu.memory_space<semaphore_mem>>
      %dma_start3A = tpu.memref_slice %arg3[%mul3A_84] : memref<8192xi32, #tpu.memory_space<hbm>> -> memref<256xi32, #tpu.memory_space<hbm>>
      %dma_start3A_85 = tpu.memref_slice %arg3[%mul3A_84] : memref<8192xi32, #tpu.memory_space<hbm>> -> memref<256xi32, #tpu.memory_space<hbm>>
      tpu.enqueue_dma source(%arg5 : memref<256xi32, #tpu.memory_space<vmem>>) target(%dma_start3A_85 : memref<256xi32, #tpu.memory_space<hbm>>) target_semaphore(%run_scoped3A : memref<!tpu.dma_semaphore, #tpu.memory_space<semaphore_mem>>)
      %dma_wait3A = tpu.memref_slice %arg3[%mul3A_84] : memref<8192xi32, #tpu.memory_space<hbm>> -> memref<256xi32, #tpu.memory_space<hbm>>
      %dma_wait3A_86 = tpu.memref_slice %arg3[%mul3A_84] : memref<8192xi32, #tpu.memory_space<hbm>> -> memref<256xi32, #tpu.memory_space<hbm>>
      tpu.wait_dma2 semaphore(%run_scoped3A : memref<!tpu.dma_semaphore, #tpu.memory_space<semaphore_mem>>) src(%arg5 : memref<256xi32, #tpu.memory_space<vmem>>) dst(%dma_wait3A_86 : memref<256xi32, #tpu.memory_space<hbm>>)
      tpu.yield
    }) : () -> ()
    return
  }
}

module attributes {stable_mosaic.version = 14 : i64} {
  func.func @_tc_expand_body(%arg0: memref<256x128xi32, #tpu.memory_space<vmem>>, %arg1: memref<4096x128xi32, #tpu.memory_space<vmem>>) attributes {dimension_semantics = [], scalar_prefetch = 0 : i64, scratch_operands = 0 : i64, tpu.core_type = #tpu.core_type<tc>} {
    %iota3A = tpu.iota {dimensions = array<i32: 0>} : vector<128x2048xi32>
    %iota3A_0 = tpu.iota {dimensions = array<i32: 1>} : vector<128x2048xi32>
    %jit3A = arith.constant 128 : i32
    %div3A = vector.broadcast %jit3A : i32 to vector<128x2048xi32>
    %div3A_1 = arith.divsi %iota3A_0, %div3A : vector<128x2048xi32>
    %sign3A = arith.constant 0 : i32
    %sign3A_2 = vector.broadcast %sign3A : i32 to vector<128x2048xi32>
    %sign3A_3 = arith.cmpi sgt, %iota3A_0, %sign3A_2 : vector<128x2048xi32>
    %sign3A_4 = arith.extui %sign3A_3 : vector<128x2048xi1> to vector<128x2048xi32>
    %sign3A_5 = arith.constant 0 : i32
    %sign3A_6 = vector.broadcast %sign3A_5 : i32 to vector<128x2048xi32>
    %sign3A_7 = arith.cmpi slt, %iota3A_0, %sign3A_6 : vector<128x2048xi32>
    %sign3A_8 = arith.extui %sign3A_7 : vector<128x2048xi1> to vector<128x2048xi32>
    %sign3A_9 = arith.subi %sign3A_4, %sign3A_8 : vector<128x2048xi32>
    %sign3A_10 = arith.constant 0 : i32
    %sign3A_11 = arith.cmpi sgt, %jit3A, %sign3A_10 : i32
    %sign3A_12 = arith.extui %sign3A_11 : i1 to i32
    %sign3A_13 = arith.constant 0 : i32
    %sign3A_14 = arith.cmpi slt, %jit3A, %sign3A_13 : i32
    %sign3A_15 = arith.extui %sign3A_14 : i1 to i32
    %sign3A_16 = arith.subi %sign3A_12, %sign3A_15 : i32
    %ne3A = vector.broadcast %sign3A_16 : i32 to vector<128x2048xi32>
    %ne3A_17 = arith.cmpi ne, %sign3A_9, %ne3A : vector<128x2048xi32>
    %rem3A = vector.broadcast %jit3A : i32 to vector<128x2048xi32>
    %rem3A_18 = arith.remsi %iota3A_0, %rem3A : vector<128x2048xi32>
    %ne3A_19 = arith.constant 0 : i32
    %ne3A_20 = vector.broadcast %ne3A_19 : i32 to vector<128x2048xi32>
    %ne3A_21 = arith.cmpi ne, %rem3A_18, %ne3A_20 : vector<128x2048xi32>
    %and3A = arith.andi %ne3A_17, %ne3A_21 : vector<128x2048xi1>
    %sub3A = arith.constant 1 : i32
    %sub3A_22 = vector.broadcast %sub3A : i32 to vector<128x2048xi32>
    %sub3A_23 = arith.subi %div3A_1, %sub3A_22 : vector<128x2048xi32>
    %select_n3A = arith.select %and3A, %sub3A_23, %div3A_1 : vector<128x2048xi1>, vector<128x2048xi32>
    %mul3A = arith.constant 8 : i32
    %mul3A_24 = vector.broadcast %mul3A : i32 to vector<128x2048xi32>
    %mul3A_25 = arith.muli %mul3A_24, %select_n3A : vector<128x2048xi32>
    %jit3A_26 = arith.constant 128 : i32
    %eq3A = arith.constant 0 : i32
    %eq3A_27 = arith.cmpi eq, %jit3A_26, %eq3A : i32
    %jit3A_28 = arith.constant 1 : i32
    %select_n3A_29 = arith.select %eq3A_27, %jit3A_28, %jit3A_26 : i32
    %rem3A_30 = vector.broadcast %select_n3A_29 : i32 to vector<128x2048xi32>
    %rem3A_31 = arith.remsi %iota3A_0, %rem3A_30 : vector<128x2048xi32>
    %ne3A_32 = arith.constant 0 : i32
    %ne3A_33 = vector.broadcast %ne3A_32 : i32 to vector<128x2048xi32>
    %ne3A_34 = arith.cmpi ne, %rem3A_31, %ne3A_33 : vector<128x2048xi32>
    %lt3A = arith.constant 0 : i32
    %lt3A_35 = vector.broadcast %lt3A : i32 to vector<128x2048xi32>
    %lt3A_36 = arith.cmpi slt, %rem3A_31, %lt3A_35 : vector<128x2048xi32>
    %lt3A_37 = arith.constant 0 : i32
    %lt3A_38 = arith.cmpi slt, %select_n3A_29, %lt3A_37 : i32
    %ne3A_39 = vector.broadcast %lt3A_38 : i1 to vector<128x2048xi1>
    %ne3A_40 = vector.broadcast %ne3A_39 : vector<128x2048xi1> to vector<128x2048xi1>
    %ne3A_41 = arith.xori %lt3A_36, %ne3A_40 : vector<128x2048xi1>
    %and3A_42 = arith.andi %ne3A_41, %ne3A_34 : vector<128x2048xi1>
    %add3A = vector.broadcast %select_n3A_29 : i32 to vector<128x2048xi32>
    %add3A_43 = arith.addi %rem3A_31, %add3A : vector<128x2048xi32>
    %select_n3A_44 = arith.select %and3A_42, %add3A_43, %rem3A_31 : vector<128x2048xi1>, vector<128x2048xi32>
    %jit3A_45 = arith.constant 16 : i32
    %div3A_46 = vector.broadcast %jit3A_45 : i32 to vector<128x2048xi32>
    %div3A_47 = arith.divsi %select_n3A_44, %div3A_46 : vector<128x2048xi32>
    %sign3A_48 = arith.constant 0 : i32
    %sign3A_49 = vector.broadcast %sign3A_48 : i32 to vector<128x2048xi32>
    %sign3A_50 = arith.cmpi sgt, %select_n3A_44, %sign3A_49 : vector<128x2048xi32>
    %sign3A_51 = arith.extui %sign3A_50 : vector<128x2048xi1> to vector<128x2048xi32>
    %sign3A_52 = arith.constant 0 : i32
    %sign3A_53 = vector.broadcast %sign3A_52 : i32 to vector<128x2048xi32>
    %sign3A_54 = arith.cmpi slt, %select_n3A_44, %sign3A_53 : vector<128x2048xi32>
    %sign3A_55 = arith.extui %sign3A_54 : vector<128x2048xi1> to vector<128x2048xi32>
    %sign3A_56 = arith.subi %sign3A_51, %sign3A_55 : vector<128x2048xi32>
    %sign3A_57 = arith.constant 0 : i32
    %sign3A_58 = arith.cmpi sgt, %jit3A_45, %sign3A_57 : i32
    %sign3A_59 = arith.extui %sign3A_58 : i1 to i32
    %sign3A_60 = arith.constant 0 : i32
    %sign3A_61 = arith.cmpi slt, %jit3A_45, %sign3A_60 : i32
    %sign3A_62 = arith.extui %sign3A_61 : i1 to i32
    %sign3A_63 = arith.subi %sign3A_59, %sign3A_62 : i32
    %ne3A_64 = vector.broadcast %sign3A_63 : i32 to vector<128x2048xi32>
    %ne3A_65 = arith.cmpi ne, %sign3A_56, %ne3A_64 : vector<128x2048xi32>
    %rem3A_66 = vector.broadcast %jit3A_45 : i32 to vector<128x2048xi32>
    %rem3A_67 = arith.remsi %select_n3A_44, %rem3A_66 : vector<128x2048xi32>
    %ne3A_68 = arith.constant 0 : i32
    %ne3A_69 = vector.broadcast %ne3A_68 : i32 to vector<128x2048xi32>
    %ne3A_70 = arith.cmpi ne, %rem3A_67, %ne3A_69 : vector<128x2048xi32>
    %and3A_71 = arith.andi %ne3A_65, %ne3A_70 : vector<128x2048xi1>
    %sub3A_72 = arith.constant 1 : i32
    %sub3A_73 = vector.broadcast %sub3A_72 : i32 to vector<128x2048xi32>
    %sub3A_74 = arith.subi %div3A_47, %sub3A_73 : vector<128x2048xi32>
    %select_n3A_75 = arith.select %and3A_71, %sub3A_74, %div3A_47 : vector<128x2048xi1>, vector<128x2048xi32>
    %add3A_76 = arith.addi %mul3A_25, %select_n3A_75 : vector<128x2048xi32>
    %eq3A_77 = arith.cmpi eq, %iota3A, %add3A_76 : vector<128x2048xi32>
    %convert_element_type3A = arith.extui %eq3A_77 : vector<128x2048xi1> to vector<128x2048xi32>
    %convert_element_type3A_78 = arith.sitofp %convert_element_type3A : vector<128x2048xi32> to vector<128x2048xf32>
    %get3A = arith.constant 0 : index
    %get3A_79 = arith.constant 0 : index
    %get3A_80 = vector.load %arg0[%get3A, %get3A_79] : memref<256x128xi32, #tpu.memory_space<vmem>>, vector<256x128xi32>
    %convert_element_type3A_81 = arith.sitofp %get3A_80 : vector<256x128xi32> to vector<256x128xf32>
    %dot_general3A = arith.constant dense<0.000000e+00> : vector<256x2048xf32>
    %dot_general3A_82 = tpu.matmul %convert_element_type3A_81, %convert_element_type3A_78, %dot_general3A {dimension_numbers = #tpu.dot_dimension_numbers<[1], [0], [0], [1], [0, 0, 1, 1], [], []>, transpose_lhs_hint = false} : vector<256x128xf32>, vector<128x2048xf32>, vector<256x2048xf32> -> vector<256x2048xf32>
    %convert_element_type3A_83 = arith.fptosi %dot_general3A_82 : vector<256x2048xf32> to vector<256x2048xi32>
    %reshape3A = vector.shape_cast %convert_element_type3A_83 : vector<256x2048xi32> to vector<4096x128xi32>
    %swap3A = arith.constant 0 : index
    %swap3A_84 = arith.constant 0 : index
    %swap3A_85 = vector.load %arg1[%swap3A, %swap3A_84] : memref<4096x128xi32, #tpu.memory_space<vmem>>, vector<4096x128xi32>
    tpu.vector_store %arg1[%swap3A, %swap3A_84], %reshape3A {strides = array<i32>} : memref<4096x128xi32, #tpu.memory_space<vmem>>, vector<4096x128xi32>,
    return
  }
}

module attributes {stable_mosaic.version = 14 : i64} {
  func.func @_tc_finalize_body(%arg0: memref<64x128xi32, #tpu.memory_space<vmem>>, %arg1: memref<3x4xi32, #tpu.memory_space<smem>>, %arg2: memref<3x4xf32, #tpu.memory_space<smem>>, %arg3: memref<1x1xf32, #tpu.memory_space<smem>>, %arg4: memref<1x4xf32, #tpu.memory_space<vmem>>, %arg5: memref<1x64xf32, #tpu.memory_space<vmem>>, %arg6: memref<4x64xf32, #tpu.memory_space<vmem>>, %arg7: memref<1x64xf32, #tpu.memory_space<vmem>>) attributes {dimension_semantics = [], scalar_prefetch = 0 : i64, scratch_operands = 0 : i64, tpu.core_type = #tpu.core_type<tc>} {
    %get3A = arith.constant 0 : index
    %get3A_0 = arith.constant 0 : index
    %get3A_1 = vector.load %arg0[%get3A, %get3A_0] : memref<64x128xi32, #tpu.memory_space<vmem>>, vector<64x128xi32>
    %convert_element_type3A = arith.sitofp %get3A_1 : vector<64x128xi32> to vector<64x128xf32>
    %iota3A = tpu.iota {dimensions = array<i32: 0>} : vector<16x4xi32>
    %iota3A_2 = tpu.iota {dimensions = array<i32: 1>} : vector<16x4xi32>
    %mul3A = arith.constant 4 : i32
    %mul3A_3 = vector.broadcast %mul3A : i32 to vector<16x4xi32>
    %mul3A_4 = arith.muli %iota3A_2, %mul3A_3 : vector<16x4xi32>
    %eq3A = arith.cmpi eq, %iota3A, %mul3A_4 : vector<16x4xi32>
    %convert_element_type3A_5 = arith.extui %eq3A : vector<16x4xi1> to vector<16x4xi32>
    %convert_element_type3A_6 = arith.sitofp %convert_element_type3A_5 : vector<16x4xi32> to vector<16x4xf32>
    %slice3A = vector.extract_strided_slice %convert_element_type3A {offsets = [0, 0], sizes = [64, 16], strides = [1, 1]} : vector<64x128xf32> to vector<64x16xf32>
    %dot_general3A = arith.constant dense<0.000000e+00> : vector<64x4xf32>
    %dot_general3A_7 = tpu.matmul %slice3A, %convert_element_type3A_6, %dot_general3A {dimension_numbers = #tpu.dot_dimension_numbers<[1], [0], [0], [1], [0, 0, 1, 1], [], []>, precision = #tpu.contract_precision<fp32>, transpose_lhs_hint = false} : vector<64x16xf32>, vector<16x4xf32>, vector<64x4xf32> -> vector<64x4xf32>
    %slice3A_8 = vector.extract_strided_slice %convert_element_type3A {offsets = [0, 16], sizes = [64, 16], strides = [1, 1]} : vector<64x128xf32> to vector<64x16xf32>
    %slice3A_9 = vector.extract_strided_slice %convert_element_type3A {offsets = [0, 32], sizes = [64, 64], strides = [1, 1]} : vector<64x128xf32> to vector<64x64xf32>
    %iota3A_10 = tpu.iota {dimensions = array<i32: 0>} : vector<64x64xi32>
    %iota3A_11 = tpu.iota {dimensions = array<i32: 1>} : vector<64x64xi32>
    %lt3A = arith.cmpi slt, %iota3A_11, %iota3A_10 : vector<64x64xi32>
    %convert_element_type3A_12 = arith.extui %lt3A : vector<64x64xi1> to vector<64x64xi32>
    %convert_element_type3A_13 = arith.sitofp %convert_element_type3A_12 : vector<64x64xi32> to vector<64x64xf32>
    %dot_general3A_14 = arith.constant dense<0.000000e+00> : vector<64x4xf32>
    %dot_general3A_15 = tpu.matmul %convert_element_type3A_13, %dot_general3A_7, %dot_general3A_14 {dimension_numbers = #tpu.dot_dimension_numbers<[1], [0], [0], [1], [0, 0, 1, 1], [], []>, precision = #tpu.contract_precision<fp32>, transpose_lhs_hint = false} : vector<64x64xf32>, vector<64x4xf32>, vector<64x4xf32> -> vector<64x4xf32>
    %iota3A_16 = tpu.iota {dimensions = array<i32: 0>} : vector<4x16xi32>
    %iota3A_17 = tpu.iota {dimensions = array<i32: 1>} : vector<4x16xi32>
    %jit3A = arith.constant 4 : i32
    %div3A = vector.broadcast %jit3A : i32 to vector<4x16xi32>
    %div3A_18 = arith.divsi %iota3A_17, %div3A : vector<4x16xi32>
    %sign3A = arith.constant 0 : i32
    %sign3A_19 = vector.broadcast %sign3A : i32 to vector<4x16xi32>
    %sign3A_20 = arith.cmpi sgt, %iota3A_17, %sign3A_19 : vector<4x16xi32>
    %sign3A_21 = arith.extui %sign3A_20 : vector<4x16xi1> to vector<4x16xi32>
    %sign3A_22 = arith.constant 0 : i32
    %sign3A_23 = vector.broadcast %sign3A_22 : i32 to vector<4x16xi32>
    %sign3A_24 = arith.cmpi slt, %iota3A_17, %sign3A_23 : vector<4x16xi32>
    %sign3A_25 = arith.extui %sign3A_24 : vector<4x16xi1> to vector<4x16xi32>
    %sign3A_26 = arith.subi %sign3A_21, %sign3A_25 : vector<4x16xi32>
    %sign3A_27 = arith.constant 0 : i32
    %sign3A_28 = arith.cmpi sgt, %jit3A, %sign3A_27 : i32
    %sign3A_29 = arith.extui %sign3A_28 : i1 to i32
    %sign3A_30 = arith.constant 0 : i32
    %sign3A_31 = arith.cmpi slt, %jit3A, %sign3A_30 : i32
    %sign3A_32 = arith.extui %sign3A_31 : i1 to i32
    %sign3A_33 = arith.subi %sign3A_29, %sign3A_32 : i32
    %ne3A = vector.broadcast %sign3A_33 : i32 to vector<4x16xi32>
    %ne3A_34 = arith.cmpi ne, %sign3A_26, %ne3A : vector<4x16xi32>
    %rem3A = vector.broadcast %jit3A : i32 to vector<4x16xi32>
    %rem3A_35 = arith.remsi %iota3A_17, %rem3A : vector<4x16xi32>
    %ne3A_36 = arith.constant 0 : i32
    %ne3A_37 = vector.broadcast %ne3A_36 : i32 to vector<4x16xi32>
    %ne3A_38 = arith.cmpi ne, %rem3A_35, %ne3A_37 : vector<4x16xi32>
    %and3A = arith.andi %ne3A_34, %ne3A_38 : vector<4x16xi1>
    %sub3A = arith.constant 1 : i32
    %sub3A_39 = vector.broadcast %sub3A : i32 to vector<4x16xi32>
    %sub3A_40 = arith.subi %div3A_18, %sub3A_39 : vector<4x16xi32>
    %select_n3A = arith.select %and3A, %sub3A_40, %div3A_18 : vector<4x16xi1>, vector<4x16xi32>
    %eq3A_41 = arith.cmpi eq, %select_n3A, %iota3A_16 : vector<4x16xi32>
    %convert_element_type3A_42 = arith.extui %eq3A_41 : vector<4x16xi1> to vector<4x16xi32>
    %convert_element_type3A_43 = arith.sitofp %convert_element_type3A_42 : vector<4x16xi32> to vector<4x16xf32>
    %jit3A_44 = arith.constant 4 : i32
    %eq3A_45 = arith.constant 0 : i32
    %eq3A_46 = arith.cmpi eq, %jit3A_44, %eq3A_45 : i32
    %jit3A_47 = arith.constant 1 : i32
    %select_n3A_48 = arith.select %eq3A_46, %jit3A_47, %jit3A_44 : i32
    %rem3A_49 = vector.broadcast %select_n3A_48 : i32 to vector<4x16xi32>
    %rem3A_50 = arith.remsi %iota3A_17, %rem3A_49 : vector<4x16xi32>
    %ne3A_51 = arith.constant 0 : i32
    %ne3A_52 = vector.broadcast %ne3A_51 : i32 to vector<4x16xi32>
    %ne3A_53 = arith.cmpi ne, %rem3A_50, %ne3A_52 : vector<4x16xi32>
    %lt3A_54 = arith.constant 0 : i32
    %lt3A_55 = vector.broadcast %lt3A_54 : i32 to vector<4x16xi32>
    %lt3A_56 = arith.cmpi slt, %rem3A_50, %lt3A_55 : vector<4x16xi32>
    %lt3A_57 = arith.constant 0 : i32
    %lt3A_58 = arith.cmpi slt, %select_n3A_48, %lt3A_57 : i32
    %ne3A_59 = vector.broadcast %lt3A_58 : i1 to vector<4x16xi1>
    %ne3A_60 = vector.broadcast %ne3A_59 : vector<4x16xi1> to vector<4x16xi1>
    %ne3A_61 = arith.xori %lt3A_56, %ne3A_60 : vector<4x16xi1>
    %and3A_62 = arith.andi %ne3A_61, %ne3A_53 : vector<4x16xi1>
    %add3A = vector.broadcast %select_n3A_48 : i32 to vector<4x16xi32>
    %add3A_63 = arith.addi %rem3A_50, %add3A : vector<4x16xi32>
    %select_n3A_64 = arith.select %and3A_62, %add3A_63, %rem3A_50 : vector<4x16xi1>, vector<4x16xi32>
    %eq3A_65 = arith.cmpi eq, %select_n3A_64, %iota3A_16 : vector<4x16xi32>
    %convert_element_type3A_66 = arith.extui %eq3A_65 : vector<4x16xi1> to vector<4x16xi32>
    %convert_element_type3A_67 = arith.sitofp %convert_element_type3A_66 : vector<4x16xi32> to vector<4x16xf32>
    %dot_general3A_68 = arith.constant dense<0.000000e+00> : vector<64x16xf32>
    %dot_general3A_69 = tpu.matmul %dot_general3A_15, %convert_element_type3A_43, %dot_general3A_68 {dimension_numbers = #tpu.dot_dimension_numbers<[1], [0], [0], [1], [0, 0, 1, 1], [], []>, precision = #tpu.contract_precision<fp32>, transpose_lhs_hint = false} : vector<64x4xf32>, vector<4x16xf32>, vector<64x16xf32> -> vector<64x16xf32>
    %dot_general3A_70 = arith.constant dense<0.000000e+00> : vector<64x16xf32>
    %dot_general3A_71 = tpu.matmul %dot_general3A_7, %convert_element_type3A_67, %dot_general3A_70 {dimension_numbers = #tpu.dot_dimension_numbers<[1], [0], [0], [1], [0, 0, 1, 1], [], []>, precision = #tpu.contract_precision<fp32>, transpose_lhs_hint = false} : vector<64x4xf32>, vector<4x16xf32>, vector<64x16xf32> -> vector<64x16xf32>
    %mul3A_72 = arith.mulf %dot_general3A_69, %dot_general3A_71 : vector<64x16xf32>
    %add3A_73 = arith.addf %slice3A_8, %mul3A_72 : vector<64x16xf32>
    %dot_general3A_74 = arith.constant dense<0.000000e+00> : vector<64x16xf32>
    %dot_general3A_75 = tpu.matmul %convert_element_type3A_13, %add3A_73, %dot_general3A_74 {dimension_numbers = #tpu.dot_dimension_numbers<[1], [0], [0], [1], [0, 0, 1, 1], [], []>, precision = #tpu.contract_precision<fp32>, transpose_lhs_hint = false} : vector<64x64xf32>, vector<64x16xf32>, vector<64x16xf32> -> vector<64x16xf32>
    %iota3A_76 = tpu.iota {dimensions = array<i32: 0>} : vector<4x64xi32>
    %iota3A_77 = tpu.iota {dimensions = array<i32: 1>} : vector<4x64xi32>
    %jit3A_78 = arith.constant 16 : i32
    %div3A_79 = vector.broadcast %jit3A_78 : i32 to vector<4x64xi32>
    %div3A_80 = arith.divsi %iota3A_77, %div3A_79 : vector<4x64xi32>
    %sign3A_81 = arith.constant 0 : i32
    %sign3A_82 = vector.broadcast %sign3A_81 : i32 to vector<4x64xi32>
    %sign3A_83 = arith.cmpi sgt, %iota3A_77, %sign3A_82 : vector<4x64xi32>
    %sign3A_84 = arith.extui %sign3A_83 : vector<4x64xi1> to vector<4x64xi32>
    %sign3A_85 = arith.constant 0 : i32
    %sign3A_86 = vector.broadcast %sign3A_85 : i32 to vector<4x64xi32>
    %sign3A_87 = arith.cmpi slt, %iota3A_77, %sign3A_86 : vector<4x64xi32>
    %sign3A_88 = arith.extui %sign3A_87 : vector<4x64xi1> to vector<4x64xi32>
    %sign3A_89 = arith.subi %sign3A_84, %sign3A_88 : vector<4x64xi32>
    %sign3A_90 = arith.constant 0 : i32
    %sign3A_91 = arith.cmpi sgt, %jit3A_78, %sign3A_90 : i32
    %sign3A_92 = arith.extui %sign3A_91 : i1 to i32
    %sign3A_93 = arith.constant 0 : i32
    %sign3A_94 = arith.cmpi slt, %jit3A_78, %sign3A_93 : i32
    %sign3A_95 = arith.extui %sign3A_94 : i1 to i32
    %sign3A_96 = arith.subi %sign3A_92, %sign3A_95 : i32
    %ne3A_97 = vector.broadcast %sign3A_96 : i32 to vector<4x64xi32>
    %ne3A_98 = arith.cmpi ne, %sign3A_89, %ne3A_97 : vector<4x64xi32>
    %rem3A_99 = vector.broadcast %jit3A_78 : i32 to vector<4x64xi32>
    %rem3A_100 = arith.remsi %iota3A_77, %rem3A_99 : vector<4x64xi32>
    %ne3A_101 = arith.constant 0 : i32
    %ne3A_102 = vector.broadcast %ne3A_101 : i32 to vector<4x64xi32>
    %ne3A_103 = arith.cmpi ne, %rem3A_100, %ne3A_102 : vector<4x64xi32>
    %and3A_104 = arith.andi %ne3A_98, %ne3A_103 : vector<4x64xi1>
    %sub3A_105 = arith.constant 1 : i32
    %sub3A_106 = vector.broadcast %sub3A_105 : i32 to vector<4x64xi32>
    %sub3A_107 = arith.subi %div3A_80, %sub3A_106 : vector<4x64xi32>
    %select_n3A_108 = arith.select %and3A_104, %sub3A_107, %div3A_80 : vector<4x64xi1>, vector<4x64xi32>
    %eq3A_109 = arith.cmpi eq, %select_n3A_108, %iota3A_76 : vector<4x64xi32>
    %convert_element_type3A_110 = arith.extui %eq3A_109 : vector<4x64xi1> to vector<4x64xi32>
    %convert_element_type3A_111 = arith.sitofp %convert_element_type3A_110 : vector<4x64xi32> to vector<4x64xf32>
    %iota3A_112 = tpu.iota {dimensions = array<i32: 0>} : vector<16x64xi32>
    %iota3A_113 = tpu.iota {dimensions = array<i32: 1>} : vector<16x64xi32>
    %jit3A_114 = arith.constant 16 : i32
    %eq3A_115 = arith.constant 0 : i32
    %eq3A_116 = arith.cmpi eq, %jit3A_114, %eq3A_115 : i32
    %jit3A_117 = arith.constant 1 : i32
    %select_n3A_118 = arith.select %eq3A_116, %jit3A_117, %jit3A_114 : i32
    %rem3A_119 = vector.broadcast %select_n3A_118 : i32 to vector<16x64xi32>
    %rem3A_120 = arith.remsi %iota3A_113, %rem3A_119 : vector<16x64xi32>
    %ne3A_121 = arith.constant 0 : i32
    %ne3A_122 = vector.broadcast %ne3A_121 : i32 to vector<16x64xi32>
    %ne3A_123 = arith.cmpi ne, %rem3A_120, %ne3A_122 : vector<16x64xi32>
    %lt3A_124 = arith.constant 0 : i32
    %lt3A_125 = vector.broadcast %lt3A_124 : i32 to vector<16x64xi32>
    %lt3A_126 = arith.cmpi slt, %rem3A_120, %lt3A_125 : vector<16x64xi32>
    %lt3A_127 = arith.constant 0 : i32
    %lt3A_128 = arith.cmpi slt, %select_n3A_118, %lt3A_127 : i32
    %ne3A_129 = vector.broadcast %lt3A_128 : i1 to vector<16x64xi1>
    %ne3A_130 = vector.broadcast %ne3A_129 : vector<16x64xi1> to vector<16x64xi1>
    %ne3A_131 = arith.xori %lt3A_126, %ne3A_130 : vector<16x64xi1>
    %and3A_132 = arith.andi %ne3A_131, %ne3A_123 : vector<16x64xi1>
    %add3A_133 = vector.broadcast %select_n3A_118 : i32 to vector<16x64xi32>
    %add3A_134 = arith.addi %rem3A_120, %add3A_133 : vector<16x64xi32>
    %select_n3A_135 = arith.select %and3A_132, %add3A_134, %rem3A_120 : vector<16x64xi1>, vector<16x64xi32>
    %eq3A_136 = arith.cmpi eq, %select_n3A_135, %iota3A_112 : vector<16x64xi32>
    %convert_element_type3A_137 = arith.extui %eq3A_136 : vector<16x64xi1> to vector<16x64xi32>
    %convert_element_type3A_138 = arith.sitofp %convert_element_type3A_137 : vector<16x64xi32> to vector<16x64xf32>
    %broadcast_in_dim3A = arith.constant 1.000000e+00 : f32
    %broadcast_in_dim3A_139 = vector.broadcast %broadcast_in_dim3A : f32 to vector<1x64xf32>
    %dot_general3A_140 = arith.constant dense<0.000000e+00> : vector<1x64xf32>
    %dot_general3A_141 = tpu.matmul %broadcast_in_dim3A_139, %slice3A_9, %dot_general3A_140 {dimension_numbers = #tpu.dot_dimension_numbers<[1], [0], [0], [1], [0, 0, 1, 1], [], []>, precision = #tpu.contract_precision<fp32>, transpose_lhs_hint = false} : vector<1x64xf32>, vector<64x64xf32>, vector<1x64xf32> -> vector<1x64xf32>
    %dot_general3A_142 = arith.constant dense<0.000000e+00> : vector<64x64xf32>
    %dot_general3A_143 = tpu.matmul %dot_general3A_7, %convert_element_type3A_111, %dot_general3A_142 {dimension_numbers = #tpu.dot_dimension_numbers<[1], [0], [0], [1], [0, 0, 1, 1], [], []>, precision = #tpu.contract_precision<fp32>, transpose_lhs_hint = false} : vector<64x4xf32>, vector<4x64xf32>, vector<64x64xf32> -> vector<64x64xf32>
    %dot_general3A_144 = arith.constant dense<0.000000e+00> : vector<64x64xf32>
    %dot_general3A_145 = tpu.matmul %dot_general3A_75, %convert_element_type3A_138, %dot_general3A_144 {dimension_numbers = #tpu.dot_dimension_numbers<[1], [0], [0], [1], [0, 0, 1, 1], [], []>, precision = #tpu.contract_precision<fp32>, transpose_lhs_hint = false} : vector<64x16xf32>, vector<16x64xf32>, vector<64x64xf32> -> vector<64x64xf32>
    %mul3A_146 = arith.mulf %dot_general3A_143, %dot_general3A_145 : vector<64x64xf32>
    %dot_general3A_147 = arith.constant dense<0.000000e+00> : vector<1x64xf32>
    %dot_general3A_148 = tpu.matmul %broadcast_in_dim3A_139, %mul3A_146, %dot_general3A_147 {dimension_numbers = #tpu.dot_dimension_numbers<[1], [0], [0], [1], [0, 0, 1, 1], [], []>, precision = #tpu.contract_precision<fp32>, transpose_lhs_hint = false} : vector<1x64xf32>, vector<64x64xf32>, vector<1x64xf32> -> vector<1x64xf32>
    %add3A_149 = arith.addf %dot_general3A_141, %dot_general3A_148 : vector<1x64xf32>
    %dot_general3A_150 = arith.constant dense<0.000000e+00> : vector<64x64xf32>
    %dot_general3A_151 = tpu.matmul %dot_general3A_15, %convert_element_type3A_111, %dot_general3A_150 {dimension_numbers = #tpu.dot_dimension_numbers<[1], [0], [0], [1], [0, 0, 1, 1], [], []>, precision = #tpu.contract_precision<fp32>, transpose_lhs_hint = false} : vector<64x4xf32>, vector<4x64xf32>, vector<64x64xf32> -> vector<64x64xf32>
    %dot_general3A_152 = arith.constant dense<0.000000e+00> : vector<64x64xf32>
    %dot_general3A_153 = tpu.matmul %slice3A_8, %convert_element_type3A_138, %dot_general3A_152 {dimension_numbers = #tpu.dot_dimension_numbers<[1], [0], [0], [1], [0, 0, 1, 1], [], []>, precision = #tpu.contract_precision<fp32>, transpose_lhs_hint = false} : vector<64x16xf32>, vector<16x64xf32>, vector<64x64xf32> -> vector<64x64xf32>
    %mul3A_154 = arith.mulf %dot_general3A_151, %dot_general3A_153 : vector<64x64xf32>
    %dot_general3A_155 = arith.constant dense<0.000000e+00> : vector<1x64xf32>
    %dot_general3A_156 = tpu.matmul %broadcast_in_dim3A_139, %mul3A_154, %dot_general3A_155 {dimension_numbers = #tpu.dot_dimension_numbers<[1], [0], [0], [1], [0, 0, 1, 1], [], []>, precision = #tpu.contract_precision<fp32>, transpose_lhs_hint = false} : vector<1x64xf32>, vector<64x64xf32>, vector<1x64xf32> -> vector<1x64xf32>
    %iota3A_157 = tpu.iota {dimensions = array<i32: 0>} : vector<64x64xi32>
    %iota3A_158 = tpu.iota {dimensions = array<i32: 1>} : vector<64x64xi32>
    %jit3A_159 = arith.constant 4 : i32
    %div3A_160 = vector.broadcast %jit3A_159 : i32 to vector<64x64xi32>
    %div3A_161 = arith.divsi %iota3A_157, %div3A_160 : vector<64x64xi32>
    %sign3A_162 = arith.constant 0 : i32
    %sign3A_163 = vector.broadcast %sign3A_162 : i32 to vector<64x64xi32>
    %sign3A_164 = arith.cmpi sgt, %iota3A_157, %sign3A_163 : vector<64x64xi32>
    %sign3A_165 = arith.extui %sign3A_164 : vector<64x64xi1> to vector<64x64xi32>
    %sign3A_166 = arith.constant 0 : i32
    %sign3A_167 = vector.broadcast %sign3A_166 : i32 to vector<64x64xi32>
    %sign3A_168 = arith.cmpi slt, %iota3A_157, %sign3A_167 : vector<64x64xi32>
    %sign3A_169 = arith.extui %sign3A_168 : vector<64x64xi1> to vector<64x64xi32>
    %sign3A_170 = arith.subi %sign3A_165, %sign3A_169 : vector<64x64xi32>
    %sign3A_171 = arith.constant 0 : i32
    %sign3A_172 = arith.cmpi sgt, %jit3A_159, %sign3A_171 : i32
    %sign3A_173 = arith.extui %sign3A_172 : i1 to i32
    %sign3A_174 = arith.constant 0 : i32
    %sign3A_175 = arith.cmpi slt, %jit3A_159, %sign3A_174 : i32
    %sign3A_176 = arith.extui %sign3A_175 : i1 to i32
    %sign3A_177 = arith.subi %sign3A_173, %sign3A_176 : i32
    %ne3A_178 = vector.broadcast %sign3A_177 : i32 to vector<64x64xi32>
    %ne3A_179 = arith.cmpi ne, %sign3A_170, %ne3A_178 : vector<64x64xi32>
    %rem3A_180 = vector.broadcast %jit3A_159 : i32 to vector<64x64xi32>
    %rem3A_181 = arith.remsi %iota3A_157, %rem3A_180 : vector<64x64xi32>
    %ne3A_182 = arith.constant 0 : i32
    %ne3A_183 = vector.broadcast %ne3A_182 : i32 to vector<64x64xi32>
    %ne3A_184 = arith.cmpi ne, %rem3A_181, %ne3A_183 : vector<64x64xi32>
    %and3A_185 = arith.andi %ne3A_179, %ne3A_184 : vector<64x64xi1>
    %sub3A_186 = arith.constant 1 : i32
    %sub3A_187 = vector.broadcast %sub3A_186 : i32 to vector<64x64xi32>
    %sub3A_188 = arith.subi %div3A_161, %sub3A_187 : vector<64x64xi32>
    %select_n3A_189 = arith.select %and3A_185, %sub3A_188, %div3A_161 : vector<64x64xi1>, vector<64x64xi32>
    %jit3A_190 = arith.constant 4 : i32
    %eq3A_191 = arith.constant 0 : i32
    %eq3A_192 = arith.cmpi eq, %jit3A_190, %eq3A_191 : i32
    %jit3A_193 = arith.constant 1 : i32
    %select_n3A_194 = arith.select %eq3A_192, %jit3A_193, %jit3A_190 : i32
    %rem3A_195 = vector.broadcast %select_n3A_194 : i32 to vector<64x64xi32>
    %rem3A_196 = arith.remsi %select_n3A_189, %rem3A_195 : vector<64x64xi32>
    %ne3A_197 = arith.constant 0 : i32
    %ne3A_198 = vector.broadcast %ne3A_197 : i32 to vector<64x64xi32>
    %ne3A_199 = arith.cmpi ne, %rem3A_196, %ne3A_198 : vector<64x64xi32>
    %lt3A_200 = arith.constant 0 : i32
    %lt3A_201 = vector.broadcast %lt3A_200 : i32 to vector<64x64xi32>
    %lt3A_202 = arith.cmpi slt, %rem3A_196, %lt3A_201 : vector<64x64xi32>
    %lt3A_203 = arith.constant 0 : i32
    %lt3A_204 = arith.cmpi slt, %select_n3A_194, %lt3A_203 : i32
    %ne3A_205 = vector.broadcast %lt3A_204 : i1 to vector<64x64xi1>
    %ne3A_206 = vector.broadcast %ne3A_205 : vector<64x64xi1> to vector<64x64xi1>
    %ne3A_207 = arith.xori %lt3A_202, %ne3A_206 : vector<64x64xi1>
    %and3A_208 = arith.andi %ne3A_207, %ne3A_199 : vector<64x64xi1>
    %add3A_209 = vector.broadcast %select_n3A_194 : i32 to vector<64x64xi32>
    %add3A_210 = arith.addi %rem3A_196, %add3A_209 : vector<64x64xi32>
    %select_n3A_211 = arith.select %and3A_208, %add3A_210, %rem3A_196 : vector<64x64xi1>, vector<64x64xi32>
    %jit3A_212 = arith.constant 4 : i32
    %eq3A_213 = arith.constant 0 : i32
    %eq3A_214 = arith.cmpi eq, %jit3A_212, %eq3A_213 : i32
    %jit3A_215 = arith.constant 1 : i32
    %select_n3A_216 = arith.select %eq3A_214, %jit3A_215, %jit3A_212 : i32
    %rem3A_217 = vector.broadcast %select_n3A_216 : i32 to vector<64x64xi32>
    %rem3A_218 = arith.remsi %iota3A_157, %rem3A_217 : vector<64x64xi32>
    %ne3A_219 = arith.constant 0 : i32
    %ne3A_220 = vector.broadcast %ne3A_219 : i32 to vector<64x64xi32>
    %ne3A_221 = arith.cmpi ne, %rem3A_218, %ne3A_220 : vector<64x64xi32>
    %lt3A_222 = arith.constant 0 : i32
    %lt3A_223 = vector.broadcast %lt3A_222 : i32 to vector<64x64xi32>
    %lt3A_224 = arith.cmpi slt, %rem3A_218, %lt3A_223 : vector<64x64xi32>
    %lt3A_225 = arith.constant 0 : i32
    %lt3A_226 = arith.cmpi slt, %select_n3A_216, %lt3A_225 : i32
    %ne3A_227 = vector.broadcast %lt3A_226 : i1 to vector<64x64xi1>
    %ne3A_228 = vector.broadcast %ne3A_227 : vector<64x64xi1> to vector<64x64xi1>
    %ne3A_229 = arith.xori %lt3A_224, %ne3A_228 : vector<64x64xi1>
    %and3A_230 = arith.andi %ne3A_229, %ne3A_221 : vector<64x64xi1>
    %add3A_231 = vector.broadcast %select_n3A_216 : i32 to vector<64x64xi32>
    %add3A_232 = arith.addi %rem3A_218, %add3A_231 : vector<64x64xi32>
    %select_n3A_233 = arith.select %and3A_230, %add3A_232, %rem3A_218 : vector<64x64xi1>, vector<64x64xi32>
    %jit3A_234 = arith.constant 16 : i32
    %div3A_235 = vector.broadcast %jit3A_234 : i32 to vector<64x64xi32>
    %div3A_236 = arith.divsi %iota3A_157, %div3A_235 : vector<64x64xi32>
    %sign3A_237 = arith.constant 0 : i32
    %sign3A_238 = vector.broadcast %sign3A_237 : i32 to vector<64x64xi32>
    %sign3A_239 = arith.cmpi sgt, %iota3A_157, %sign3A_238 : vector<64x64xi32>
    %sign3A_240 = arith.extui %sign3A_239 : vector<64x64xi1> to vector<64x64xi32>
    %sign3A_241 = arith.constant 0 : i32
    %sign3A_242 = vector.broadcast %sign3A_241 : i32 to vector<64x64xi32>
    %sign3A_243 = arith.cmpi slt, %iota3A_157, %sign3A_242 : vector<64x64xi32>
    %sign3A_244 = arith.extui %sign3A_243 : vector<64x64xi1> to vector<64x64xi32>
    %sign3A_245 = arith.subi %sign3A_240, %sign3A_244 : vector<64x64xi32>
    %sign3A_246 = arith.constant 0 : i32
    %sign3A_247 = arith.cmpi sgt, %jit3A_234, %sign3A_246 : i32
    %sign3A_248 = arith.extui %sign3A_247 : i1 to i32
    %sign3A_249 = arith.constant 0 : i32
    %sign3A_250 = arith.cmpi slt, %jit3A_234, %sign3A_249 : i32
    %sign3A_251 = arith.extui %sign3A_250 : i1 to i32
    %sign3A_252 = arith.subi %sign3A_248, %sign3A_251 : i32
    %ne3A_253 = vector.broadcast %sign3A_252 : i32 to vector<64x64xi32>
    %ne3A_254 = arith.cmpi ne, %sign3A_245, %ne3A_253 : vector<64x64xi32>
    %rem3A_255 = vector.broadcast %jit3A_234 : i32 to vector<64x64xi32>
    %rem3A_256 = arith.remsi %iota3A_157, %rem3A_255 : vector<64x64xi32>
    %ne3A_257 = arith.constant 0 : i32
    %ne3A_258 = vector.broadcast %ne3A_257 : i32 to vector<64x64xi32>
    %ne3A_259 = arith.cmpi ne, %rem3A_256, %ne3A_258 : vector<64x64xi32>
    %and3A_260 = arith.andi %ne3A_254, %ne3A_259 : vector<64x64xi1>
    %sub3A_261 = arith.constant 1 : i32
    %sub3A_262 = vector.broadcast %sub3A_261 : i32 to vector<64x64xi32>
    %sub3A_263 = arith.subi %div3A_236, %sub3A_262 : vector<64x64xi32>
    %select_n3A_264 = arith.select %and3A_260, %sub3A_263, %div3A_236 : vector<64x64xi1>, vector<64x64xi32>
    %broadcast_in_dim3A_265 = arith.constant 0 : i32
    %broadcast_in_dim3A_266 = vector.broadcast %broadcast_in_dim3A_265 : i32 to vector<64x64xi32>
    %broadcast_in_dim3A_267 = arith.constant 1.000000e+00 : f32
    %broadcast_in_dim3A_268 = vector.broadcast %broadcast_in_dim3A_267 : f32 to vector<64x64xf32>
    %eq3A_269 = arith.constant 0 : i32
    %eq3A_270 = vector.broadcast %eq3A_269 : i32 to vector<64x64xi32>
    %eq3A_271 = arith.cmpi eq, %select_n3A_211, %eq3A_270 : vector<64x64xi32>
    %get3A_272 = arith.constant 0 : index
    %get3A_273 = arith.constant 0 : index
    %get3A_274 = memref.load %arg1[%get3A_272, %get3A_273] : memref<3x4xi32, #tpu.memory_space<smem>>
    %jit3A_275 = arith.constant 0 : i32
    %broadcast_in_dim3A_276 = vector.broadcast %get3A_274 : i32 to vector<64x64xi32>
    %broadcast_in_dim3A_277 = vector.broadcast %jit3A_275 : i32 to vector<64x64xi32>
    %select_n3A_278 = arith.select %eq3A_271, %broadcast_in_dim3A_276, %broadcast_in_dim3A_277 : vector<64x64xi1>, vector<64x64xi32>
    %add3A_279 = arith.addi %broadcast_in_dim3A_266, %select_n3A_278 : vector<64x64xi32>
    %eq3A_280 = arith.constant 0 : i32
    %eq3A_281 = vector.broadcast %eq3A_280 : i32 to vector<64x64xi32>
    %eq3A_282 = arith.cmpi eq, %select_n3A_233, %eq3A_281 : vector<64x64xi32>
    %get3A_283 = arith.constant 1 : index
    %get3A_284 = arith.constant 0 : index
    %get3A_285 = memref.load %arg1[%get3A_283, %get3A_284] : memref<3x4xi32, #tpu.memory_space<smem>>
    %jit3A_286 = arith.constant 0 : i32
    %broadcast_in_dim3A_287 = vector.broadcast %get3A_285 : i32 to vector<64x64xi32>
    %broadcast_in_dim3A_288 = vector.broadcast %jit3A_286 : i32 to vector<64x64xi32>
    %select_n3A_289 = arith.select %eq3A_282, %broadcast_in_dim3A_287, %broadcast_in_dim3A_288 : vector<64x64xi1>, vector<64x64xi32>
    %add3A_290 = arith.addi %add3A_279, %select_n3A_289 : vector<64x64xi32>
    %eq3A_291 = arith.constant 0 : i32
    %eq3A_292 = vector.broadcast %eq3A_291 : i32 to vector<64x64xi32>
    %eq3A_293 = arith.cmpi eq, %select_n3A_264, %eq3A_292 : vector<64x64xi32>
    %get3A_294 = arith.constant 2 : index
    %get3A_295 = arith.constant 0 : index
    %get3A_296 = memref.load %arg1[%get3A_294, %get3A_295] : memref<3x4xi32, #tpu.memory_space<smem>>
    %jit3A_297 = arith.constant 0 : i32
    %broadcast_in_dim3A_298 = vector.broadcast %get3A_296 : i32 to vector<64x64xi32>
    %broadcast_in_dim3A_299 = vector.broadcast %jit3A_297 : i32 to vector<64x64xi32>
    %select_n3A_300 = arith.select %eq3A_293, %broadcast_in_dim3A_298, %broadcast_in_dim3A_299 : vector<64x64xi1>, vector<64x64xi32>
    %add3A_301 = arith.addi %add3A_290, %select_n3A_300 : vector<64x64xi32>
    %eq3A_302 = arith.constant 0 : i32
    %eq3A_303 = vector.broadcast %eq3A_302 : i32 to vector<64x64xi32>
    %eq3A_304 = arith.cmpi eq, %select_n3A_211, %eq3A_303 : vector<64x64xi32>
    %get3A_305 = arith.constant 0 : index
    %get3A_306 = arith.constant 0 : index
    %get3A_307 = memref.load %arg2[%get3A_305, %get3A_306] : memref<3x4xf32, #tpu.memory_space<smem>>
    %jit3A_308 = arith.constant 1.000000e+00 : f32
    %broadcast_in_dim3A_309 = vector.broadcast %get3A_307 : f32 to vector<64x64xf32>
    %broadcast_in_dim3A_310 = vector.broadcast %jit3A_308 : f32 to vector<64x64xf32>
    %select_n3A_311 = arith.select %eq3A_304, %broadcast_in_dim3A_309, %broadcast_in_dim3A_310 : vector<64x64xi1>, vector<64x64xf32>
    %mul3A_312 = arith.mulf %broadcast_in_dim3A_268, %select_n3A_311 : vector<64x64xf32>
    %eq3A_313 = arith.constant 0 : i32
    %eq3A_314 = vector.broadcast %eq3A_313 : i32 to vector<64x64xi32>
    %eq3A_315 = arith.cmpi eq, %select_n3A_233, %eq3A_314 : vector<64x64xi32>
    %get3A_316 = arith.constant 1 : index
    %get3A_317 = arith.constant 0 : index
    %get3A_318 = memref.load %arg2[%get3A_316, %get3A_317] : memref<3x4xf32, #tpu.memory_space<smem>>
    %jit3A_319 = arith.constant 1.000000e+00 : f32
    %broadcast_in_dim3A_320 = vector.broadcast %get3A_318 : f32 to vector<64x64xf32>
    %broadcast_in_dim3A_321 = vector.broadcast %jit3A_319 : f32 to vector<64x64xf32>
    %select_n3A_322 = arith.select %eq3A_315, %broadcast_in_dim3A_320, %broadcast_in_dim3A_321 : vector<64x64xi1>, vector<64x64xf32>
    %mul3A_323 = arith.mulf %mul3A_312, %select_n3A_322 : vector<64x64xf32>
    %eq3A_324 = arith.constant 0 : i32
    %eq3A_325 = vector.broadcast %eq3A_324 : i32 to vector<64x64xi32>
    %eq3A_326 = arith.cmpi eq, %select_n3A_264, %eq3A_325 : vector<64x64xi32>
    %get3A_327 = arith.constant 2 : index
    %get3A_328 = arith.constant 0 : index
    %get3A_329 = memref.load %arg2[%get3A_327, %get3A_328] : memref<3x4xf32, #tpu.memory_space<smem>>
    %jit3A_330 = arith.constant 1.000000e+00 : f32
    %broadcast_in_dim3A_331 = vector.broadcast %get3A_329 : f32 to vector<64x64xf32>
    %broadcast_in_dim3A_332 = vector.broadcast %jit3A_330 : f32 to vector<64x64xf32>
    %select_n3A_333 = arith.select %eq3A_326, %broadcast_in_dim3A_331, %broadcast_in_dim3A_332 : vector<64x64xi1>, vector<64x64xf32>
    %mul3A_334 = arith.mulf %mul3A_323, %select_n3A_333 : vector<64x64xf32>
    %eq3A_335 = arith.constant 1 : i32
    %eq3A_336 = vector.broadcast %eq3A_335 : i32 to vector<64x64xi32>
    %eq3A_337 = arith.cmpi eq, %select_n3A_211, %eq3A_336 : vector<64x64xi32>
    %get3A_338 = arith.constant 0 : index
    %get3A_339 = arith.constant 1 : index
    %get3A_340 = memref.load %arg1[%get3A_338, %get3A_339] : memref<3x4xi32, #tpu.memory_space<smem>>
    %jit3A_341 = arith.constant 0 : i32
    %broadcast_in_dim3A_342 = vector.broadcast %get3A_340 : i32 to vector<64x64xi32>
    %broadcast_in_dim3A_343 = vector.broadcast %jit3A_341 : i32 to vector<64x64xi32>
    %select_n3A_344 = arith.select %eq3A_337, %broadcast_in_dim3A_342, %broadcast_in_dim3A_343 : vector<64x64xi1>, vector<64x64xi32>
    %add3A_345 = arith.addi %add3A_301, %select_n3A_344 : vector<64x64xi32>
    %eq3A_346 = arith.constant 1 : i32
    %eq3A_347 = vector.broadcast %eq3A_346 : i32 to vector<64x64xi32>
    %eq3A_348 = arith.cmpi eq, %select_n3A_233, %eq3A_347 : vector<64x64xi32>
    %get3A_349 = arith.constant 1 : index
    %get3A_350 = arith.constant 1 : index
    %get3A_351 = memref.load %arg1[%get3A_349, %get3A_350] : memref<3x4xi32, #tpu.memory_space<smem>>
    %jit3A_352 = arith.constant 0 : i32
    %broadcast_in_dim3A_353 = vector.broadcast %get3A_351 : i32 to vector<64x64xi32>
    %broadcast_in_dim3A_354 = vector.broadcast %jit3A_352 : i32 to vector<64x64xi32>
    %select_n3A_355 = arith.select %eq3A_348, %broadcast_in_dim3A_353, %broadcast_in_dim3A_354 : vector<64x64xi1>, vector<64x64xi32>
    %add3A_356 = arith.addi %add3A_345, %select_n3A_355 : vector<64x64xi32>
    %eq3A_357 = arith.constant 1 : i32
    %eq3A_358 = vector.broadcast %eq3A_357 : i32 to vector<64x64xi32>
    %eq3A_359 = arith.cmpi eq, %select_n3A_264, %eq3A_358 : vector<64x64xi32>
    %get3A_360 = arith.constant 2 : index
    %get3A_361 = arith.constant 1 : index
    %get3A_362 = memref.load %arg1[%get3A_360, %get3A_361] : memref<3x4xi32, #tpu.memory_space<smem>>
    %jit3A_363 = arith.constant 0 : i32
    %broadcast_in_dim3A_364 = vector.broadcast %get3A_362 : i32 to vector<64x64xi32>
    %broadcast_in_dim3A_365 = vector.broadcast %jit3A_363 : i32 to vector<64x64xi32>
    %select_n3A_366 = arith.select %eq3A_359, %broadcast_in_dim3A_364, %broadcast_in_dim3A_365 : vector<64x64xi1>, vector<64x64xi32>
    %add3A_367 = arith.addi %add3A_356, %select_n3A_366 : vector<64x64xi32>
    %eq3A_368 = arith.constant 1 : i32
    %eq3A_369 = vector.broadcast %eq3A_368 : i32 to vector<64x64xi32>
    %eq3A_370 = arith.cmpi eq, %select_n3A_211, %eq3A_369 : vector<64x64xi32>
    %get3A_371 = arith.constant 0 : index
    %get3A_372 = arith.constant 1 : index
    %get3A_373 = memref.load %arg2[%get3A_371, %get3A_372] : memref<3x4xf32, #tpu.memory_space<smem>>
    %jit3A_374 = arith.constant 1.000000e+00 : f32
    %broadcast_in_dim3A_375 = vector.broadcast %get3A_373 : f32 to vector<64x64xf32>
    %broadcast_in_dim3A_376 = vector.broadcast %jit3A_374 : f32 to vector<64x64xf32>
    %select_n3A_377 = arith.select %eq3A_370, %broadcast_in_dim3A_375, %broadcast_in_dim3A_376 : vector<64x64xi1>, vector<64x64xf32>
    %mul3A_378 = arith.mulf %mul3A_334, %select_n3A_377 : vector<64x64xf32>
    %eq3A_379 = arith.constant 1 : i32
    %eq3A_380 = vector.broadcast %eq3A_379 : i32 to vector<64x64xi32>
    %eq3A_381 = arith.cmpi eq, %select_n3A_233, %eq3A_380 : vector<64x64xi32>
    %get3A_382 = arith.constant 1 : index
    %get3A_383 = arith.constant 1 : index
    %get3A_384 = memref.load %arg2[%get3A_382, %get3A_383] : memref<3x4xf32, #tpu.memory_space<smem>>
    %jit3A_385 = arith.constant 1.000000e+00 : f32
    %broadcast_in_dim3A_386 = vector.broadcast %get3A_384 : f32 to vector<64x64xf32>
    %broadcast_in_dim3A_387 = vector.broadcast %jit3A_385 : f32 to vector<64x64xf32>
    %select_n3A_388 = arith.select %eq3A_381, %broadcast_in_dim3A_386, %broadcast_in_dim3A_387 : vector<64x64xi1>, vector<64x64xf32>
    %mul3A_389 = arith.mulf %mul3A_378, %select_n3A_388 : vector<64x64xf32>
    %eq3A_390 = arith.constant 1 : i32
    %eq3A_391 = vector.broadcast %eq3A_390 : i32 to vector<64x64xi32>
    %eq3A_392 = arith.cmpi eq, %select_n3A_264, %eq3A_391 : vector<64x64xi32>
    %get3A_393 = arith.constant 2 : index
    %get3A_394 = arith.constant 1 : index
    %get3A_395 = memref.load %arg2[%get3A_393, %get3A_394] : memref<3x4xf32, #tpu.memory_space<smem>>
    %jit3A_396 = arith.constant 1.000000e+00 : f32
    %broadcast_in_dim3A_397 = vector.broadcast %get3A_395 : f32 to vector<64x64xf32>
    %broadcast_in_dim3A_398 = vector.broadcast %jit3A_396 : f32 to vector<64x64xf32>
    %select_n3A_399 = arith.select %eq3A_392, %broadcast_in_dim3A_397, %broadcast_in_dim3A_398 : vector<64x64xi1>, vector<64x64xf32>
    %mul3A_400 = arith.mulf %mul3A_389, %select_n3A_399 : vector<64x64xf32>
    %eq3A_401 = arith.constant 2 : i32
    %eq3A_402 = vector.broadcast %eq3A_401 : i32 to vector<64x64xi32>
    %eq3A_403 = arith.cmpi eq, %select_n3A_211, %eq3A_402 : vector<64x64xi32>
    %get3A_404 = arith.constant 0 : index
    %get3A_405 = arith.constant 2 : index
    %get3A_406 = memref.load %arg1[%get3A_404, %get3A_405] : memref<3x4xi32, #tpu.memory_space<smem>>
    %jit3A_407 = arith.constant 0 : i32
    %broadcast_in_dim3A_408 = vector.broadcast %get3A_406 : i32 to vector<64x64xi32>
    %broadcast_in_dim3A_409 = vector.broadcast %jit3A_407 : i32 to vector<64x64xi32>
    %select_n3A_410 = arith.select %eq3A_403, %broadcast_in_dim3A_408, %broadcast_in_dim3A_409 : vector<64x64xi1>, vector<64x64xi32>
    %add3A_411 = arith.addi %add3A_367, %select_n3A_410 : vector<64x64xi32>
    %eq3A_412 = arith.constant 2 : i32
    %eq3A_413 = vector.broadcast %eq3A_412 : i32 to vector<64x64xi32>
    %eq3A_414 = arith.cmpi eq, %select_n3A_233, %eq3A_413 : vector<64x64xi32>
    %get3A_415 = arith.constant 1 : index
    %get3A_416 = arith.constant 2 : index
    %get3A_417 = memref.load %arg1[%get3A_415, %get3A_416] : memref<3x4xi32, #tpu.memory_space<smem>>
    %jit3A_418 = arith.constant 0 : i32
    %broadcast_in_dim3A_419 = vector.broadcast %get3A_417 : i32 to vector<64x64xi32>
    %broadcast_in_dim3A_420 = vector.broadcast %jit3A_418 : i32 to vector<64x64xi32>
    %select_n3A_421 = arith.select %eq3A_414, %broadcast_in_dim3A_419, %broadcast_in_dim3A_420 : vector<64x64xi1>, vector<64x64xi32>
    %add3A_422 = arith.addi %add3A_411, %select_n3A_421 : vector<64x64xi32>
    %eq3A_423 = arith.constant 2 : i32
    %eq3A_424 = vector.broadcast %eq3A_423 : i32 to vector<64x64xi32>
    %eq3A_425 = arith.cmpi eq, %select_n3A_264, %eq3A_424 : vector<64x64xi32>
    %get3A_426 = arith.constant 2 : index
    %get3A_427 = arith.constant 2 : index
    %get3A_428 = memref.load %arg1[%get3A_426, %get3A_427] : memref<3x4xi32, #tpu.memory_space<smem>>
    %jit3A_429 = arith.constant 0 : i32
    %broadcast_in_dim3A_430 = vector.broadcast %get3A_428 : i32 to vector<64x64xi32>
    %broadcast_in_dim3A_431 = vector.broadcast %jit3A_429 : i32 to vector<64x64xi32>
    %select_n3A_432 = arith.select %eq3A_425, %broadcast_in_dim3A_430, %broadcast_in_dim3A_431 : vector<64x64xi1>, vector<64x64xi32>
    %add3A_433 = arith.addi %add3A_422, %select_n3A_432 : vector<64x64xi32>
    %eq3A_434 = arith.constant 2 : i32
    %eq3A_435 = vector.broadcast %eq3A_434 : i32 to vector<64x64xi32>
    %eq3A_436 = arith.cmpi eq, %select_n3A_211, %eq3A_435 : vector<64x64xi32>
    %get3A_437 = arith.constant 0 : index
    %get3A_438 = arith.constant 2 : index
    %get3A_439 = memref.load %arg2[%get3A_437, %get3A_438] : memref<3x4xf32, #tpu.memory_space<smem>>
    %jit3A_440 = arith.constant 1.000000e+00 : f32
    %broadcast_in_dim3A_441 = vector.broadcast %get3A_439 : f32 to vector<64x64xf32>
    %broadcast_in_dim3A_442 = vector.broadcast %jit3A_440 : f32 to vector<64x64xf32>
    %select_n3A_443 = arith.select %eq3A_436, %broadcast_in_dim3A_441, %broadcast_in_dim3A_442 : vector<64x64xi1>, vector<64x64xf32>
    %mul3A_444 = arith.mulf %mul3A_400, %select_n3A_443 : vector<64x64xf32>
    %eq3A_445 = arith.constant 2 : i32
    %eq3A_446 = vector.broadcast %eq3A_445 : i32 to vector<64x64xi32>
    %eq3A_447 = arith.cmpi eq, %select_n3A_233, %eq3A_446 : vector<64x64xi32>
    %get3A_448 = arith.constant 1 : index
    %get3A_449 = arith.constant 2 : index
    %get3A_450 = memref.load %arg2[%get3A_448, %get3A_449] : memref<3x4xf32, #tpu.memory_space<smem>>
    %jit3A_451 = arith.constant 1.000000e+00 : f32
    %broadcast_in_dim3A_452 = vector.broadcast %get3A_450 : f32 to vector<64x64xf32>
    %broadcast_in_dim3A_453 = vector.broadcast %jit3A_451 : f32 to vector<64x64xf32>
    %select_n3A_454 = arith.select %eq3A_447, %broadcast_in_dim3A_452, %broadcast_in_dim3A_453 : vector<64x64xi1>, vector<64x64xf32>
    %mul3A_455 = arith.mulf %mul3A_444, %select_n3A_454 : vector<64x64xf32>
    %eq3A_456 = arith.constant 2 : i32
    %eq3A_457 = vector.broadcast %eq3A_456 : i32 to vector<64x64xi32>
    %eq3A_458 = arith.cmpi eq, %select_n3A_264, %eq3A_457 : vector<64x64xi32>
    %get3A_459 = arith.constant 2 : index
    %get3A_460 = arith.constant 2 : index
    %get3A_461 = memref.load %arg2[%get3A_459, %get3A_460] : memref<3x4xf32, #tpu.memory_space<smem>>
    %jit3A_462 = arith.constant 1.000000e+00 : f32
    %broadcast_in_dim3A_463 = vector.broadcast %get3A_461 : f32 to vector<64x64xf32>
    %broadcast_in_dim3A_464 = vector.broadcast %jit3A_462 : f32 to vector<64x64xf32>
    %select_n3A_465 = arith.select %eq3A_458, %broadcast_in_dim3A_463, %broadcast_in_dim3A_464 : vector<64x64xi1>, vector<64x64xf32>
    %mul3A_466 = arith.mulf %mul3A_455, %select_n3A_465 : vector<64x64xf32>
    %eq3A_467 = arith.constant 3 : i32
    %eq3A_468 = vector.broadcast %eq3A_467 : i32 to vector<64x64xi32>
    %eq3A_469 = arith.cmpi eq, %select_n3A_211, %eq3A_468 : vector<64x64xi32>
    %get3A_470 = arith.constant 0 : index
    %get3A_471 = arith.constant 3 : index
    %get3A_472 = memref.load %arg1[%get3A_470, %get3A_471] : memref<3x4xi32, #tpu.memory_space<smem>>
    %jit3A_473 = arith.constant 0 : i32
    %broadcast_in_dim3A_474 = vector.broadcast %get3A_472 : i32 to vector<64x64xi32>
    %broadcast_in_dim3A_475 = vector.broadcast %jit3A_473 : i32 to vector<64x64xi32>
    %select_n3A_476 = arith.select %eq3A_469, %broadcast_in_dim3A_474, %broadcast_in_dim3A_475 : vector<64x64xi1>, vector<64x64xi32>
    %add3A_477 = arith.addi %add3A_433, %select_n3A_476 : vector<64x64xi32>
    %eq3A_478 = arith.constant 3 : i32
    %eq3A_479 = vector.broadcast %eq3A_478 : i32 to vector<64x64xi32>
    %eq3A_480 = arith.cmpi eq, %select_n3A_233, %eq3A_479 : vector<64x64xi32>
    %get3A_481 = arith.constant 1 : index
    %get3A_482 = arith.constant 3 : index
    %get3A_483 = memref.load %arg1[%get3A_481, %get3A_482] : memref<3x4xi32, #tpu.memory_space<smem>>
    %jit3A_484 = arith.constant 0 : i32
    %broadcast_in_dim3A_485 = vector.broadcast %get3A_483 : i32 to vector<64x64xi32>
    %broadcast_in_dim3A_486 = vector.broadcast %jit3A_484 : i32 to vector<64x64xi32>
    %select_n3A_487 = arith.select %eq3A_480, %broadcast_in_dim3A_485, %broadcast_in_dim3A_486 : vector<64x64xi1>, vector<64x64xi32>
    %add3A_488 = arith.addi %add3A_477, %select_n3A_487 : vector<64x64xi32>
    %eq3A_489 = arith.constant 3 : i32
    %eq3A_490 = vector.broadcast %eq3A_489 : i32 to vector<64x64xi32>
    %eq3A_491 = arith.cmpi eq, %select_n3A_264, %eq3A_490 : vector<64x64xi32>
    %get3A_492 = arith.constant 2 : index
    %get3A_493 = arith.constant 3 : index
    %get3A_494 = memref.load %arg1[%get3A_492, %get3A_493] : memref<3x4xi32, #tpu.memory_space<smem>>
    %jit3A_495 = arith.constant 0 : i32
    %broadcast_in_dim3A_496 = vector.broadcast %get3A_494 : i32 to vector<64x64xi32>
    %broadcast_in_dim3A_497 = vector.broadcast %jit3A_495 : i32 to vector<64x64xi32>
    %select_n3A_498 = arith.select %eq3A_491, %broadcast_in_dim3A_496, %broadcast_in_dim3A_497 : vector<64x64xi1>, vector<64x64xi32>
    %add3A_499 = arith.addi %add3A_488, %select_n3A_498 : vector<64x64xi32>
    %eq3A_500 = arith.constant 3 : i32
    %eq3A_501 = vector.broadcast %eq3A_500 : i32 to vector<64x64xi32>
    %eq3A_502 = arith.cmpi eq, %select_n3A_211, %eq3A_501 : vector<64x64xi32>
    %get3A_503 = arith.constant 0 : index
    %get3A_504 = arith.constant 3 : index
    %get3A_505 = memref.load %arg2[%get3A_503, %get3A_504] : memref<3x4xf32, #tpu.memory_space<smem>>
    %jit3A_506 = arith.constant 1.000000e+00 : f32
    %broadcast_in_dim3A_507 = vector.broadcast %get3A_505 : f32 to vector<64x64xf32>
    %broadcast_in_dim3A_508 = vector.broadcast %jit3A_506 : f32 to vector<64x64xf32>
    %select_n3A_509 = arith.select %eq3A_502, %broadcast_in_dim3A_507, %broadcast_in_dim3A_508 : vector<64x64xi1>, vector<64x64xf32>
    %mul3A_510 = arith.mulf %mul3A_466, %select_n3A_509 : vector<64x64xf32>
    %eq3A_511 = arith.constant 3 : i32
    %eq3A_512 = vector.broadcast %eq3A_511 : i32 to vector<64x64xi32>
    %eq3A_513 = arith.cmpi eq, %select_n3A_233, %eq3A_512 : vector<64x64xi32>
    %get3A_514 = arith.constant 1 : index
    %get3A_515 = arith.constant 3 : index
    %get3A_516 = memref.load %arg2[%get3A_514, %get3A_515] : memref<3x4xf32, #tpu.memory_space<smem>>
    %jit3A_517 = arith.constant 1.000000e+00 : f32
    %broadcast_in_dim3A_518 = vector.broadcast %get3A_516 : f32 to vector<64x64xf32>
    %broadcast_in_dim3A_519 = vector.broadcast %jit3A_517 : f32 to vector<64x64xf32>
    %select_n3A_520 = arith.select %eq3A_513, %broadcast_in_dim3A_518, %broadcast_in_dim3A_519 : vector<64x64xi1>, vector<64x64xf32>
    %mul3A_521 = arith.mulf %mul3A_510, %select_n3A_520 : vector<64x64xf32>
    %eq3A_522 = arith.constant 3 : i32
    %eq3A_523 = vector.broadcast %eq3A_522 : i32 to vector<64x64xi32>
    %eq3A_524 = arith.cmpi eq, %select_n3A_264, %eq3A_523 : vector<64x64xi32>
    %get3A_525 = arith.constant 2 : index
    %get3A_526 = arith.constant 3 : index
    %get3A_527 = memref.load %arg2[%get3A_525, %get3A_526] : memref<3x4xf32, #tpu.memory_space<smem>>
    %jit3A_528 = arith.constant 1.000000e+00 : f32
    %broadcast_in_dim3A_529 = vector.broadcast %get3A_527 : f32 to vector<64x64xf32>
    %broadcast_in_dim3A_530 = vector.broadcast %jit3A_528 : f32 to vector<64x64xf32>
    %select_n3A_531 = arith.select %eq3A_524, %broadcast_in_dim3A_529, %broadcast_in_dim3A_530 : vector<64x64xi1>, vector<64x64xf32>
    %mul3A_532 = arith.mulf %mul3A_521, %select_n3A_531 : vector<64x64xf32>
    %jit3A_533 = arith.constant 64 : i32
    %eq3A_534 = arith.constant 0 : i32
    %eq3A_535 = arith.cmpi eq, %jit3A_533, %eq3A_534 : i32
    %jit3A_536 = arith.constant 1 : i32
    %select_n3A_537 = arith.select %eq3A_535, %jit3A_536, %jit3A_533 : i32
    %rem3A_538 = vector.broadcast %select_n3A_537 : i32 to vector<64x64xi32>
    %rem3A_539 = arith.remsi %add3A_499, %rem3A_538 : vector<64x64xi32>
    %ne3A_540 = arith.constant 0 : i32
    %ne3A_541 = vector.broadcast %ne3A_540 : i32 to vector<64x64xi32>
    %ne3A_542 = arith.cmpi ne, %rem3A_539, %ne3A_541 : vector<64x64xi32>
    %lt3A_543 = arith.constant 0 : i32
    %lt3A_544 = vector.broadcast %lt3A_543 : i32 to vector<64x64xi32>
    %lt3A_545 = arith.cmpi slt, %rem3A_539, %lt3A_544 : vector<64x64xi32>
    %lt3A_546 = arith.constant 0 : i32
    %lt3A_547 = arith.cmpi slt, %select_n3A_537, %lt3A_546 : i32
    %ne3A_548 = vector.broadcast %lt3A_547 : i1 to vector<64x64xi1>
    %ne3A_549 = vector.broadcast %ne3A_548 : vector<64x64xi1> to vector<64x64xi1>
    %ne3A_550 = arith.xori %lt3A_545, %ne3A_549 : vector<64x64xi1>
    %and3A_551 = arith.andi %ne3A_550, %ne3A_542 : vector<64x64xi1>
    %add3A_552 = vector.broadcast %select_n3A_537 : i32 to vector<64x64xi32>
    %add3A_553 = arith.addi %rem3A_539, %add3A_552 : vector<64x64xi32>
    %select_n3A_554 = arith.select %and3A_551, %add3A_553, %rem3A_539 : vector<64x64xi1>, vector<64x64xi32>
    %eq3A_555 = arith.cmpi eq, %select_n3A_554, %iota3A_158 : vector<64x64xi32>
    %convert_element_type3A_556 = arith.extui %eq3A_555 : vector<64x64xi1> to vector<64x64xi32>
    %convert_element_type3A_557 = arith.sitofp %convert_element_type3A_556 : vector<64x64xi32> to vector<64x64xf32>
    %mul3A_558 = arith.mulf %convert_element_type3A_557, %mul3A_532 : vector<64x64xf32>
    %jit3A_559 = arith.constant 16 : i32
    %div3A_560 = vector.broadcast %jit3A_559 : i32 to vector<64x64xi32>
    %div3A_561 = arith.divsi %iota3A_157, %div3A_560 : vector<64x64xi32>
    %sign3A_562 = arith.constant 0 : i32
    %sign3A_563 = vector.broadcast %sign3A_562 : i32 to vector<64x64xi32>
    %sign3A_564 = arith.cmpi sgt, %iota3A_157, %sign3A_563 : vector<64x64xi32>
    %sign3A_565 = arith.extui %sign3A_564 : vector<64x64xi1> to vector<64x64xi32>
    %sign3A_566 = arith.constant 0 : i32
    %sign3A_567 = vector.broadcast %sign3A_566 : i32 to vector<64x64xi32>
    %sign3A_568 = arith.cmpi slt, %iota3A_157, %sign3A_567 : vector<64x64xi32>
    %sign3A_569 = arith.extui %sign3A_568 : vector<64x64xi1> to vector<64x64xi32>
    %sign3A_570 = arith.subi %sign3A_565, %sign3A_569 : vector<64x64xi32>
    %sign3A_571 = arith.constant 0 : i32
    %sign3A_572 = arith.cmpi sgt, %jit3A_559, %sign3A_571 : i32
    %sign3A_573 = arith.extui %sign3A_572 : i1 to i32
    %sign3A_574 = arith.constant 0 : i32
    %sign3A_575 = arith.cmpi slt, %jit3A_559, %sign3A_574 : i32
    %sign3A_576 = arith.extui %sign3A_575 : i1 to i32
    %sign3A_577 = arith.subi %sign3A_573, %sign3A_576 : i32
    %ne3A_578 = vector.broadcast %sign3A_577 : i32 to vector<64x64xi32>
    %ne3A_579 = arith.cmpi ne, %sign3A_570, %ne3A_578 : vector<64x64xi32>
    %rem3A_580 = vector.broadcast %jit3A_559 : i32 to vector<64x64xi32>
    %rem3A_581 = arith.remsi %iota3A_157, %rem3A_580 : vector<64x64xi32>
    %ne3A_582 = arith.constant 0 : i32
    %ne3A_583 = vector.broadcast %ne3A_582 : i32 to vector<64x64xi32>
    %ne3A_584 = arith.cmpi ne, %rem3A_581, %ne3A_583 : vector<64x64xi32>
    %and3A_585 = arith.andi %ne3A_579, %ne3A_584 : vector<64x64xi1>
    %sub3A_586 = arith.constant 1 : i32
    %sub3A_587 = vector.broadcast %sub3A_586 : i32 to vector<64x64xi32>
    %sub3A_588 = arith.subi %div3A_561, %sub3A_587 : vector<64x64xi32>
    %select_n3A_589 = arith.select %and3A_585, %sub3A_588, %div3A_561 : vector<64x64xi1>, vector<64x64xi32>
    %jit3A_590 = arith.constant 4 : i32
    %div3A_591 = vector.broadcast %jit3A_590 : i32 to vector<64x64xi32>
    %div3A_592 = arith.divsi %iota3A_157, %div3A_591 : vector<64x64xi32>
    %sign3A_593 = arith.constant 0 : i32
    %sign3A_594 = vector.broadcast %sign3A_593 : i32 to vector<64x64xi32>
    %sign3A_595 = arith.cmpi sgt, %iota3A_157, %sign3A_594 : vector<64x64xi32>
    %sign3A_596 = arith.extui %sign3A_595 : vector<64x64xi1> to vector<64x64xi32>
    %sign3A_597 = arith.constant 0 : i32
    %sign3A_598 = vector.broadcast %sign3A_597 : i32 to vector<64x64xi32>
    %sign3A_599 = arith.cmpi slt, %iota3A_157, %sign3A_598 : vector<64x64xi32>
    %sign3A_600 = arith.extui %sign3A_599 : vector<64x64xi1> to vector<64x64xi32>
    %sign3A_601 = arith.subi %sign3A_596, %sign3A_600 : vector<64x64xi32>
    %sign3A_602 = arith.constant 0 : i32
    %sign3A_603 = arith.cmpi sgt, %jit3A_590, %sign3A_602 : i32
    %sign3A_604 = arith.extui %sign3A_603 : i1 to i32
    %sign3A_605 = arith.constant 0 : i32
    %sign3A_606 = arith.cmpi slt, %jit3A_590, %sign3A_605 : i32
    %sign3A_607 = arith.extui %sign3A_606 : i1 to i32
    %sign3A_608 = arith.subi %sign3A_604, %sign3A_607 : i32
    %ne3A_609 = vector.broadcast %sign3A_608 : i32 to vector<64x64xi32>
    %ne3A_610 = arith.cmpi ne, %sign3A_601, %ne3A_609 : vector<64x64xi32>
    %rem3A_611 = vector.broadcast %jit3A_590 : i32 to vector<64x64xi32>
    %rem3A_612 = arith.remsi %iota3A_157, %rem3A_611 : vector<64x64xi32>
    %ne3A_613 = arith.constant 0 : i32
    %ne3A_614 = vector.broadcast %ne3A_613 : i32 to vector<64x64xi32>
    %ne3A_615 = arith.cmpi ne, %rem3A_612, %ne3A_614 : vector<64x64xi32>
    %and3A_616 = arith.andi %ne3A_610, %ne3A_615 : vector<64x64xi1>
    %sub3A_617 = arith.constant 1 : i32
    %sub3A_618 = vector.broadcast %sub3A_617 : i32 to vector<64x64xi32>
    %sub3A_619 = arith.subi %div3A_592, %sub3A_618 : vector<64x64xi32>
    %select_n3A_620 = arith.select %and3A_616, %sub3A_619, %div3A_592 : vector<64x64xi1>, vector<64x64xi32>
    %jit3A_621 = arith.constant 4 : i32
    %eq3A_622 = arith.constant 0 : i32
    %eq3A_623 = arith.cmpi eq, %jit3A_621, %eq3A_622 : i32
    %jit3A_624 = arith.constant 1 : i32
    %select_n3A_625 = arith.select %eq3A_623, %jit3A_624, %jit3A_621 : i32
    %rem3A_626 = vector.broadcast %select_n3A_625 : i32 to vector<64x64xi32>
    %rem3A_627 = arith.remsi %select_n3A_620, %rem3A_626 : vector<64x64xi32>
    %ne3A_628 = arith.constant 0 : i32
    %ne3A_629 = vector.broadcast %ne3A_628 : i32 to vector<64x64xi32>
    %ne3A_630 = arith.cmpi ne, %rem3A_627, %ne3A_629 : vector<64x64xi32>
    %lt3A_631 = arith.constant 0 : i32
    %lt3A_632 = vector.broadcast %lt3A_631 : i32 to vector<64x64xi32>
    %lt3A_633 = arith.cmpi slt, %rem3A_627, %lt3A_632 : vector<64x64xi32>
    %lt3A_634 = arith.constant 0 : i32
    %lt3A_635 = arith.cmpi slt, %select_n3A_625, %lt3A_634 : i32
    %ne3A_636 = vector.broadcast %lt3A_635 : i1 to vector<64x64xi1>
    %ne3A_637 = vector.broadcast %ne3A_636 : vector<64x64xi1> to vector<64x64xi1>
    %ne3A_638 = arith.xori %lt3A_633, %ne3A_637 : vector<64x64xi1>
    %and3A_639 = arith.andi %ne3A_638, %ne3A_630 : vector<64x64xi1>
    %add3A_640 = vector.broadcast %select_n3A_625 : i32 to vector<64x64xi32>
    %add3A_641 = arith.addi %rem3A_627, %add3A_640 : vector<64x64xi32>
    %select_n3A_642 = arith.select %and3A_639, %add3A_641, %rem3A_627 : vector<64x64xi1>, vector<64x64xi32>
    %jit3A_643 = arith.constant 4 : i32
    %eq3A_644 = arith.constant 0 : i32
    %eq3A_645 = arith.cmpi eq, %jit3A_643, %eq3A_644 : i32
    %jit3A_646 = arith.constant 1 : i32
    %select_n3A_647 = arith.select %eq3A_645, %jit3A_646, %jit3A_643 : i32
    %rem3A_648 = vector.broadcast %select_n3A_647 : i32 to vector<64x64xi32>
    %rem3A_649 = arith.remsi %iota3A_157, %rem3A_648 : vector<64x64xi32>
    %ne3A_650 = arith.constant 0 : i32
    %ne3A_651 = vector.broadcast %ne3A_650 : i32 to vector<64x64xi32>
    %ne3A_652 = arith.cmpi ne, %rem3A_649, %ne3A_651 : vector<64x64xi32>
    %lt3A_653 = arith.constant 0 : i32
    %lt3A_654 = vector.broadcast %lt3A_653 : i32 to vector<64x64xi32>
    %lt3A_655 = arith.cmpi slt, %rem3A_649, %lt3A_654 : vector<64x64xi32>
    %lt3A_656 = arith.constant 0 : i32
    %lt3A_657 = arith.cmpi slt, %select_n3A_647, %lt3A_656 : i32
    %ne3A_658 = vector.broadcast %lt3A_657 : i1 to vector<64x64xi1>
    %ne3A_659 = vector.broadcast %ne3A_658 : vector<64x64xi1> to vector<64x64xi1>
    %ne3A_660 = arith.xori %lt3A_655, %ne3A_659 : vector<64x64xi1>
    %and3A_661 = arith.andi %ne3A_660, %ne3A_652 : vector<64x64xi1>
    %add3A_662 = vector.broadcast %select_n3A_647 : i32 to vector<64x64xi32>
    %add3A_663 = arith.addi %rem3A_649, %add3A_662 : vector<64x64xi32>
    %select_n3A_664 = arith.select %and3A_661, %add3A_663, %rem3A_649 : vector<64x64xi1>, vector<64x64xi32>
    %broadcast_in_dim3A_665 = arith.constant 0 : i32
    %broadcast_in_dim3A_666 = vector.broadcast %broadcast_in_dim3A_665 : i32 to vector<64x64xi32>
    %broadcast_in_dim3A_667 = arith.constant 1.000000e+00 : f32
    %broadcast_in_dim3A_668 = vector.broadcast %broadcast_in_dim3A_667 : f32 to vector<64x64xf32>
    %eq3A_669 = arith.constant 0 : i32
    %eq3A_670 = vector.broadcast %eq3A_669 : i32 to vector<64x64xi32>
    %eq3A_671 = arith.cmpi eq, %select_n3A_589, %eq3A_670 : vector<64x64xi32>
    %get3A_672 = arith.constant 0 : index
    %get3A_673 = arith.constant 0 : index
    %get3A_674 = memref.load %arg1[%get3A_672, %get3A_673] : memref<3x4xi32, #tpu.memory_space<smem>>
    %jit3A_675 = arith.constant 0 : i32
    %broadcast_in_dim3A_676 = vector.broadcast %get3A_674 : i32 to vector<64x64xi32>
    %broadcast_in_dim3A_677 = vector.broadcast %jit3A_675 : i32 to vector<64x64xi32>
    %select_n3A_678 = arith.select %eq3A_671, %broadcast_in_dim3A_676, %broadcast_in_dim3A_677 : vector<64x64xi1>, vector<64x64xi32>
    %add3A_679 = arith.addi %broadcast_in_dim3A_666, %select_n3A_678 : vector<64x64xi32>
    %eq3A_680 = arith.constant 0 : i32
    %eq3A_681 = vector.broadcast %eq3A_680 : i32 to vector<64x64xi32>
    %eq3A_682 = arith.cmpi eq, %select_n3A_642, %eq3A_681 : vector<64x64xi32>
    %get3A_683 = arith.constant 1 : index
    %get3A_684 = arith.constant 0 : index
    %get3A_685 = memref.load %arg1[%get3A_683, %get3A_684] : memref<3x4xi32, #tpu.memory_space<smem>>
    %jit3A_686 = arith.constant 0 : i32
    %broadcast_in_dim3A_687 = vector.broadcast %get3A_685 : i32 to vector<64x64xi32>
    %broadcast_in_dim3A_688 = vector.broadcast %jit3A_686 : i32 to vector<64x64xi32>
    %select_n3A_689 = arith.select %eq3A_682, %broadcast_in_dim3A_687, %broadcast_in_dim3A_688 : vector<64x64xi1>, vector<64x64xi32>
    %add3A_690 = arith.addi %add3A_679, %select_n3A_689 : vector<64x64xi32>
    %eq3A_691 = arith.constant 0 : i32
    %eq3A_692 = vector.broadcast %eq3A_691 : i32 to vector<64x64xi32>
    %eq3A_693 = arith.cmpi eq, %select_n3A_664, %eq3A_692 : vector<64x64xi32>
    %get3A_694 = arith.constant 2 : index
    %get3A_695 = arith.constant 0 : index
    %get3A_696 = memref.load %arg1[%get3A_694, %get3A_695] : memref<3x4xi32, #tpu.memory_space<smem>>
    %jit3A_697 = arith.constant 0 : i32
    %broadcast_in_dim3A_698 = vector.broadcast %get3A_696 : i32 to vector<64x64xi32>
    %broadcast_in_dim3A_699 = vector.broadcast %jit3A_697 : i32 to vector<64x64xi32>
    %select_n3A_700 = arith.select %eq3A_693, %broadcast_in_dim3A_698, %broadcast_in_dim3A_699 : vector<64x64xi1>, vector<64x64xi32>
    %add3A_701 = arith.addi %add3A_690, %select_n3A_700 : vector<64x64xi32>
    %eq3A_702 = arith.constant 0 : i32
    %eq3A_703 = vector.broadcast %eq3A_702 : i32 to vector<64x64xi32>
    %eq3A_704 = arith.cmpi eq, %select_n3A_589, %eq3A_703 : vector<64x64xi32>
    %get3A_705 = arith.constant 0 : index
    %get3A_706 = arith.constant 0 : index
    %get3A_707 = memref.load %arg2[%get3A_705, %get3A_706] : memref<3x4xf32, #tpu.memory_space<smem>>
    %jit3A_708 = arith.constant 1.000000e+00 : f32
    %broadcast_in_dim3A_709 = vector.broadcast %get3A_707 : f32 to vector<64x64xf32>
    %broadcast_in_dim3A_710 = vector.broadcast %jit3A_708 : f32 to vector<64x64xf32>
    %select_n3A_711 = arith.select %eq3A_704, %broadcast_in_dim3A_709, %broadcast_in_dim3A_710 : vector<64x64xi1>, vector<64x64xf32>
    %mul3A_712 = arith.mulf %broadcast_in_dim3A_668, %select_n3A_711 : vector<64x64xf32>
    %eq3A_713 = arith.constant 0 : i32
    %eq3A_714 = vector.broadcast %eq3A_713 : i32 to vector<64x64xi32>
    %eq3A_715 = arith.cmpi eq, %select_n3A_642, %eq3A_714 : vector<64x64xi32>
    %get3A_716 = arith.constant 1 : index
    %get3A_717 = arith.constant 0 : index
    %get3A_718 = memref.load %arg2[%get3A_716, %get3A_717] : memref<3x4xf32, #tpu.memory_space<smem>>
    %jit3A_719 = arith.constant 1.000000e+00 : f32
    %broadcast_in_dim3A_720 = vector.broadcast %get3A_718 : f32 to vector<64x64xf32>
    %broadcast_in_dim3A_721 = vector.broadcast %jit3A_719 : f32 to vector<64x64xf32>
    %select_n3A_722 = arith.select %eq3A_715, %broadcast_in_dim3A_720, %broadcast_in_dim3A_721 : vector<64x64xi1>, vector<64x64xf32>
    %mul3A_723 = arith.mulf %mul3A_712, %select_n3A_722 : vector<64x64xf32>
    %eq3A_724 = arith.constant 0 : i32
    %eq3A_725 = vector.broadcast %eq3A_724 : i32 to vector<64x64xi32>
    %eq3A_726 = arith.cmpi eq, %select_n3A_664, %eq3A_725 : vector<64x64xi32>
    %get3A_727 = arith.constant 2 : index
    %get3A_728 = arith.constant 0 : index
    %get3A_729 = memref.load %arg2[%get3A_727, %get3A_728] : memref<3x4xf32, #tpu.memory_space<smem>>
    %jit3A_730 = arith.constant 1.000000e+00 : f32
    %broadcast_in_dim3A_731 = vector.broadcast %get3A_729 : f32 to vector<64x64xf32>
    %broadcast_in_dim3A_732 = vector.broadcast %jit3A_730 : f32 to vector<64x64xf32>
    %select_n3A_733 = arith.select %eq3A_726, %broadcast_in_dim3A_731, %broadcast_in_dim3A_732 : vector<64x64xi1>, vector<64x64xf32>
    %mul3A_734 = arith.mulf %mul3A_723, %select_n3A_733 : vector<64x64xf32>
    %eq3A_735 = arith.constant 1 : i32
    %eq3A_736 = vector.broadcast %eq3A_735 : i32 to vector<64x64xi32>
    %eq3A_737 = arith.cmpi eq, %select_n3A_589, %eq3A_736 : vector<64x64xi32>
    %get3A_738 = arith.constant 0 : index
    %get3A_739 = arith.constant 1 : index
    %get3A_740 = memref.load %arg1[%get3A_738, %get3A_739] : memref<3x4xi32, #tpu.memory_space<smem>>
    %jit3A_741 = arith.constant 0 : i32
    %broadcast_in_dim3A_742 = vector.broadcast %get3A_740 : i32 to vector<64x64xi32>
    %broadcast_in_dim3A_743 = vector.broadcast %jit3A_741 : i32 to vector<64x64xi32>
    %select_n3A_744 = arith.select %eq3A_737, %broadcast_in_dim3A_742, %broadcast_in_dim3A_743 : vector<64x64xi1>, vector<64x64xi32>
    %add3A_745 = arith.addi %add3A_701, %select_n3A_744 : vector<64x64xi32>
    %eq3A_746 = arith.constant 1 : i32
    %eq3A_747 = vector.broadcast %eq3A_746 : i32 to vector<64x64xi32>
    %eq3A_748 = arith.cmpi eq, %select_n3A_642, %eq3A_747 : vector<64x64xi32>
    %get3A_749 = arith.constant 1 : index
    %get3A_750 = arith.constant 1 : index
    %get3A_751 = memref.load %arg1[%get3A_749, %get3A_750] : memref<3x4xi32, #tpu.memory_space<smem>>
    %jit3A_752 = arith.constant 0 : i32
    %broadcast_in_dim3A_753 = vector.broadcast %get3A_751 : i32 to vector<64x64xi32>
    %broadcast_in_dim3A_754 = vector.broadcast %jit3A_752 : i32 to vector<64x64xi32>
    %select_n3A_755 = arith.select %eq3A_748, %broadcast_in_dim3A_753, %broadcast_in_dim3A_754 : vector<64x64xi1>, vector<64x64xi32>
    %add3A_756 = arith.addi %add3A_745, %select_n3A_755 : vector<64x64xi32>
    %eq3A_757 = arith.constant 1 : i32
    %eq3A_758 = vector.broadcast %eq3A_757 : i32 to vector<64x64xi32>
    %eq3A_759 = arith.cmpi eq, %select_n3A_664, %eq3A_758 : vector<64x64xi32>
    %get3A_760 = arith.constant 2 : index
    %get3A_761 = arith.constant 1 : index
    %get3A_762 = memref.load %arg1[%get3A_760, %get3A_761] : memref<3x4xi32, #tpu.memory_space<smem>>
    %jit3A_763 = arith.constant 0 : i32
    %broadcast_in_dim3A_764 = vector.broadcast %get3A_762 : i32 to vector<64x64xi32>
    %broadcast_in_dim3A_765 = vector.broadcast %jit3A_763 : i32 to vector<64x64xi32>
    %select_n3A_766 = arith.select %eq3A_759, %broadcast_in_dim3A_764, %broadcast_in_dim3A_765 : vector<64x64xi1>, vector<64x64xi32>
    %add3A_767 = arith.addi %add3A_756, %select_n3A_766 : vector<64x64xi32>
    %eq3A_768 = arith.constant 1 : i32
    %eq3A_769 = vector.broadcast %eq3A_768 : i32 to vector<64x64xi32>
    %eq3A_770 = arith.cmpi eq, %select_n3A_589, %eq3A_769 : vector<64x64xi32>
    %get3A_771 = arith.constant 0 : index
    %get3A_772 = arith.constant 1 : index
    %get3A_773 = memref.load %arg2[%get3A_771, %get3A_772] : memref<3x4xf32, #tpu.memory_space<smem>>
    %jit3A_774 = arith.constant 1.000000e+00 : f32
    %broadcast_in_dim3A_775 = vector.broadcast %get3A_773 : f32 to vector<64x64xf32>
    %broadcast_in_dim3A_776 = vector.broadcast %jit3A_774 : f32 to vector<64x64xf32>
    %select_n3A_777 = arith.select %eq3A_770, %broadcast_in_dim3A_775, %broadcast_in_dim3A_776 : vector<64x64xi1>, vector<64x64xf32>
    %mul3A_778 = arith.mulf %mul3A_734, %select_n3A_777 : vector<64x64xf32>
    %eq3A_779 = arith.constant 1 : i32
    %eq3A_780 = vector.broadcast %eq3A_779 : i32 to vector<64x64xi32>
    %eq3A_781 = arith.cmpi eq, %select_n3A_642, %eq3A_780 : vector<64x64xi32>
    %get3A_782 = arith.constant 1 : index
    %get3A_783 = arith.constant 1 : index
    %get3A_784 = memref.load %arg2[%get3A_782, %get3A_783] : memref<3x4xf32, #tpu.memory_space<smem>>
    %jit3A_785 = arith.constant 1.000000e+00 : f32
    %broadcast_in_dim3A_786 = vector.broadcast %get3A_784 : f32 to vector<64x64xf32>
    %broadcast_in_dim3A_787 = vector.broadcast %jit3A_785 : f32 to vector<64x64xf32>
    %select_n3A_788 = arith.select %eq3A_781, %broadcast_in_dim3A_786, %broadcast_in_dim3A_787 : vector<64x64xi1>, vector<64x64xf32>
    %mul3A_789 = arith.mulf %mul3A_778, %select_n3A_788 : vector<64x64xf32>
    %eq3A_790 = arith.constant 1 : i32
    %eq3A_791 = vector.broadcast %eq3A_790 : i32 to vector<64x64xi32>
    %eq3A_792 = arith.cmpi eq, %select_n3A_664, %eq3A_791 : vector<64x64xi32>
    %get3A_793 = arith.constant 2 : index
    %get3A_794 = arith.constant 1 : index
    %get3A_795 = memref.load %arg2[%get3A_793, %get3A_794] : memref<3x4xf32, #tpu.memory_space<smem>>
    %jit3A_796 = arith.constant 1.000000e+00 : f32
    %broadcast_in_dim3A_797 = vector.broadcast %get3A_795 : f32 to vector<64x64xf32>
    %broadcast_in_dim3A_798 = vector.broadcast %jit3A_796 : f32 to vector<64x64xf32>
    %select_n3A_799 = arith.select %eq3A_792, %broadcast_in_dim3A_797, %broadcast_in_dim3A_798 : vector<64x64xi1>, vector<64x64xf32>
    %mul3A_800 = arith.mulf %mul3A_789, %select_n3A_799 : vector<64x64xf32>
    %eq3A_801 = arith.constant 2 : i32
    %eq3A_802 = vector.broadcast %eq3A_801 : i32 to vector<64x64xi32>
    %eq3A_803 = arith.cmpi eq, %select_n3A_589, %eq3A_802 : vector<64x64xi32>
    %get3A_804 = arith.constant 0 : index
    %get3A_805 = arith.constant 2 : index
    %get3A_806 = memref.load %arg1[%get3A_804, %get3A_805] : memref<3x4xi32, #tpu.memory_space<smem>>
    %jit3A_807 = arith.constant 0 : i32
    %broadcast_in_dim3A_808 = vector.broadcast %get3A_806 : i32 to vector<64x64xi32>
    %broadcast_in_dim3A_809 = vector.broadcast %jit3A_807 : i32 to vector<64x64xi32>
    %select_n3A_810 = arith.select %eq3A_803, %broadcast_in_dim3A_808, %broadcast_in_dim3A_809 : vector<64x64xi1>, vector<64x64xi32>
    %add3A_811 = arith.addi %add3A_767, %select_n3A_810 : vector<64x64xi32>
    %eq3A_812 = arith.constant 2 : i32
    %eq3A_813 = vector.broadcast %eq3A_812 : i32 to vector<64x64xi32>
    %eq3A_814 = arith.cmpi eq, %select_n3A_642, %eq3A_813 : vector<64x64xi32>
    %get3A_815 = arith.constant 1 : index
    %get3A_816 = arith.constant 2 : index
    %get3A_817 = memref.load %arg1[%get3A_815, %get3A_816] : memref<3x4xi32, #tpu.memory_space<smem>>
    %jit3A_818 = arith.constant 0 : i32
    %broadcast_in_dim3A_819 = vector.broadcast %get3A_817 : i32 to vector<64x64xi32>
    %broadcast_in_dim3A_820 = vector.broadcast %jit3A_818 : i32 to vector<64x64xi32>
    %select_n3A_821 = arith.select %eq3A_814, %broadcast_in_dim3A_819, %broadcast_in_dim3A_820 : vector<64x64xi1>, vector<64x64xi32>
    %add3A_822 = arith.addi %add3A_811, %select_n3A_821 : vector<64x64xi32>
    %eq3A_823 = arith.constant 2 : i32
    %eq3A_824 = vector.broadcast %eq3A_823 : i32 to vector<64x64xi32>
    %eq3A_825 = arith.cmpi eq, %select_n3A_664, %eq3A_824 : vector<64x64xi32>
    %get3A_826 = arith.constant 2 : index
    %get3A_827 = arith.constant 2 : index
    %get3A_828 = memref.load %arg1[%get3A_826, %get3A_827] : memref<3x4xi32, #tpu.memory_space<smem>>
    %jit3A_829 = arith.constant 0 : i32
    %broadcast_in_dim3A_830 = vector.broadcast %get3A_828 : i32 to vector<64x64xi32>
    %broadcast_in_dim3A_831 = vector.broadcast %jit3A_829 : i32 to vector<64x64xi32>
    %select_n3A_832 = arith.select %eq3A_825, %broadcast_in_dim3A_830, %broadcast_in_dim3A_831 : vector<64x64xi1>, vector<64x64xi32>
    %add3A_833 = arith.addi %add3A_822, %select_n3A_832 : vector<64x64xi32>
    %eq3A_834 = arith.constant 2 : i32
    %eq3A_835 = vector.broadcast %eq3A_834 : i32 to vector<64x64xi32>
    %eq3A_836 = arith.cmpi eq, %select_n3A_589, %eq3A_835 : vector<64x64xi32>
    %get3A_837 = arith.constant 0 : index
    %get3A_838 = arith.constant 2 : index
    %get3A_839 = memref.load %arg2[%get3A_837, %get3A_838] : memref<3x4xf32, #tpu.memory_space<smem>>
    %jit3A_840 = arith.constant 1.000000e+00 : f32
    %broadcast_in_dim3A_841 = vector.broadcast %get3A_839 : f32 to vector<64x64xf32>
    %broadcast_in_dim3A_842 = vector.broadcast %jit3A_840 : f32 to vector<64x64xf32>
    %select_n3A_843 = arith.select %eq3A_836, %broadcast_in_dim3A_841, %broadcast_in_dim3A_842 : vector<64x64xi1>, vector<64x64xf32>
    %mul3A_844 = arith.mulf %mul3A_800, %select_n3A_843 : vector<64x64xf32>
    %eq3A_845 = arith.constant 2 : i32
    %eq3A_846 = vector.broadcast %eq3A_845 : i32 to vector<64x64xi32>
    %eq3A_847 = arith.cmpi eq, %select_n3A_642, %eq3A_846 : vector<64x64xi32>
    %get3A_848 = arith.constant 1 : index
    %get3A_849 = arith.constant 2 : index
    %get3A_850 = memref.load %arg2[%get3A_848, %get3A_849] : memref<3x4xf32, #tpu.memory_space<smem>>
    %jit3A_851 = arith.constant 1.000000e+00 : f32
    %broadcast_in_dim3A_852 = vector.broadcast %get3A_850 : f32 to vector<64x64xf32>
    %broadcast_in_dim3A_853 = vector.broadcast %jit3A_851 : f32 to vector<64x64xf32>
    %select_n3A_854 = arith.select %eq3A_847, %broadcast_in_dim3A_852, %broadcast_in_dim3A_853 : vector<64x64xi1>, vector<64x64xf32>
    %mul3A_855 = arith.mulf %mul3A_844, %select_n3A_854 : vector<64x64xf32>
    %eq3A_856 = arith.constant 2 : i32
    %eq3A_857 = vector.broadcast %eq3A_856 : i32 to vector<64x64xi32>
    %eq3A_858 = arith.cmpi eq, %select_n3A_664, %eq3A_857 : vector<64x64xi32>
    %get3A_859 = arith.constant 2 : index
    %get3A_860 = arith.constant 2 : index
    %get3A_861 = memref.load %arg2[%get3A_859, %get3A_860] : memref<3x4xf32, #tpu.memory_space<smem>>
    %jit3A_862 = arith.constant 1.000000e+00 : f32
    %broadcast_in_dim3A_863 = vector.broadcast %get3A_861 : f32 to vector<64x64xf32>
    %broadcast_in_dim3A_864 = vector.broadcast %jit3A_862 : f32 to vector<64x64xf32>
    %select_n3A_865 = arith.select %eq3A_858, %broadcast_in_dim3A_863, %broadcast_in_dim3A_864 : vector<64x64xi1>, vector<64x64xf32>
    %mul3A_866 = arith.mulf %mul3A_855, %select_n3A_865 : vector<64x64xf32>
    %eq3A_867 = arith.constant 3 : i32
    %eq3A_868 = vector.broadcast %eq3A_867 : i32 to vector<64x64xi32>
    %eq3A_869 = arith.cmpi eq, %select_n3A_589, %eq3A_868 : vector<64x64xi32>
    %get3A_870 = arith.constant 0 : index
    %get3A_871 = arith.constant 3 : index
    %get3A_872 = memref.load %arg1[%get3A_870, %get3A_871] : memref<3x4xi32, #tpu.memory_space<smem>>
    %jit3A_873 = arith.constant 0 : i32
    %broadcast_in_dim3A_874 = vector.broadcast %get3A_872 : i32 to vector<64x64xi32>
    %broadcast_in_dim3A_875 = vector.broadcast %jit3A_873 : i32 to vector<64x64xi32>
    %select_n3A_876 = arith.select %eq3A_869, %broadcast_in_dim3A_874, %broadcast_in_dim3A_875 : vector<64x64xi1>, vector<64x64xi32>
    %add3A_877 = arith.addi %add3A_833, %select_n3A_876 : vector<64x64xi32>
    %eq3A_878 = arith.constant 3 : i32
    %eq3A_879 = vector.broadcast %eq3A_878 : i32 to vector<64x64xi32>
    %eq3A_880 = arith.cmpi eq, %select_n3A_642, %eq3A_879 : vector<64x64xi32>
    %get3A_881 = arith.constant 1 : index
    %get3A_882 = arith.constant 3 : index
    %get3A_883 = memref.load %arg1[%get3A_881, %get3A_882] : memref<3x4xi32, #tpu.memory_space<smem>>
    %jit3A_884 = arith.constant 0 : i32
    %broadcast_in_dim3A_885 = vector.broadcast %get3A_883 : i32 to vector<64x64xi32>
    %broadcast_in_dim3A_886 = vector.broadcast %jit3A_884 : i32 to vector<64x64xi32>
    %select_n3A_887 = arith.select %eq3A_880, %broadcast_in_dim3A_885, %broadcast_in_dim3A_886 : vector<64x64xi1>, vector<64x64xi32>
    %add3A_888 = arith.addi %add3A_877, %select_n3A_887 : vector<64x64xi32>
    %eq3A_889 = arith.constant 3 : i32
    %eq3A_890 = vector.broadcast %eq3A_889 : i32 to vector<64x64xi32>
    %eq3A_891 = arith.cmpi eq, %select_n3A_664, %eq3A_890 : vector<64x64xi32>
    %get3A_892 = arith.constant 2 : index
    %get3A_893 = arith.constant 3 : index
    %get3A_894 = memref.load %arg1[%get3A_892, %get3A_893] : memref<3x4xi32, #tpu.memory_space<smem>>
    %jit3A_895 = arith.constant 0 : i32
    %broadcast_in_dim3A_896 = vector.broadcast %get3A_894 : i32 to vector<64x64xi32>
    %broadcast_in_dim3A_897 = vector.broadcast %jit3A_895 : i32 to vector<64x64xi32>
    %select_n3A_898 = arith.select %eq3A_891, %broadcast_in_dim3A_896, %broadcast_in_dim3A_897 : vector<64x64xi1>, vector<64x64xi32>
    %add3A_899 = arith.addi %add3A_888, %select_n3A_898 : vector<64x64xi32>
    %eq3A_900 = arith.constant 3 : i32
    %eq3A_901 = vector.broadcast %eq3A_900 : i32 to vector<64x64xi32>
    %eq3A_902 = arith.cmpi eq, %select_n3A_589, %eq3A_901 : vector<64x64xi32>
    %get3A_903 = arith.constant 0 : index
    %get3A_904 = arith.constant 3 : index
    %get3A_905 = memref.load %arg2[%get3A_903, %get3A_904] : memref<3x4xf32, #tpu.memory_space<smem>>
    %jit3A_906 = arith.constant 1.000000e+00 : f32
    %broadcast_in_dim3A_907 = vector.broadcast %get3A_905 : f32 to vector<64x64xf32>
    %broadcast_in_dim3A_908 = vector.broadcast %jit3A_906 : f32 to vector<64x64xf32>
    %select_n3A_909 = arith.select %eq3A_902, %broadcast_in_dim3A_907, %broadcast_in_dim3A_908 : vector<64x64xi1>, vector<64x64xf32>
    %mul3A_910 = arith.mulf %mul3A_866, %select_n3A_909 : vector<64x64xf32>
    %eq3A_911 = arith.constant 3 : i32
    %eq3A_912 = vector.broadcast %eq3A_911 : i32 to vector<64x64xi32>
    %eq3A_913 = arith.cmpi eq, %select_n3A_642, %eq3A_912 : vector<64x64xi32>
    %get3A_914 = arith.constant 1 : index
    %get3A_915 = arith.constant 3 : index
    %get3A_916 = memref.load %arg2[%get3A_914, %get3A_915] : memref<3x4xf32, #tpu.memory_space<smem>>
    %jit3A_917 = arith.constant 1.000000e+00 : f32
    %broadcast_in_dim3A_918 = vector.broadcast %get3A_916 : f32 to vector<64x64xf32>
    %broadcast_in_dim3A_919 = vector.broadcast %jit3A_917 : f32 to vector<64x64xf32>
    %select_n3A_920 = arith.select %eq3A_913, %broadcast_in_dim3A_918, %broadcast_in_dim3A_919 : vector<64x64xi1>, vector<64x64xf32>
    %mul3A_921 = arith.mulf %mul3A_910, %select_n3A_920 : vector<64x64xf32>
    %eq3A_922 = arith.constant 3 : i32
    %eq3A_923 = vector.broadcast %eq3A_922 : i32 to vector<64x64xi32>
    %eq3A_924 = arith.cmpi eq, %select_n3A_664, %eq3A_923 : vector<64x64xi32>
    %get3A_925 = arith.constant 2 : index
    %get3A_926 = arith.constant 3 : index
    %get3A_927 = memref.load %arg2[%get3A_925, %get3A_926] : memref<3x4xf32, #tpu.memory_space<smem>>
    %jit3A_928 = arith.constant 1.000000e+00 : f32
    %broadcast_in_dim3A_929 = vector.broadcast %get3A_927 : f32 to vector<64x64xf32>
    %broadcast_in_dim3A_930 = vector.broadcast %jit3A_928 : f32 to vector<64x64xf32>
    %select_n3A_931 = arith.select %eq3A_924, %broadcast_in_dim3A_929, %broadcast_in_dim3A_930 : vector<64x64xi1>, vector<64x64xf32>
    %mul3A_932 = arith.mulf %mul3A_921, %select_n3A_931 : vector<64x64xf32>
    %jit3A_933 = arith.constant 64 : i32
    %eq3A_934 = arith.constant 0 : i32
    %eq3A_935 = arith.cmpi eq, %jit3A_933, %eq3A_934 : i32
    %jit3A_936 = arith.constant 1 : i32
    %select_n3A_937 = arith.select %eq3A_935, %jit3A_936, %jit3A_933 : i32
    %rem3A_938 = vector.broadcast %select_n3A_937 : i32 to vector<64x64xi32>
    %rem3A_939 = arith.remsi %add3A_899, %rem3A_938 : vector<64x64xi32>
    %ne3A_940 = arith.constant 0 : i32
    %ne3A_941 = vector.broadcast %ne3A_940 : i32 to vector<64x64xi32>
    %ne3A_942 = arith.cmpi ne, %rem3A_939, %ne3A_941 : vector<64x64xi32>
    %lt3A_943 = arith.constant 0 : i32
    %lt3A_944 = vector.broadcast %lt3A_943 : i32 to vector<64x64xi32>
    %lt3A_945 = arith.cmpi slt, %rem3A_939, %lt3A_944 : vector<64x64xi32>
    %lt3A_946 = arith.constant 0 : i32
    %lt3A_947 = arith.cmpi slt, %select_n3A_937, %lt3A_946 : i32
    %ne3A_948 = vector.broadcast %lt3A_947 : i1 to vector<64x64xi1>
    %ne3A_949 = vector.broadcast %ne3A_948 : vector<64x64xi1> to vector<64x64xi1>
    %ne3A_950 = arith.xori %lt3A_945, %ne3A_949 : vector<64x64xi1>
    %and3A_951 = arith.andi %ne3A_950, %ne3A_942 : vector<64x64xi1>
    %add3A_952 = vector.broadcast %select_n3A_937 : i32 to vector<64x64xi32>
    %add3A_953 = arith.addi %rem3A_939, %add3A_952 : vector<64x64xi32>
    %select_n3A_954 = arith.select %and3A_951, %add3A_953, %rem3A_939 : vector<64x64xi1>, vector<64x64xi32>
    %eq3A_955 = arith.cmpi eq, %select_n3A_954, %iota3A_158 : vector<64x64xi32>
    %convert_element_type3A_956 = arith.extui %eq3A_955 : vector<64x64xi1> to vector<64x64xi32>
    %convert_element_type3A_957 = arith.sitofp %convert_element_type3A_956 : vector<64x64xi32> to vector<64x64xf32>
    %mul3A_958 = arith.mulf %convert_element_type3A_957, %mul3A_932 : vector<64x64xf32>
    %dot_general3A_959 = arith.constant dense<0.000000e+00> : vector<1x64xf32>
    %dot_general3A_960 = tpu.matmul %add3A_149, %mul3A_558, %dot_general3A_959 {dimension_numbers = #tpu.dot_dimension_numbers<[1], [0], [0], [1], [0, 0, 1, 1], [], []>, precision = #tpu.contract_precision<fp32>, transpose_lhs_hint = false} : vector<1x64xf32>, vector<64x64xf32>, vector<1x64xf32> -> vector<1x64xf32>
    %dot_general3A_961 = arith.constant dense<0.000000e+00> : vector<1x64xf32>
    %dot_general3A_962 = tpu.matmul %dot_general3A_156, %mul3A_958, %dot_general3A_961 {dimension_numbers = #tpu.dot_dimension_numbers<[1], [0], [0], [1], [0, 0, 1, 1], [], []>, precision = #tpu.contract_precision<fp32>, transpose_lhs_hint = false} : vector<1x64xf32>, vector<64x64xf32>, vector<1x64xf32> -> vector<1x64xf32>
    %add3A_963 = arith.addf %dot_general3A_960, %dot_general3A_962 : vector<1x64xf32>
    %dot_general3A_964 = arith.constant dense<0.000000e+00> : vector<1x4xf32>
    %dot_general3A_965 = tpu.matmul %broadcast_in_dim3A_139, %dot_general3A_7, %dot_general3A_964 {dimension_numbers = #tpu.dot_dimension_numbers<[1], [0], [0], [1], [0, 0, 1, 1], [], []>, precision = #tpu.contract_precision<fp32>, transpose_lhs_hint = false} : vector<1x64xf32>, vector<64x4xf32>, vector<1x4xf32> -> vector<1x4xf32>
    %div3A_966 = arith.constant 3.276800e+04 : f32
    %div3A_967 = vector.broadcast %div3A_966 : f32 to vector<1x4xf32>
    %div3A_968 = arith.divf %dot_general3A_965, %div3A_967 : vector<1x4xf32>
    %get3A_969 = arith.constant 0 : index
    %get3A_970 = arith.constant 0 : index
    %get3A_971 = vector.load %arg4[%get3A_969, %get3A_970] : memref<1x4xf32, #tpu.memory_space<vmem>>, vector<1x4xf32>
    %mul3A_972 = arith.mulf %div3A_968, %get3A_971 : vector<1x4xf32>
    %reduce_sum3A = vector.shape_cast %mul3A_972 : vector<1x4xf32> to vector<1x1x4xf32>
    %reduce_sum3A_973 = arith.constant dense<0.000000e+00> : vector<1xf32>
    %reduce_sum3A_974 = vector.multi_reduction <add>, %reduce_sum3A, %reduce_sum3A_973 [1, 2] : vector<1x1x4xf32> to vector<1xf32>
    %reduce_sum3A_975 = vector.shape_cast %reduce_sum3A_974 : vector<1xf32> to vector<1x1x1xf32>
    %reduce_sum3A_976 = vector.extract %reduce_sum3A_975[0, 0, 0] : f32 from vector<1x1x1xf32>
    %mul3A_977 = arith.constant 2.000000e-01 : f32
    %mul3A_978 = arith.mulf %mul3A_977, %reduce_sum3A_976 : f32
    %add3A_979 = arith.constant 0.899999976 : f32
    %add3A_980 = arith.addf %add3A_979, %mul3A_978 : f32
    %mul3A_981 = arith.mulf %add3A_963, %add3A_963 : vector<1x64xf32>
    %reduce_sum3A_982 = vector.shape_cast %mul3A_981 : vector<1x64xf32> to vector<1x1x64xf32>
    %reduce_sum3A_983 = arith.constant dense<0.000000e+00> : vector<1xf32>
    %reduce_sum3A_984 = vector.multi_reduction <add>, %reduce_sum3A_982, %reduce_sum3A_983 [1, 2] : vector<1x1x64xf32> to vector<1xf32>
    %reduce_sum3A_985 = vector.shape_cast %reduce_sum3A_984 : vector<1xf32> to vector<1x1x1xf32>
    %reduce_sum3A_986 = vector.extract %reduce_sum3A_985[0, 0, 0] : f32 from vector<1x1x1xf32>
    %sqrt3A = math.sqrt %reduce_sum3A_986 : f32
    %add3A_987 = arith.constant 9.99999993E-9 : f32
    %add3A_988 = arith.addf %sqrt3A, %add3A_987 : f32
    %div3A_989 = vector.broadcast %add3A_988 : f32 to vector<1x64xf32>
    %div3A_990 = arith.divf %add3A_963, %div3A_989 : vector<1x64xf32>
    %get3A_991 = arith.constant 0 : index
    %get3A_992 = arith.constant 0 : index
    %get3A_993 = memref.load %arg3[%get3A_991, %get3A_992] : memref<1x1xf32, #tpu.memory_space<smem>>
    %mul3A_994 = vector.broadcast %get3A_993 : f32 to vector<1x64xf32>
    %mul3A_995 = arith.mulf %div3A_990, %mul3A_994 : vector<1x64xf32>
    %mul3A_996 = vector.broadcast %add3A_980 : f32 to vector<1x64xf32>
    %mul3A_997 = arith.mulf %mul3A_995, %mul3A_996 : vector<1x64xf32>
    %get3A_998 = arith.constant 0 : index
    %get3A_999 = arith.constant 0 : index
    %get3A_1000 = vector.load %arg5[%get3A_998, %get3A_999] : memref<1x64xf32, #tpu.memory_space<vmem>>, vector<1x64xf32>
    %mul3A_1001 = arith.mulf %mul3A_997, %get3A_1000 : vector<1x64xf32>
    %get3A_1002 = arith.constant 0 : index
    %get3A_1003 = arith.constant 0 : index
    %get3A_1004 = vector.load %arg6[%get3A_1002, %get3A_1003] : memref<4x64xf32, #tpu.memory_space<vmem>>, vector<4x64xf32>
    %dot_general3A_1005 = arith.constant dense<0.000000e+00> : vector<1x64xf32>
    %dot_general3A_1006 = tpu.matmul %div3A_968, %get3A_1004, %dot_general3A_1005 {dimension_numbers = #tpu.dot_dimension_numbers<[1], [0], [0], [1], [0, 0, 1, 1], [], []>, precision = #tpu.contract_precision<fp32>, transpose_lhs_hint = false} : vector<1x4xf32>, vector<4x64xf32>, vector<1x64xf32> -> vector<1x64xf32>
    %mul3A_1007 = arith.constant 1.000000e-01 : f32
    %mul3A_1008 = vector.broadcast %mul3A_1007 : f32 to vector<1x64xf32>
    %mul3A_1009 = arith.mulf %mul3A_1008, %dot_general3A_1006 : vector<1x64xf32>
    %add3A_1010 = arith.addf %mul3A_1001, %mul3A_1009 : vector<1x64xf32>
    %swap3A = arith.constant 0 : index
    %swap3A_1011 = arith.constant 0 : index
    %swap3A_1012 = vector.load %arg7[%swap3A, %swap3A_1011] : memref<1x64xf32, #tpu.memory_space<vmem>>, vector<1x64xf32>
    tpu.vector_store %arg7[%swap3A, %swap3A_1011], %add3A_1010 {strides = array<i32>} : memref<1x64xf32, #tpu.memory_space<vmem>>, vector<1x64xf32>,
    return
  }
}

</mosaic_0001>

<sc_bundles>
// kernel: kernel.5.cloned.1.call-start
scs
__scs_entry_jumppad:
0x0: {  	(pc) =	sbr.rel $0x88, $3  }
0x1: {  	(tag) =	ssettag $0x0;
	lr =	simm.s32 $0x1  }
0x2: {  	[smem:$0x3F9A] =	sst lr;
	_ =	strace $0xD0000000  }
0x3: {  	_ = 	snop  }
0x4: {  	_ = 	snop  }
0x5: {  	_ = 	snop  }
0x6: {  	_ = 	snop  }
0x7: {  	_ = 	snop  }
__scs_overlays_trampoline_lowered:
0x8: {  	[smem:$0x3FA9] =	sst s0  }
0x9: {  	[smem:$0x3FAA] =	sst s1  }
0xa: {  	[smem:$0x3FAB] =	sst s2  }
0xb: {  	[smem:$0x3FAC] =	sst s3  }
0xc: {  	[smem:$0x3FAD] =	sst s4  }
0xd: {  	[smem:$0x3FAE] =	sst s5  }
0xe: {  	[smem:$0x3FAF] =	sst s6  }
0xf: {  	[smem:$0x3FB0] =	sst s7  }
0x10: {  	[smem:$0x3FB1] =	sst s8  }
0x11: {  	[smem:$0x3FB2] =	sst s9;
	s0 =	simm.s32 @!p0 $0x0  }
0x12: {  	s1 =	sld [smem:$0x3F98];
	s0 =	simm.s32 @p0 $0x1  }
0x13: {  	[smem:$0x3FB3] =	sst s0;
	s0 =	simm.s32 @!p1 $0x0  }
0x14: {  	s2 =	sld [smem:$0x3F97];
	s0 =	simm.s32 @p1 $0x1  }
0x15: {  	[smem:$0x3FB4] =	sst s0;
	s0 =	simm.s32 @!p2 $0x0  }
0x16: {  	s3 =	sld [smem:$0x3FDB];
	s0 =	simm.s32 @p2 $0x1  }
0x17: {  	s4 =	simm.s32 $0x1BF5;
	[smem:$0x3FB6] =	sst s0  }
0x18: {  	s0 =	sld [smem:$0x3F99];
	_ =	swait.ge [sflag:s4], $0x0  }
0x19: {  	s7 =	sld [smem:$0x3F9A]  }
0x1a: {  	s8 =	sadd.s32 $0xFFFFE003, lr  }
0x1b: {  	s9 =	sadd.s32 $0xFFFFFEF7, lr;
	s5 =	simm.s32 $0xFFFFFFFF;
	p2 =	slt.u32 s8, $0xFFFFF086  }
0x1c: {  	p1 =	slt.u32 s9, $0xF7A;
	s5 =	simm.s32 @!p2 $0x0  }
0x1d: {  	s5 =	simm.s32 @p1 $0x1;
	p0 =	seq.s32 s7, s2  }
0x1e: {  	s7 =	smul.u32 @!p0 $0xF7A, s2;
	p2 =	seq.s32 @!p0 s5, $0x0  }
0x1f: {  	s9 =	smul.u32 $0xF7A, s1;
	s8 =	simm.s32 @!p0 $0x1BF5;
	p2 =	por !p2, p0  }
0x20: {  	[sflag:s8] =	ssyncset.s32 @!p0 $0xFFFFF086;
	s6 =	sadd.s32 @!p0 s3, s7;
	s7 =	simm.s32 @!p0 $0x108  }
0x21: {  	s3 =	sadd.s32 s3, s9;
	s6 =	sadd.s32 @!p0 $0x88, s6;
	s7 =	simm.s32 @p2 $0x1082  }
0x22: {  	[simem:s7], [sflag:s8] =	dma.local @!p0 [hbm:s6], $0xF7A  }
0x23: {  	s9 =	sor.u32 $0xD0000000, s2;
	s6 =	simm.s32 $0x108;
	_ =	swait.ge @!p0 [sflag:s8], $0x0  }
0x24: {  	s3 =	sadd.s32 $0x88, s3;
	s6 =	simm.s32 @!p1 $0x1082;
	[sflag:s4] =	ssyncset.s32 $0xFFFFF086  }
0x25: {  	[simem:s6], [sflag:s4] =	dma.local [hbm:s3], $0xF7A  }
0x26: {  	[smem:$0x3F9A] =	sst s1;
	(tag) =	ssettag s2;
	_ =	strace s9  }
0x27: {  	s1 =	sld [smem:$0x3FAA]  }
0x28: {  	s2 =	sld [smem:$0x3FAB]  }
0x29: {  	s4 =	sld [smem:$0x3FAD]  }
0x2a: {  	p0 =	seq.s32 s5, $0x0;
	s5 =	sld [smem:$0x3FAE]  }
0x2b: {  	s6 =	sld [smem:$0x3FAF]  }
0x2c: {  	s7 =	sld [smem:$0x3FB0]  }
0x2d: {  	s3 =	simm.s32 $0x108;
	s8 =	sld [smem:$0x3FB1]  }
0x2e: {  	s3 =	simm.s32 @!p0 $0x1082;
	s9 =	sld [smem:$0x3FB2]  }
0x2f: {  	lr =	sadd.s32 s0, s3;
	s0 =	sld [smem:$0x3FA9]  }
0x30: {  	s3 =	sld [smem:$0x3FAC]  }
0x31: {  	[smem:$0x3FB5] =	sst s10  }
0x32: {  	s10 =	sld [smem:$0x3FB3];
	_ =	sdelay $0x3  }
0x33: {  	p0 =	seq.s32 s10, $0x1;
	s10 =	sld [smem:$0x3FB5];
	_ =	sdelay $0x3  }
0x34: {  	[smem:$0x3FB5] =	sst s10  }
0x35: {  	s10 =	sld [smem:$0x3FB4];
	_ =	sdelay $0x3  }
0x36: {  	p1 =	seq.s32 s10, $0x1;
	s10 =	sld [smem:$0x3FB5];
	_ =	sdelay $0x3  }
0x37: {  	[smem:$0x3FB5] =	sst s10  }
0x38: {  	s10 =	sld [smem:$0x3FB6]  }
0x39: {  	_ = 	snop;
	(pc) =	sbr.ind lr, $3  }
0x3a: {  	_ = 	snop  }
0x3b: {  	_ = 	snop  }
0x3c: {  	p2 =	seq.s32 s10, $0x1;
	s10 =	sld [smem:$0x3FB5]  }
0x3d: {  	_ =	shalt  }
0x3e: {  	_ =	shalt  }
0x3f: {  	_ =	shalt  }
0x40: {  	_ =	shalt  }
0x41: {  	_ =	shalt  }
0x42: {  	_ =	shalt  }
0x43: {  	_ =	shalt  }
0x44: {  	_ =	shalt  }
0x45: {  	_ =	shalt  }
0x46: {  	_ =	shalt  }
0x47: {  	_ =	shalt  }
0x48: {  	_ =	shalt  }
0x49: {  	_ =	shalt  }
0x4a: {  	_ =	shalt  }
0x4b: {  	_ =	shalt  }
0x4c: {  	_ =	shalt  }
0x4d: {  	_ =	shalt  }
0x4e: {  	_ =	shalt  }
0x4f: {  	_ =	shalt  }
0x50: {  	_ =	shalt  }
0x51: {  	_ =	shalt  }
0x52: {  	_ =	shalt  }
0x53: {  	_ =	shalt  }
0x54: {  	_ =	shalt  }
0x55: {  	_ =	shalt  }
0x56: {  	_ =	shalt  }
0x57: {  	_ =	shalt  }
0x58: {  	_ =	shalt  }
0x59: {  	_ =	shalt  }
0x5a: {  	_ =	shalt  }
0x5b: {  	_ =	shalt  }
0x5c: {  	_ =	shalt  }
0x5d: {  	_ =	shalt  }
0x5e: {  	_ =	shalt  }
0x5f: {  	_ =	shalt  }
0x60: {  	_ =	shalt  }
0x61: {  	_ =	shalt  }
0x62: {  	_ =	shalt  }
0x63: {  	_ =	shalt  }
0x64: {  	_ =	shalt  }
0x65: {  	_ =	shalt  }
0x66: {  	_ =	shalt  }
0x67: {  	_ =	shalt  }
0x68: {  	_ =	shalt  }
0x69: {  	_ =	shalt  }
0x6a: {  	_ =	shalt  }
0x6b: {  	_ =	shalt  }
0x6c: {  	_ =	shalt  }
0x6d: {  	_ =	shalt  }
0x6e: {  	_ =	shalt  }
0x6f: {  	_ =	shalt  }
0x70: {  	_ =	shalt  }
0x71: {  	_ =	shalt  }
0x72: {  	_ =	shalt  }
0x73: {  	_ =	shalt  }
0x74: {  	_ =	shalt  }
0x75: {  	_ =	shalt  }
0x76: {  	_ =	shalt  }
0x77: {  	_ =	shalt  }
0x78: {  	_ =	shalt  }
0x79: {  	_ =	shalt  }
0x7a: {  	_ =	shalt  }
0x7b: {  	_ =	shalt  }
0x7c: {  	_ =	shalt  }
0x7d: {  	_ =	shalt  }
0x7e: {  	_ =	shalt  }
0x7f: {  	_ =	shalt  }
0x80: {  	_ =	shalt  }
0x81: {  	_ =	shalt  }
0x82: {  	_ =	shalt  }
0x83: {  	_ =	shalt  }
0x84: {  	_ =	shalt  }
0x85: {  	_ =	shalt  }
0x86: {  	_ =	shalt  }
0x87: {  	_ =	shalt  }
.Lfunc_end0:
.L_simem_size_0:
called_computation_lowered:
.L_overlay_start_0:
0x88: {  	s2 =	sld [smem:$0x3FD9]  }
0x89: {  	s3 =	sld [smem:$0x3FFE];
	_ =	sdelay $0x1  }
0x8a: {  	s1 =	srdreg.scid  }
0x8b: {  	s0 =	sand.u32 $0x1, s1  }
0x8c: {  	s16 =	sshll.u32 s0, $0xA;
	s2 =	sadd.s32 s3, s2  }
0x8d: {  	s2 =	sadd.s32 s2, s16  }
0x8e: {  	[smem:$0x3FC1] =	sst s2  }
0x8f: {  	_ = 	snop  }
0x90: {  	(tm) =	ssettm $0x1  }
0x91: {  	s17 =	sld [smem:$0x3FFB];
	_ =	sdelay $0x3  }
0x92: {  	_ =	strace s17  }
0x93: {  	s2 =	sld [smem:$0x3FFC];
	_ =	sdelay $0x3  }
0x94: {  	_ =	strace s2  }
0x95: {  	s2 =	sld [smem:$0x3FFD];
	_ =	sdelay $0x3  }
0x96: {  	_ =	strace s2  }
0x97: {  	_ =	strace $0x8FFFFFFF  }
0x98: {  	s18 =	sld [smem:$0x3FDB];
	_ =	sdelay $0x1  }
0x99: {  	s19 =	simm.s32 $_scs_section_size  }
0x9a: {  	s4 =	simm.s32 $_size__tile_overlayer_lowered;
	s5 =	simm.s32 $_tile_overlayer_lowered  }
0x9b: {  	s22 =	simm.s32 $0x1BFF;
	s21 =	sshll.u32 s5, $0x1;
	s2 =	sadd.s32 s19, s18  }
0x9c: {  	s6 =	simm.s32 $0x0;
	s20 =	sshll.u32 s4, $0x1;
	s4 =	sadd.s32 s21, s2  }
0x9d: {  	[timem:s6], [sflag:s22] =	dma.local [hbm:s4], s20  }
0x9e: {  	_ =	swait.ge [sflag:s22], s20  }
0x9f: {  	s3 =	ssub.s32 $0x0, s20;
	[sflag:s22] =	ssyncset.done $0x0  }
0xa0: {  	[sflag:s22] =	ssyncadd.s32 s3;
	_ =	sdelay $0x1  }
0xa1: {  	s23 =	simm.s32 $0x1B8B  }
0xa2: {  	_ =	swait.ge [sflag:s23], $0x1  }
0xa3: {  	[sflag:s23] =	ssyncset.done $0x0  }
0xa4: {  	s25 =	simm.s32 $0x1B8E;
	s24 =	sld [smem:$0x3FFE];
	[sflag:s23] =	ssyncadd.s32 $0xFFFFFFFF  }
0xa5: {  	s26 =	simm.s32 $execute0_lowered;
	[smem:$0x3FD2] =	sst s25  }
0xa6: {  	s4 =	sshll.u32 s26, $0x1;
	_ =	strace $0x80000046;
	[dreg:$0x1] =	wrdreg $0xFFFFFFFF  }
0xa7: {  	s28 =	simm.s32 $_size_execute0_lowered;
	s2 =	sadd.s32 s2, s4;
	[dreg:$0x0] =	wrdreg $0x0  }
0xa8: {  	s4 =	sshll.u32 s28, $0x1;
	[dreg:$0x2] =	wrdreg s2  }
0xa9: {  	[dreg:$0x3] =	wrdreg s4  }
0xaa: {  	[dreg:$0x4] =	wrdreg $0xC0  }
0xab: {  	_ =	task [dreg:s6], $0x5FFFF  }
0xac: {  	[dreg:$0x1] =	wrdreg $0xFFFFFFFF  }
0xad: {  	[dreg:$0x0] =	wrdreg $0x60  }
0xae: {  	[dreg:$0x2] =	wrdreg s24  }
0xaf: {  	[dreg:$0x3] =	wrdreg $0x9  }
0xb0: {  	_ =	task.clear_ibuf [dreg:s6], $0x4FFFF;
	_ =	strace $0x90000046  }
0xb1: {  	s29 =	simm.s32 $0x9;
	_ =	strace $0x80000048  }
0xb2: {  	_ =	swait.ge [sflag:s29], $0x1  }
0xb3: {  	[sflag:s29] =	ssyncadd.s32 $0xFFFFFFFF  }
0xb4: {  	_ =	strace $0x90000048  }
0xb5: {  	_ =	sfence  }
0xb6: {  	s30 =	sld [smem:$0x0];
	_ =	sdelay $0x2  }
0xb7: {  	s31 =	sshll.u32 s1, $0xD;
	s1 =	sshrl.u32 s1, $0x2  }
0xb8: {  	s3 =	sand.u32 $0x4000, s31;
	s1 =	sadd.s32 s1, s30  }
0xb9: {  	s0 =	sor.u32 s3, s0;
	s1 =	sshll.u32 s1, $0x11  }
0xba: {  	s0 =	sor.u32 s1, s0  }
0xbb: {  	s0 =	sadd.s32 $0x8F2B, s0  }
0xbc: {  	[sflag:s0] =	ssyncadd.remote.s32 $0x1  }
0xbd: {  	_ =	sfence.sel $0xFFFF  }
0xbe: {  	[dreg:$0x0] =	wrdreg $0xFFFFFFFF;
	(pc) =	sbr.abs _section_cstart, $3  }
0xbf: {  	[dreg:$0x1] =	wrdreg $0xFFFFFFFF  }
0xc0: {  	_ =	task.clear_ibuf [dreg:s6], $0x2FFFF;
	_ =	strace $0x9FFFFFFF  }
0xc1: {  	(tm) =	ssettm $0x7FFFFFFF  }
tec
execute0_lowered:
.L_overlay_start_1:
0x0: {  	(tag) =	ssettag $0x1  }
0x1: {  	s3 =	rddreg [dreg:$0x0]  }
0x2: {  	s0 =	rddreg [dreg:$0x1]  }
0x3: {  	s2 =	simm.s32 $0x0;
	s4 =	srdreg.scid;
	s1 =	stileid.u32  }
0x4: {  	[smem:$0x7FF] =	sst s2;
	s4 =	sand.u32 $0x1, s4;
	s5 =	sshll.u32 s1, $0x1  }
0x5: {  	s8 =	simm.s32 $0x0;
	_ =	strace $0x80000047;
	s5 =	sor.u32 s4, s5  }
0x6: {  	s4 =	ssub.s32 $0x2, s4;
	s6 =	sshll.u32 s5, $0xB;
	s5 =	sshll.u32 s5, $0x5  }
0x7: {  	s7 =	sshrl.u32 s4, $0x1;
	s6 =	sadd.s32 s6, s3;
	s5 =	sadd.s32 s5, s3  }
0x8: {  	v1 =	vlaneseq.u32;
	s7 =	ssub.s32 s4, s7;
	s3 =	sadd.s32 $0x1400, s6;
	s4 =	sadd.s32 $0x11400, s5  }
0x9: {  	v2 =	vimm.s32 $0x0;
	v0 =	vand.u32 $0x3, v1;
	v1 =	vshrl.u32 v1, $0x2;
	s5 =	smax.u32 s7, $0x1;
	s6 =	simm.s32 $0x1;
	s7 =	simm.s32 $0x4000  }
.LBB2_1:
0xa: {  	[tilespmem:s2], [sflag:$0x1] =	stream.linear.gather [hbm4b:s3+s2], $0x4000, $0x38;
	v7 =	vimm.s32 $0x0;
	v3 =	vimm.s32 $0x0;
	v4 =	vimm.s32 $0x0;
	[tilespmem:$0x4100] =	vst v63  }
0xb: {  	v5 =	vimm.s32 $0x0;
	v8 =	vimm.s32 $0x0;
	v6 =	vimm.s32 $0x0;
	_ =	swait.ge [sflag:s6], $0x4000  }
0xc: {  	v9 =	vimm.s32 $0x0;
	v10 =	vimm.s32 $0x0;
	v11 =	vimm.s32 $0x0;
	[sflag:s6] =	ssyncset.done $0x0  }
0xd: {  	s9 =	simm.s32 $0x200;
	v12 =	vimm.s32 $0x0;
	v13 =	vimm.s32 $0x0;
	v14 =	vimm.s32 $0x0;
	[sflag:s6] =	ssyncadd.s32 $0xFFFFC000  }
.LBB2_2:
0xe: {  	s10 =	sshra.s32 s9, $0x2  }
0xf: {  	v15 =	vld [tilespmem:s10+$0xFFFFFF80]  }
0x10: {  	v16 =	vld [tilespmem:s10+$0x1F80];
	_ =	sdelay $0x2  }
0x11: {  	v9 =	vadd.s32 v13, v9;
	v7 =	vadd.s32 v8, v7  }
0x12: {  	vm0 =	veq.s32 v15, $0x0;
	vm1 =	veq.s32 v15, $0x1;
	vm14 =	veq.s32 v15, $0x2  }
0x13: {  	v56 =	vld [tilespmem:s10+$0x1F90];
	vm15 =	veq.s32 v15, v0;
	vm4 =	veq.s32 v15, v1;
	vm5 =	veq.s32 v16, $0x0  }
0x14: {  	vm6 =	veq.s32 v16, $0x1;
	vm7 =	veq.s32 v16, $0x2;
	vm8 =	veq.s32 v16, v0  }
0x15: {  	v62 =	vld [tilespmem:s10+$0xFFFFFFA0];
	vm9 =	veq.s32 v16, v1;
	v17 =	vnsel vm0, $0x0, v13;
	v18 =	vnsel vm1, $0x0, v13  }
0x16: {  	v51 =	vnsel vm14, $0x0, v13;
	v19 =	vnsel vm15, $0x0, v14;
	v15 =	vsel vm4, $0x1, v2  }
0x17: {  	v52 =	vnsel vm5, $0x0, v8;
	v53 =	vnsel vm6, $0x0, v8;
	v54 =	vnsel vm7, $0x0, v8  }
0x18: {  	v55 =	vnsel vm8, $0x0, v6;
	v16 =	vsel vm9, $0x1, v2;
	vm15 =	veq.s32 v56, $0x0  }
0x19: {  	vm4 =	veq.s32 v56, $0x1;
	vm5 =	veq.s32 v56, $0x2;
	vm6 =	veq.s32 v56, v0  }
0x1a: {  	vm7 =	veq.s32 v56, v1;
	vm8 =	veq.s32 v62, $0x0;
	vm9 =	veq.s32 v62, $0x1  }
0x1b: {  	v27 =	vld [tilespmem:s10+$0xFFFFFFB0];
	v12 =	vadd.s32 v12, v17;
	v11 =	vadd.s32 v11, v18;
	v10 =	vadd.s32 v10, v51  }
0x1c: {  	v13 =	vadd.s32 v13, v19;
	v14 =	vadd.s32 v15, v14;
	v15 =	vld [tilespmem:s10+$0xFFFFFF90];
	v5 =	vadd.s32 v5, v52  }
0x1d: {  	v4 =	vadd.s32 v4, v53;
	v3 =	vadd.s32 v3, v54;
	v8 =	vadd.s32 v8, v55  }
0x1e: {  	v6 =	vadd.s32 v16, v6;
	v9 =	vadd.s32 v13, v9;
	v61 =	vnsel vm15, $0x0, v8  }
0x1f: {  	v63 =	vnsel vm5, $0x0, v8;
	v7 =	vadd.s32 v8, v7;
	v21 =	vnsel vm6, $0x0, v6  }
0x20: {  	vm6 =	veq.s32 v27, $0x0;
	v5 =	vadd.s32 v61, v5;
	v3 =	vadd.s32 v63, v3  }
0x21: {  	vm10 =	veq.s32 v15, $0x0;
	vm11 =	veq.s32 v15, $0x1;
	vm12 =	veq.s32 v15, $0x2  }
0x22: {  	vm13 =	veq.s32 v15, v0;
	vm14 =	veq.s32 v15, v1;
	v57 =	vnsel vm10, $0x0, v13  }
0x23: {  	v33 =	vld [tilespmem:s10+$0x1FB0];
	v58 =	vnsel vm11, $0x0, v13;
	v59 =	vnsel vm12, $0x0, v13;
	v60 =	vnsel vm13, $0x0, v14  }
0x24: {  	v15 =	vsel vm14, $0x1, v2;
	vm10 =	veq.s32 v62, $0x2;
	vm11 =	veq.s32 v62, v0  }
0x25: {  	vm12 =	veq.s32 v62, v1;
	v12 =	vadd.s32 v57, v12;
	v11 =	vadd.s32 v58, v11  }
0x26: {  	v10 =	vadd.s32 v59, v10;
	v13 =	vadd.s32 v13, v60;
	v14 =	vadd.s32 v15, v14  }
0x27: {  	v15 =	vnsel vm4, $0x0, v8;
	v8 =	vadd.s32 v8, v21;
	v26 =	vsel vm12, $0x1, v2  }
0x28: {  	vm12 =	veq.s32 v33, $0x1;
	v4 =	vadd.s32 v15, v4;
	v15 =	vsel vm7, $0x1, v2  }
0x29: {  	v9 =	vadd.s32 v13, v9;
	v22 =	vnsel vm8, $0x0, v13;
	v23 =	vnsel vm9, $0x0, v13  }
0x2a: {  	v41 =	vld [tilespmem:s10+$0x1FC0];
	v24 =	vnsel vm10, $0x0, v13;
	v25 =	vnsel vm11, $0x0, v14;
	v14 =	vadd.s32 v26, v14  }
0x2b: {  	v7 =	vadd.s32 v8, v7;
	vm7 =	veq.s32 v27, $0x1;
	vm8 =	veq.s32 v27, $0x2  }
0x2c: {  	vm9 =	veq.s32 v27, v0;
	vm10 =	veq.s32 v27, v1;
	v6 =	vadd.s32 v15, v6;
	v15 =	vld [tilespmem:s10+$0x1FA0]  }
0x2d: {  	vm11 =	veq.s32 v33, $0x0;
	v12 =	vadd.s32 v22, v12;
	v11 =	vadd.s32 v23, v11  }
0x2e: {  	v10 =	vadd.s32 v24, v10;
	v13 =	vadd.s32 v13, v25;
	v35 =	vnsel vm9, $0x0, v14  }
0x2f: {  	vm9 =	veq.s32 v41, $0x0;
	v32 =	vnsel vm6, $0x0, v13;
	v34 =	vnsel vm8, $0x0, v13  }
0x30: {  	v9 =	vadd.s32 v13, v9;
	v12 =	vadd.s32 v32, v12;
	v10 =	vadd.s32 v34, v10  }
0x31: {  	vm13 =	veq.s32 v15, $0x0;
	vm14 =	veq.s32 v15, $0x1;
	vm15 =	veq.s32 v15, $0x2  }
0x32: {  	vm4 =	veq.s32 v15, v0;
	vm5 =	veq.s32 v15, v1;
	v28 =	vnsel vm13, $0x0, v8  }
0x33: {  	v47 =	vld [tilespmem:s10+$0xFFFFFFD0];
	v29 =	vnsel vm14, $0x0, v8;
	v30 =	vnsel vm15, $0x0, v8;
	v31 =	vnsel vm4, $0x0, v6  }
0x34: {  	v15 =	vsel vm5, $0x1, v2;
	vm13 =	veq.s32 v33, $0x2;
	vm14 =	veq.s32 v33, v0  }
0x35: {  	vm15 =	veq.s32 v33, v1;
	v5 =	vadd.s32 v28, v5;
	v4 =	vadd.s32 v29, v4  }
0x36: {  	v3 =	vadd.s32 v30, v3;
	v8 =	vadd.s32 v8, v31;
	v6 =	vadd.s32 v15, v6  }
0x37: {  	v15 =	vnsel vm7, $0x0, v13;
	v13 =	vadd.s32 v13, v35;
	v40 =	vsel vm15, $0x1, v2  }
0x38: {  	vm15 =	veq.s32 v47, $0x1;
	v11 =	vadd.s32 v15, v11;
	v15 =	vsel vm10, $0x1, v2  }
0x39: {  	v7 =	vadd.s32 v8, v7;
	v36 =	vnsel vm11, $0x0, v8;
	v37 =	vnsel vm12, $0x0, v8  }
0x3a: {  	v55 =	vld [tilespmem:s10+$0xFFFFFFE0];
	v38 =	vnsel vm13, $0x0, v8;
	v39 =	vnsel vm14, $0x0, v6;
	v6 =	vadd.s32 v40, v6  }
0x3b: {  	v9 =	vadd.s32 v13, v9;
	vm10 =	veq.s32 v41, $0x1;
	vm11 =	veq.s32 v41, $0x2  }
0x3c: {  	vm12 =	veq.s32 v41, v0;
	vm13 =	veq.s32 v41, v1;
	v14 =	vadd.s32 v15, v14;
	v15 =	vld [tilespmem:s10+$0xFFFFFFC0]  }
0x3d: {  	vm14 =	veq.s32 v47, $0x0;
	v5 =	vadd.s32 v36, v5;
	v4 =	vadd.s32 v37, v4  }
0x3e: {  	v3 =	vadd.s32 v38, v3;
	v8 =	vadd.s32 v8, v39;
	v49 =	vnsel vm12, $0x0, v6  }
0x3f: {  	vm12 =	veq.s32 v55, $0x0;
	v46 =	vnsel vm9, $0x0, v8;
	v48 =	vnsel vm11, $0x0, v8  }
0x40: {  	v7 =	vadd.s32 v8, v7;
	v5 =	vadd.s32 v46, v5;
	v3 =	vadd.s32 v48, v3  }
0x41: {  	vm4 =	veq.s32 v15, $0x0;
	vm5 =	veq.s32 v15, $0x1;
	vm6 =	veq.s32 v15, $0x2  }
0x42: {  	vm7 =	veq.s32 v15, v0;
	vm8 =	veq.s32 v15, v1;
	v42 =	vnsel vm4, $0x0, v13  }
0x43: {  	v61 =	vld [tilespmem:s10+$0x1FE0];
	v43 =	vnsel vm5, $0x0, v13;
	v44 =	vnsel vm6, $0x0, v13;
	v45 =	vnsel vm7, $0x0, v14  }
0x44: {  	v15 =	vsel vm8, $0x1, v2;
	vm4 =	veq.s32 v47, $0x2;
	vm5 =	veq.s32 v47, v0  }
0x45: {  	vm6 =	veq.s32 v47, v1;
	v12 =	vadd.s32 v42, v12;
	v11 =	vadd.s32 v43, v11  }
0x46: {  	v10 =	vadd.s32 v44, v10;
	v13 =	vadd.s32 v13, v45;
	v14 =	vadd.s32 v15, v14  }
0x47: {  	v15 =	vnsel vm10, $0x0, v8;
	v8 =	vadd.s32 v8, v49;
	v54 =	vsel vm6, $0x1, v2  }
0x48: {  	vm6 =	veq.s32 v61, $0x1;
	v4 =	vadd.s32 v15, v4;
	v15 =	vsel vm13, $0x1, v2  }
0x49: {  	v9 =	vadd.s32 v13, v9;
	v50 =	vnsel vm14, $0x0, v13;
	v51 =	vnsel vm15, $0x0, v13  }
0x4a: {  	v26 =	vld [tilespmem:s10+$0x1FF0];
	v52 =	vnsel vm4, $0x0, v13;
	v53 =	vnsel vm5, $0x0, v14;
	v14 =	vadd.s32 v54, v14  }
0x4b: {  	v7 =	vadd.s32 v8, v7;
	vm13 =	veq.s32 v55, $0x1;
	vm14 =	veq.s32 v55, $0x2  }
0x4c: {  	vm15 =	veq.s32 v55, v0;
	vm4 =	veq.s32 v55, v1;
	v6 =	vadd.s32 v15, v6;
	v15 =	vld [tilespmem:s10+$0x1FD0]  }
0x4d: {  	vm5 =	veq.s32 v61, $0x0;
	v12 =	vadd.s32 v50, v12;
	v11 =	vadd.s32 v51, v11  }
0x4e: {  	v10 =	vadd.s32 v52, v10;
	v13 =	vadd.s32 v13, v53;
	v63 =	vnsel vm15, $0x0, v14  }
0x4f: {  	vm15 =	veq.s32 v26, $0x0;
	v60 =	vnsel vm12, $0x0, v13;
	v62 =	vnsel vm14, $0x0, v13  }
0x50: {  	v9 =	vadd.s32 v13, v9;
	v12 =	vadd.s32 v60, v12;
	v10 =	vadd.s32 v62, v10  }
0x51: {  	vm7 =	veq.s32 v15, $0x0;
	vm8 =	veq.s32 v15, $0x1;
	vm9 =	veq.s32 v15, $0x2  }
0x52: {  	vm10 =	veq.s32 v15, v0;
	vm11 =	veq.s32 v15, v1;
	v56 =	vnsel vm7, $0x0, v8  }
0x53: {  	v32 =	vld [tilespmem:s10+$0x0];
	v57 =	vnsel vm8, $0x0, v8;
	v58 =	vnsel vm9, $0x0, v8;
	v59 =	vnsel vm10, $0x0, v6  }
0x54: {  	v15 =	vsel vm11, $0x1, v2;
	vm7 =	veq.s32 v61, $0x2;
	vm8 =	veq.s32 v61, v0  }
0x55: {  	vm9 =	veq.s32 v61, v1;
	v5 =	vadd.s32 v56, v5;
	v4 =	vadd.s32 v57, v4  }
0x56: {  	v3 =	vadd.s32 v58, v3;
	v8 =	vadd.s32 v8, v59;
	v6 =	vadd.s32 v15, v6  }
0x57: {  	v15 =	vnsel vm13, $0x0, v13;
	v13 =	vadd.s32 v13, v63;
	v25 =	vsel vm9, $0x1, v2  }
0x58: {  	vm9 =	veq.s32 v32, $0x1;
	v11 =	vadd.s32 v15, v11;
	v15 =	vsel vm4, $0x1, v2  }
0x59: {  	v7 =	vadd.s32 v8, v7;
	v21 =	vnsel vm5, $0x0, v8;
	v22 =	vnsel vm6, $0x0, v8  }
0x5a: {  	v40 =	vld [tilespmem:s10+$0x10];
	v23 =	vnsel vm7, $0x0, v8;
	v24 =	vnsel vm8, $0x0, v6;
	v6 =	vadd.s32 v25, v6  }
0x5b: {  	v9 =	vadd.s32 v13, v9;
	vm4 =	veq.s32 v26, $0x1;
	vm5 =	veq.s32 v26, $0x2  }
0x5c: {  	vm6 =	veq.s32 v26, v0;
	vm7 =	veq.s32 v26, v1;
	v14 =	vadd.s32 v15, v14;
	v15 =	vld [tilespmem:s10+$0xFFFFFFF0]  }
0x5d: {  	vm8 =	veq.s32 v32, $0x0;
	v5 =	vadd.s32 v21, v5;
	v4 =	vadd.s32 v22, v4  }
0x5e: {  	v3 =	vadd.s32 v23, v3;
	v8 =	vadd.s32 v8, v24;
	v34 =	vnsel vm6, $0x0, v6  }
0x5f: {  	vm6 =	veq.s32 v40, $0x0;
	v31 =	vnsel vm15, $0x0, v8;
	v33 =	vnsel vm5, $0x0, v8  }
0x60: {  	v7 =	vadd.s32 v8, v7;
	v5 =	vadd.s32 v31, v5;
	v3 =	vadd.s32 v33, v3  }
0x61: {  	vm10 =	veq.s32 v15, $0x0;
	vm11 =	veq.s32 v15, $0x1;
	vm12 =	veq.s32 v15, $0x2  }
0x62: {  	vm13 =	veq.s32 v15, v0;
	vm14 =	veq.s32 v15, v1;
	v27 =	vnsel vm10, $0x0, v13  }
0x63: {  	v46 =	vld [tilespmem:s10+$0x2010];
	v28 =	vnsel vm11, $0x0, v13;
	v29 =	vnsel vm12, $0x0, v13;
	v30 =	vnsel vm13, $0x0, v14  }
0x64: {  	v15 =	vsel vm14, $0x1, v2;
	vm10 =	veq.s32 v32, $0x2;
	vm11 =	veq.s32 v32, v0  }
0x65: {  	vm12 =	veq.s32 v32, v1;
	v12 =	vadd.s32 v27, v12;
	v11 =	vadd.s32 v28, v11  }
0x66: {  	v10 =	vadd.s32 v29, v10;
	v13 =	vadd.s32 v13, v30;
	v14 =	vadd.s32 v15, v14  }
0x67: {  	v15 =	vnsel vm4, $0x0, v8;
	v8 =	vadd.s32 v8, v34;
	v39 =	vsel vm12, $0x1, v2  }
0x68: {  	vm12 =	veq.s32 v46, $0x1;
	v4 =	vadd.s32 v15, v4;
	v15 =	vsel vm7, $0x1, v2  }
0x69: {  	v9 =	vadd.s32 v13, v9;
	v35 =	vnsel vm8, $0x0, v13;
	v36 =	vnsel vm9, $0x0, v13  }
0x6a: {  	v54 =	vld [tilespmem:s10+$0x2020];
	v37 =	vnsel vm10, $0x0, v13;
	v38 =	vnsel vm11, $0x0, v14;
	v14 =	vadd.s32 v39, v14  }
0x6b: {  	v7 =	vadd.s32 v8, v7;
	vm7 =	veq.s32 v40, $0x1;
	vm8 =	veq.s32 v40, $0x2  }
0x6c: {  	vm9 =	veq.s32 v40, v0;
	vm10 =	veq.s32 v40, v1;
	v6 =	vadd.s32 v15, v6;
	v15 =	vld [tilespmem:s10+$0x2000]  }
0x6d: {  	vm11 =	veq.s32 v46, $0x0;
	v12 =	vadd.s32 v35, v12;
	v11 =	vadd.s32 v36, v11  }
0x6e: {  	v10 =	vadd.s32 v37, v10;
	v13 =	vadd.s32 v13, v38;
	v48 =	vnsel vm9, $0x0, v14  }
0x6f: {  	vm9 =	veq.s32 v54, $0x0;
	v45 =	vnsel vm6, $0x0, v13;
	v47 =	vnsel vm8, $0x0, v13  }
0x70: {  	v9 =	vadd.s32 v13, v9;
	v12 =	vadd.s32 v45, v12;
	v10 =	vadd.s32 v47, v10  }
0x71: {  	vm13 =	veq.s32 v15, $0x0;
	vm14 =	veq.s32 v15, $0x1;
	vm15 =	veq.s32 v15, $0x2  }
0x72: {  	vm4 =	veq.s32 v15, v0;
	vm5 =	veq.s32 v15, v1;
	v41 =	vnsel vm13, $0x0, v8  }
0x73: {  	v60 =	vld [tilespmem:s10+$0x30];
	v42 =	vnsel vm14, $0x0, v8;
	v43 =	vnsel vm15, $0x0, v8;
	v44 =	vnsel vm4, $0x0, v6  }
0x74: {  	v15 =	vsel vm5, $0x1, v2;
	vm13 =	veq.s32 v46, $0x2;
	vm14 =	veq.s32 v46, v0  }
0x75: {  	vm15 =	veq.s32 v46, v1;
	v5 =	vadd.s32 v41, v5;
	v4 =	vadd.s32 v42, v4  }
0x76: {  	v3 =	vadd.s32 v43, v3;
	v8 =	vadd.s32 v8, v44;
	v6 =	vadd.s32 v15, v6  }
0x77: {  	v15 =	vnsel vm7, $0x0, v13;
	v13 =	vadd.s32 v13, v48;
	v53 =	vsel vm15, $0x1, v2  }
0x78: {  	vm15 =	veq.s32 v60, $0x1;
	v11 =	vadd.s32 v15, v11;
	v15 =	vsel vm10, $0x1, v2  }
0x79: {  	v7 =	vadd.s32 v8, v7;
	v49 =	vnsel vm11, $0x0, v8;
	v50 =	vnsel vm12, $0x0, v8  }
0x7a: {  	v24 =	vld [tilespmem:s10+$0x40];
	v51 =	vnsel vm13, $0x0, v8;
	v52 =	vnsel vm14, $0x0, v6;
	v6 =	vadd.s32 v53, v6  }
0x7b: {  	v9 =	vadd.s32 v13, v9;
	vm10 =	veq.s32 v54, $0x1;
	vm11 =	veq.s32 v54, $0x2  }
0x7c: {  	vm12 =	veq.s32 v54, v0;
	vm13 =	veq.s32 v54, v1;
	v14 =	vadd.s32 v15, v14;
	v15 =	vld [tilespmem:s10+$0x20]  }
0x7d: {  	vm14 =	veq.s32 v60, $0x0;
	v5 =	vadd.s32 v49, v5;
	v4 =	vadd.s32 v50, v4  }
0x7e: {  	v3 =	vadd.s32 v51, v3;
	v8 =	vadd.s32 v8, v52;
	v62 =	vnsel vm12, $0x0, v6  }
0x7f: {  	vm12 =	veq.s32 v24, $0x0;
	v59 =	vnsel vm9, $0x0, v8;
	v61 =	vnsel vm11, $0x0, v8  }
0x80: {  	v7 =	vadd.s32 v8, v7;
	v5 =	vadd.s32 v59, v5;
	v3 =	vadd.s32 v61, v3  }
0x81: {  	vm4 =	veq.s32 v15, $0x0;
	vm5 =	veq.s32 v15, $0x1;
	vm6 =	veq.s32 v15, $0x2  }
0x82: {  	vm7 =	veq.s32 v15, v0;
	vm8 =	veq.s32 v15, v1;
	v55 =	vnsel vm4, $0x0, v13  }
0x83: {  	v30 =	vld [tilespmem:s10+$0x2040];
	v56 =	vnsel vm5, $0x0, v13;
	v57 =	vnsel vm6, $0x0, v13;
	v58 =	vnsel vm7, $0x0, v14  }
0x84: {  	v15 =	vsel vm8, $0x1, v2;
	vm4 =	veq.s32 v60, $0x2;
	vm5 =	veq.s32 v60, v0  }
0x85: {  	vm6 =	veq.s32 v60, v1;
	v12 =	vadd.s32 v55, v12;
	v11 =	vadd.s32 v56, v11  }
0x86: {  	v10 =	vadd.s32 v57, v10;
	v13 =	vadd.s32 v13, v58;
	v14 =	vadd.s32 v15, v14  }
0x87: {  	v15 =	vnsel vm10, $0x0, v8;
	v8 =	vadd.s32 v8, v62;
	v23 =	vsel vm6, $0x1, v2  }
0x88: {  	vm6 =	veq.s32 v30, $0x1;
	v4 =	vadd.s32 v15, v4;
	v15 =	vsel vm13, $0x1, v2  }
0x89: {  	v9 =	vadd.s32 v13, v9;
	v63 =	vnsel vm14, $0x0, v13;
	v20 =	vnsel vm15, $0x0, v13  }
0x8a: {  	v38 =	vld [tilespmem:s10+$0x2050];
	v21 =	vnsel vm4, $0x0, v13;
	v22 =	vnsel vm5, $0x0, v14;
	v14 =	vadd.s32 v23, v14  }
0x8b: {  	v7 =	vadd.s32 v8, v7;
	vm13 =	veq.s32 v24, $0x1;
	vm14 =	veq.s32 v24, $0x2  }
0x8c: {  	vm15 =	veq.s32 v24, v0;
	vm4 =	veq.s32 v24, v1;
	v6 =	vadd.s32 v15, v6;
	v15 =	vld [tilespmem:s10+$0x2030]  }
0x8d: {  	vm5 =	veq.s32 v30, $0x0;
	v12 =	vadd.s32 v63, v12;
	v11 =	vadd.s32 v20, v11  }
0x8e: {  	v10 =	vadd.s32 v21, v10;
	v13 =	vadd.s32 v13, v22;
	v32 =	vnsel vm15, $0x0, v14  }
0x8f: {  	vm15 =	veq.s32 v38, $0x0;
	v29 =	vnsel vm12, $0x0, v13;
	v31 =	vnsel vm14, $0x0, v13  }
0x90: {  	v9 =	vadd.s32 v13, v9;
	v12 =	vadd.s32 v29, v12;
	v10 =	vadd.s32 v31, v10  }
0x91: {  	vm7 =	veq.s32 v15, $0x0;
	vm8 =	veq.s32 v15, $0x1;
	vm9 =	veq.s32 v15, $0x2  }
0x92: {  	vm10 =	veq.s32 v15, v0;
	vm11 =	veq.s32 v15, v1;
	v25 =	vnsel vm7, $0x0, v8  }
0x93: {  	v44 =	vld [tilespmem:s10+$0x60];
	v26 =	vnsel vm8, $0x0, v8;
	v27 =	vnsel vm9, $0x0, v8;
	v28 =	vnsel vm10, $0x0, v6  }
0x94: {  	v15 =	vsel vm11, $0x1, v2;
	vm7 =	veq.s32 v30, $0x2;
	vm8 =	veq.s32 v30, v0  }
0x95: {  	vm9 =	veq.s32 v30, v1;
	v5 =	vadd.s32 v25, v5;
	v4 =	vadd.s32 v26, v4  }
0x96: {  	v3 =	vadd.s32 v27, v3;
	v8 =	vadd.s32 v8, v28;
	v6 =	vadd.s32 v15, v6  }
0x97: {  	v15 =	vnsel vm13, $0x0, v13;
	v13 =	vadd.s32 v13, v32;
	v37 =	vsel vm9, $0x1, v2  }
0x98: {  	vm9 =	veq.s32 v44, $0x1;
	v11 =	vadd.s32 v15, v11;
	v15 =	vsel vm4, $0x1, v2  }
0x99: {  	v7 =	vadd.s32 v8, v7;
	v33 =	vnsel vm5, $0x0, v8;
	v34 =	vnsel vm6, $0x0, v8  }
0x9a: {  	v52 =	vld [tilespmem:s10+$0x70];
	v35 =	vnsel vm7, $0x0, v8;
	v36 =	vnsel vm8, $0x0, v6;
	v6 =	vadd.s32 v37, v6  }
0x9b: {  	v9 =	vadd.s32 v13, v9;
	vm4 =	veq.s32 v38, $0x1;
	vm5 =	veq.s32 v38, $0x2  }
0x9c: {  	vm6 =	veq.s32 v38, v0;
	vm7 =	veq.s32 v38, v1;
	v14 =	vadd.s32 v15, v14;
	v15 =	vld [tilespmem:s10+$0x50]  }
0x9d: {  	vm8 =	veq.s32 v44, $0x0;
	v5 =	vadd.s32 v33, v5;
	v4 =	vadd.s32 v34, v4  }
0x9e: {  	v3 =	vadd.s32 v35, v3;
	v8 =	vadd.s32 v8, v36;
	v46 =	vnsel vm6, $0x0, v6  }
0x9f: {  	vm6 =	veq.s32 v52, $0x0;
	v43 =	vnsel vm15, $0x0, v8;
	v45 =	vnsel vm5, $0x0, v8  }
0xa0: {  	v7 =	vadd.s32 v8, v7;
	v5 =	vadd.s32 v43, v5;
	v3 =	vadd.s32 v45, v3  }
0xa1: {  	vm10 =	veq.s32 v15, $0x0;
	vm11 =	veq.s32 v15, $0x1;
	vm12 =	veq.s32 v15, $0x2  }
0xa2: {  	vm13 =	veq.s32 v15, v0;
	vm14 =	veq.s32 v15, v1;
	v39 =	vnsel vm10, $0x0, v13  }
0xa3: {  	v57 =	vld [tilespmem:s10+$0x2070];
	v40 =	vnsel vm11, $0x0, v13;
	v41 =	vnsel vm12, $0x0, v13;
	v42 =	vnsel vm13, $0x0, v14  }
0xa4: {  	v15 =	vsel vm14, $0x1, v2;
	vm10 =	veq.s32 v44, $0x2;
	vm11 =	veq.s32 v44, v0  }
0xa5: {  	vm12 =	veq.s32 v44, v1;
	v12 =	vadd.s32 v39, v12;
	v11 =	vadd.s32 v40, v11  }
0xa6: {  	v10 =	vadd.s32 v41, v10;
	v13 =	vadd.s32 v13, v42;
	v14 =	vadd.s32 v15, v14  }
0xa7: {  	v15 =	vnsel vm4, $0x0, v8;
	v8 =	vadd.s32 v8, v46;
	v51 =	vsel vm12, $0x1, v2  }
0xa8: {  	vm12 =	veq.s32 v57, $0x1;
	v4 =	vadd.s32 v15, v4;
	v15 =	vsel vm7, $0x1, v2  }
0xa9: {  	v9 =	vadd.s32 v13, v9;
	v47 =	vnsel vm8, $0x0, v13;
	v48 =	vnsel vm9, $0x0, v13  }
0xaa: {  	v49 =	vnsel vm10, $0x0, v13;
	v50 =	vnsel vm11, $0x0, v14;
	v14 =	vadd.s32 v51, v14  }
0xab: {  	v7 =	vadd.s32 v8, v7;
	vm7 =	veq.s32 v52, $0x1;
	v6 =	vadd.s32 v15, v6;
	v15 =	vld [tilespmem:s10+$0x2060]  }
0xac: {  	vm8 =	veq.s32 v52, $0x2;
	vm9 =	veq.s32 v52, v0;
	vm10 =	veq.s32 v52, v1  }
0xad: {  	vm11 =	veq.s32 v57, $0x0;
	v12 =	vadd.s32 v47, v12;
	v11 =	vadd.s32 v48, v11  }
0xae: {  	v10 =	vadd.s32 v49, v10;
	v13 =	vadd.s32 v13, v50;
	v60 =	vnsel vm9, $0x0, v14  }
0xaf: {  	v58 =	vnsel vm6, $0x0, v13;
	v59 =	vnsel vm8, $0x0, v13;
	v9 =	vadd.s32 v13, v9  }
0xb0: {  	v12 =	vadd.s32 v58, v12;
	v10 =	vadd.s32 v59, v10;
	vm13 =	veq.s32 v15, $0x0  }
0xb1: {  	vm14 =	veq.s32 v15, $0x1;
	vm15 =	veq.s32 v15, $0x2;
	vm4 =	veq.s32 v15, v0  }
0xb2: {  	vm5 =	veq.s32 v15, v1;
	v53 =	vnsel vm13, $0x0, v8;
	v54 =	vnsel vm14, $0x0, v8  }
0xb3: {  	v55 =	vnsel vm15, $0x0, v8;
	v56 =	vnsel vm4, $0x0, v6;
	v15 =	vsel vm5, $0x1, v2  }
0xb4: {  	vm13 =	veq.s32 v57, $0x2;
	vm14 =	veq.s32 v57, v0;
	vm15 =	veq.s32 v57, v1  }
0xb5: {  	v5 =	vadd.s32 v53, v5;
	v4 =	vadd.s32 v54, v4;
	v3 =	vadd.s32 v55, v3  }
0xb6: {  	p0 =	sne.s32 s9, $0x7E00;
	v8 =	vadd.s32 v8, v56;
	v6 =	vadd.s32 v15, v6;
	v15 =	vnsel vm7, $0x0, v13  }
.Ltmp0:
0xb7: {  	v13 =	vadd.s32 v13, v60;
	v11 =	vadd.s32 v15, v11;
	v15 =	vsel vm10, $0x1, v2;
	(pc) =	sbr.rel @p0 .LBB2_2-.Ltmp0, $4  }
0xb8: {  	v61 =	vnsel vm11, $0x0, v8;
	v62 =	vnsel vm12, $0x0, v8;
	v63 =	vnsel vm14, $0x0, v6  }
0xb9: {  	v7 =	vadd.s32 v8, v7;
	v14 =	vadd.s32 v15, v14;
	v15 =	vnsel vm13, $0x0, v8  }
0xba: {  	v5 =	vadd.s32 v61, v5;
	v3 =	vadd.s32 v15, v3;
	v15 =	vsel vm15, $0x1, v2  }
0xbb: {  	s9 =	sadd.s32 $0x400, s9;
	v4 =	vadd.s32 v62, v4;
	v8 =	vadd.s32 v8, v63;
	v6 =	vadd.s32 v15, v6  }
0xbc: {  	[tilespmem:$0x4000] =	vst v14  }
0xbd: {  	[tilespmem:$0x4010] =	vst v13  }
0xbe: {  	[tilespmem:$0x4020] =	vst v12  }
0xbf: {  	[tilespmem:$0x4030] =	vst v11  }
0xc0: {  	[tilespmem:$0x4040] =	vst v10  }
0xc1: {  	[tilespmem:$0x4060] =	vst v2  }
0xc2: {  	[tilespmem:$0x4070] =	vst v2  }
0xc3: {  	[tilespmem:$0x4080] =	vst v6  }
0xc4: {  	[tilespmem:$0x4090] =	vst v8  }
0xc5: {  	[tilespmem:$0x40A0] =	vst v5  }
0xc6: {  	[tilespmem:$0x40B0] =	vst v4  }
0xc7: {  	v60 =	vadd.s32 v12, v11;
	[tilespmem:$0x40C0] =	vst v3  }
0xc8: {  	v62 =	vadd.s32 v5, v4;
	[tilespmem:$0x40E0] =	vst v2;
	v61 =	vadd.s32 v10, v60  }
0xc9: {  	[tilespmem:$0x40F0] =	vst v2;
	s8 =	sadd.s32 $0x1, s8;
	v63 =	vadd.s32 v3, v62;
	v9 =	vsub.s32 v9, v61  }
0xca: {  	p0 =	sne.s32 s8, s5;
	v3 =	vsub.s32 v7, v63;
	[tilespmem:$0x4050] =	vst v9  }
.Ltmp1:
0xcb: {  	[tilespmem:$0x40D0] =	vst v3;
	(pc) =	sbr.rel @p0 .LBB2_1-.Ltmp1, $4  }
0xcc: {  	[hbm4b:s4+s2] =	stream.linear.scatter [tilespmem:s7], [sflag:$0x1], $0x100, $0x38;
	[tilespmem:$0x4100] =	vst v63  }
0xcd: {  	_ =	swait.ge [sflag:s6], $0x100  }
0xce: {  	[sflag:s6] =	ssyncset.done $0x0  }
0xcf: {  	[sflag:s6] =	ssyncadd.s32 $0xFFFFFF00  }
0xd0: {  	_ =	sfence.sel $0x180000  }
0xd1: {  	[bflag:$0x0] =	sbarrier.arrive $0xFFFF  }
0xd2: {  	p0 =	sne.s32 s1, $0x0;
	_ =	strace $0x90000047  }
0xd3: {  	s0 =	sadd.s32 @!p0 $0x100000, s0;
	[bflag:$0x2] =	sbarrier.arrive $0xFFFF  }
0xd4: {  	[sflag:s0] =	ssyncadd.tile.s32 @!p0 $0x1;
	_ =	shalt  }
.Lfunc_end2:
_tile_overlayer_lowered:
.L_overlay_start_2:
0xd5: {  	(tag) =	ssettag $0x2  }
0xd6: {  	s0 =	rddreg [dreg:$0x0];
	s2 =	stileid.u32  }
0xd7: {  	s1 =	rddreg [dreg:$0x1];
	p0 =	sne.s32 s2, $0x0  }
0xd8: {  	s3 =	rddreg [dreg:$0x2];
	[bflag:$0x3] =	sbarrier.arrive $0xFFFF;
	s2 =	simm.s32 @!p0 $0x1C01  }
0xd9: {  	[timem:s3], [sflag:s2] =	dma.local @!p0 [hbm:s0], s1  }
0xda: {  	s0 =	simm.s32 @!p0 $0x1  }
0xdb: {  	_ =	swait.ge @!p0 [sflag:s0], s1  }
0xdc: {  	s1 =	ssub.s32 @!p0 $0x0, s1;
	[sflag:s0] =	ssyncset.done @!p0 $0x0  }
0xdd: {  	[sflag:s0] =	ssyncadd.s32 @!p0 s1  }
0xde: {  	[bflag:$0x3] =	sbarrier.arrive $0xFFFF  }
0xdf: {  	_ =	shalt  }

</sc_bundles>
